<compile_context>
chip_gen: v7x
topology: tpu7x:2x2x1
jax: 0.10.2.dev20260603
libtpu: 0.0.44.dev20260713+nightly
codegen_flags: <defaults>
</compile_context>

<pallas_src>
import functools

import jax
import jax.numpy as jnp
from jax import lax
from jax.experimental import pallas as pl
from jax.experimental.pallas import tpu as pltpu
from jax.experimental.pallas import tpu_sc as plsc

SP_NEAR_K = 8
M_CENTER = 1024
F32 = jnp.float32
I32 = jnp.int32


def _xla_sum_c(sq3):
    acc = sq3[0]
    for k in range(1, 16):
        acc = acc + sq3[k]
    t = acc[0:4] + acc[4:8]
    t = t[0:2] + t[2:4]
    return t[0:1] + t[1:2]



def _fps_body(x3b_ref, xn_ref, idx_ref, *, b, n):
    lane_n = lax.broadcasted_iota(I32, (1, n), 1)
    lane_m = lax.broadcasted_iota(I32, (1, M_CENTER), 1)

    def body(i, state):
        dists, fars, idxss = state
        idxss = tuple(jnp.where(lane_m == i, fars[bb], idxss[bb])
                      for bb in range(b))
        cens = [None] * b
        for bb in range(b):
            row = xn_ref[pl.ds(fars[bb] + bb * n, 1), :]
            cens[bb] = jnp.transpose(row).reshape(16, 8, 1)
        accs = [None] * b
        for k in range(16):
            for bb in range(b):
                xc = x3b_ref[k, bb * 8:(bb + 1) * 8, :]
                dk = xc - cens[bb][k]
                sqk = dk * dk
                accs[bb] = sqk if accs[bb] is None else accs[bb] + sqk
        new_d, new_f = [], []
        for bb in range(b):
            acc = accs[bb]
            t = acc[0:4] + acc[4:8]
            t = t[0:2] + t[2:4]
            d = t[0:1] + t[1:2]
            dist = jnp.minimum(dists[bb], d)
            mx = jnp.max(dist)
            cand = jnp.where(dist == mx, lane_n, n)
            new_f.append(jnp.min(cand))
            new_d.append(dist)
        return tuple(new_d), tuple(new_f), idxss

    init = (tuple(jnp.full((1, n), 1e10, F32) for _ in range(b)),
            tuple(jnp.zeros((), I32) for _ in range(b)),
            tuple(jnp.zeros((1, M_CENTER), I32) for _ in range(b)))
    _, _, idxss = lax.fori_loop(0, M_CENTER, body, init)
    for bb in range(b):
        idx_ref[bb] = idxss[bb]


def _fps_call(x3b, xn_flat, interpret=False):
    b = xn_flat.shape[0] // x3b.shape[-1]
    n = x3b.shape[-1]
    return pl.pallas_call(
        functools.partial(_fps_body, b=b, n=n),
        in_specs=[
            pl.BlockSpec(x3b.shape, lambda: (0, 0, 0)),
            pl.BlockSpec(xn_flat.shape, lambda: (0, 0)),
        ],
        out_specs=pl.BlockSpec((b, 1, M_CENTER), lambda: (0, 0, 0)),
        out_shape=jax.ShapeDtypeStruct((b, 1, M_CENTER), I32),
        interpret=interpret,
    )(x3b, xn_flat)



def _sc_gather(table, flat_idx, interpret=False):
    v, d = table.shape
    bsz = flat_idx.shape[0]
    nw = 32
    rows_per_w = bsz // nw
    chunks = rows_per_w // 128
    mesh = plsc.VectorSubcoreMesh(core_axis_name="c", subcore_axis_name="s")

    @functools.partial(
        pl.kernel, mesh=mesh, interpret=interpret,
        out_type=jax.ShapeDtypeStruct((bsz, d), F32),
        scratch_types=[
            pltpu.VMEM((128,), I32),
            pltpu.VMEM((128, d), F32),
            pltpu.SemaphoreType.DMA,
        ],
    )
    def k(table_hbm, idx_hbm, out_hbm, idx_v, rows_v, sem):
        wid = lax.axis_index("s") * 2 + lax.axis_index("c")
        for ch in range(chunks):
            base = wid * rows_per_w + ch * 128
            pltpu.sync_copy(idx_hbm.at[pl.ds(base, 128)], idx_v)
            pltpu.async_copy(table_hbm.at[idx_v], rows_v, sem).wait()
            pltpu.sync_copy(rows_v, out_hbm.at[pl.ds(base, 128)])

    return k(table, flat_idx)



def _knn_mix_body(x3_ref, x3s_ref, xsel_ref, xall_ref, fea_ref, w_ref,
                  knn_ref, z1_ref, zc_ref):
    n = x3_ref.shape[-1]
    m = x3s_ref.shape[-1]

    x3 = x3_ref[0]
    x3s = x3s_ref[0]
    sq_all = _xla_sum_c(x3 * x3)
    sq_sel = _xla_sum_c(x3s * x3s)
    sq_sel_col = jnp.transpose(sq_sel)

    a16 = xsel_ref[0].astype(jnp.bfloat16)
    b16 = xall_ref[0].astype(jnp.bfloat16)
    dot = lax.dot_general(a16, b16, (((1,), (1,)), ((), ())),
                          preferred_element_type=F32)
    d = (sq_sel_col + sq_all) - 2.0 * dot

    iota_n = lax.broadcasted_iota(I32, (m, n), 1)
    cols = []
    for _ in range(SP_NEAR_K):
        mn = jnp.min(d, axis=1, keepdims=True)
        cand = jnp.where(d == mn, iota_n, n)
        idx_t = jnp.min(cand, axis=1, keepdims=True)
        d = jnp.where(iota_n == idx_t, jnp.inf, d)
        cols.append(idx_t)
    knn_ref[0] = jnp.concatenate(cols, axis=1)

    fea16 = fea_ref[0].astype(jnp.bfloat16)
    w = w_ref[...]
    c = w.shape[1] // 2
    w1_16 = w[:, 0:c].astype(jnp.bfloat16)
    wc_16 = (w[:, c:2 * c] - w[:, 0:c]).astype(jnp.bfloat16)
    z1_ref[0] = lax.dot_general(fea16, w1_16, (((1,), (1,)), ((), ())),
                                preferred_element_type=F32)
    zc_ref[0] = lax.dot_general(fea16, wc_16, (((1,), (1,)), ((), ())),
                                preferred_element_type=F32)


def _knn_mix_call(x3, x3s, xsel, xall, feaT, w, interpret=False):
    b, _, _, n = x3.shape
    m = x3s.shape[-1]
    co = w.shape[0]
    return pl.pallas_call(
        _knn_mix_body,
        grid=(b,),
        in_specs=[
            pl.BlockSpec((1, 16, 8, n), lambda i: (i, 0, 0, 0)),
            pl.BlockSpec((1, 16, 8, m), lambda i: (i, 0, 0, 0)),
            pl.BlockSpec((1, m, 128), lambda i: (i, 0, 0)),
            pl.BlockSpec((1, n, 128), lambda i: (i, 0, 0)),
            pl.BlockSpec((1, n, 256), lambda i: (i, 0, 0)),
            pl.BlockSpec((co, w.shape[1]), lambda i: (0, 0)),
        ],
        out_specs=[
            pl.BlockSpec((1, m, SP_NEAR_K), lambda i: (i, 0, 0)),
            pl.BlockSpec((1, n, co), lambda i: (i, 0, 0)),
            pl.BlockSpec((1, n, co), lambda i: (i, 0, 0)),
        ],
        out_shape=[
            jax.ShapeDtypeStruct((b, m, SP_NEAR_K), I32),
            jax.ShapeDtypeStruct((b, n, co), F32),
            jax.ShapeDtypeStruct((b, n, co), F32),
        ],
        interpret=interpret,
    )(x3, x3s, xsel, xall, feaT, w)



def _pool_stats_body(g_ref, c_ref, bconv_ref, part_ref, mx_ref, mn_ref):
    g = g_ref[0]
    cb = c_ref[0] + bconv_ref[...]
    y0 = g[0] + cb
    mx = y0
    mn = y0
    s = y0
    ss = y0 * y0
    for k in range(1, SP_NEAR_K):
        yk = g[k] + cb
        mx = jnp.maximum(mx, yk)
        mn = jnp.minimum(mn, yk)
        s = s + yk
        ss = ss + yk * yk
    mx_ref[0] = mx
    mn_ref[0] = mn
    part_ref[0] = jnp.concatenate(
        [jnp.sum(s, axis=0, keepdims=True),
         jnp.sum(ss, axis=0, keepdims=True)], axis=0)


def _pool_stats_call(g4, c4, bconv2, interpret=False):
    b, _, m, co = g4.shape
    return pl.pallas_call(
        _pool_stats_body,
        grid=(b,),
        in_specs=[
            pl.BlockSpec((1, SP_NEAR_K, m, co), lambda i: (i, 0, 0, 0)),
            pl.BlockSpec((1, m, co), lambda i: (i, 0, 0)),
            pl.BlockSpec((1, co), lambda i: (0, 0)),
        ],
        out_specs=[
            pl.BlockSpec((1, 2, co), lambda i: (i, 0, 0)),
            pl.BlockSpec((1, m, co), lambda i: (i, 0, 0)),
            pl.BlockSpec((1, m, co), lambda i: (i, 0, 0)),
        ],
        out_shape=[
            jax.ShapeDtypeStruct((b, 2, co), F32),
            jax.ShapeDtypeStruct((b, m, co), F32),
            jax.ShapeDtypeStruct((b, m, co), F32),
        ],
        interpret=interpret,
    )(g4, c4, bconv2)



def _finalize_body(part_ref, mx_ref, mn_ref, gamma_ref, beta_ref, out_ref,
                   *, count):
    p = part_ref[...]
    s2 = jnp.sum(p[:, 0, :], axis=0, keepdims=True)
    ss2 = jnp.sum(p[:, 1, :], axis=0, keepdims=True)
    mu = s2 / count
    var = ss2 / count - mu * mu
    denom = jnp.sqrt(var + 1e-5)
    gamma = gamma_ref[...]
    beta = beta_ref[...]
    chosen = jnp.where(gamma >= 0.0, mx_ref[0], mn_ref[0])
    t = (chosen - mu) / denom * gamma + beta
    out_ref[0] = jnp.transpose(jax.nn.relu(t))


def _finalize_call(part, mx, mn, gamma2, beta2, interpret=False):
    b, m, co = mx.shape
    count = float(b * m * SP_NEAR_K)
    return pl.pallas_call(
        functools.partial(_finalize_body, count=count),
        grid=(b,),
        in_specs=[
            pl.BlockSpec((b, 2, co), lambda i: (0, 0, 0)),
            pl.BlockSpec((1, m, co), lambda i: (i, 0, 0)),
            pl.BlockSpec((1, m, co), lambda i: (i, 0, 0)),
            pl.BlockSpec((1, co), lambda i: (0, 0)),
            pl.BlockSpec((1, co), lambda i: (0, 0)),
        ],
        out_specs=pl.BlockSpec((1, co, m), lambda i: (i, 0, 0)),
        out_shape=jax.ShapeDtypeStruct((b, co, m), F32),
        interpret=interpret,
    )(part, mx, mn, gamma2, beta2)



def kernel(sparse_fea, stk_coor, n_stk_center, W, bconv, gamma, beta):
    b, n, cc = stk_coor.shape
    co = W.shape[0]
    m = M_CENTER

    x3 = stk_coor.reshape(b, n, 16, 8).transpose(0, 2, 3, 1)
    x3b = stk_coor.reshape(b, n, 16, 8).transpose(2, 0, 3, 1).reshape(16, 8 * b, n)

    fps_idx = _fps_call(x3b, stk_coor.reshape(b * n, cc)).reshape(b, m)
    fps_idx = fps_idx + (jnp.asarray(n_stk_center, I32) - jnp.asarray(m, I32))

    boff = (jnp.arange(b, dtype=I32) * n)[:, None]
    fps_flat = (fps_idx + boff).reshape(b * m)

    stk_sampled = _sc_gather(stk_coor.reshape(b * n, cc), fps_flat)
    stk_sampled = stk_sampled.reshape(b, m, cc)

    x3s = stk_sampled.reshape(b, m, 16, 8).transpose(0, 2, 3, 1)
    feaT = sparse_fea.transpose(0, 2, 1)

    knn_idx, z1t, zct = _knn_mix_call(x3, x3s, stk_sampled, stk_coor, feaT, W)

    knn_km = knn_idx.transpose(0, 2, 1)
    knn_flat = (knn_km + boff[:, :, None]).reshape(b * SP_NEAR_K * m)

    g = _sc_gather(z1t.reshape(b * n, co), knn_flat)
    c = _sc_gather(zct.reshape(b * n, co), fps_flat)
    g4 = g.reshape(b, SP_NEAR_K, m, co)
    c4 = c.reshape(b, m, co)

    part, mx, mn = _pool_stats_call(g4, c4, bconv.reshape(1, co))
    out_fea = _finalize_call(part, mx, mn, gamma.reshape(1, co),
                             beta.reshape(1, co))
    return (out_fea, stk_sampled)

# --- scband reference (transcript-rebuilt; emitter-appended) ---
"""Pipeline reference for scband-down-sample-79310866088285 (READ-ONLY COPY).

The authoritative reference and input builder live on the scoring server;
editing this copy changes nothing except your own understanding.
"""

import jax, jax.numpy as jnp
import numpy as np

SP_NEAR = 8

def index_points(points, idx):
    # points [b, n, c], idx [b, ...] int -> [b, ..., c]
    b = points.shape[0]
    batch = jnp.arange(b).reshape((b,) + (1,) * (idx.ndim - 1))
    return points[batch, idx]

def index_points_cf(points_cf, idx):
    # channel-first: points_cf [b, c, n], idx [b, ...] -> [b, c, ...]
    pts = jnp.transpose(points_cf, (0, 2, 1))
    out = index_points(pts, idx)
    return jnp.moveaxis(out, -1, 1)

def fps(xyz, m):
    # farthest point sampling, deterministic start at index 0
    xyz = jax.lax.stop_gradient(xyz)
    b, n, c = xyz.shape
    def body(i, state):
        dist, farthest, idxs = state
        idxs = idxs.at[:, i].set(farthest)
        centroid = xyz[jnp.arange(b), farthest]
        d = jnp.sum((xyz - centroid[:, None, :]) ** 2, axis=-1)
        dist = jnp.minimum(dist, d)
        farthest = jnp.argmax(dist, axis=-1).astype(jnp.int32)
        return (dist, farthest, idxs)
    init = (jnp.full((b, n), 1e10, jnp.float32), jnp.zeros((b,), jnp.int32), jnp.zeros((b, m), jnp.int32))
    _, _, idxs = jax.lax.fori_loop(0, m, body, init)
    return idxs

def knn(x, k):
    # x [b, n, c] -> idx of k nearest (incl self) [b, n, k]
    x = jax.lax.stop_gradient(x)
    sq = jnp.sum(x * x, axis=-1)
    d = sq[:, :, None] + sq[:, None, :] - 2.0 * jnp.einsum('bnc,bmc->bnm', x, x)
    _, idx = jax.lax.top_k(-d, k)
    return idx

def setup_inputs(seed: int = 0):
    key = jax.random.key(seed)
    k1, k2, k3 = jax.random.split(key, 3)
    bs, sp_in, n_stk, coor_dim, sp_out = 4, 256, 2048, 128, 256
    sparse_fea = jax.random.normal(k1, (bs, sp_in, n_stk), jnp.float32)
    stk_coor = jax.random.normal(k2, (bs, n_stk, coor_dim), jnp.float32)
    W = jax.random.normal(k3, (sp_out, 2 * sp_in), jnp.float32) * (1.0 / np.sqrt(2 * sp_in))
    bconv = jnp.zeros((sp_out,), jnp.float32)
    gamma = jnp.ones((sp_out,), jnp.float32)
    beta = jnp.zeros((sp_out,), jnp.float32)
    return {"sparse_fea": sparse_fea, "stk_coor": stk_coor, "n_stk_center": 1024,
            "W": W, "bconv": bconv, "gamma": gamma, "beta": beta}

N_STK_CENTER = 1024

def reference(sparse_fea, stk_coor, n_stk_center, W, bconv, gamma, beta):
    fps_idx = fps(stk_coor, N_STK_CENTER)                      # [b, m]
    fps_idx = fps_idx + (jnp.asarray(n_stk_center, jnp.int32) - N_STK_CENTER)
    center = index_points_cf(sparse_fea, fps_idx)              # [b, c, m]
    knn_idx_all = knn(stk_coor, SP_NEAR)                       # [b, n, k]
    knn_idx_fps = index_points(knn_idx_all, fps_idx)           # [b, m, k]
    neighbor = index_points_cf(sparse_fea, knn_idx_fps)        # [b, c, m, k]
    assist = neighbor - center[:, :, :, None]
    center_rep = jnp.broadcast_to(center[:, :, :, None], neighbor.shape)
    x = jnp.concatenate([assist, center_rep], axis=1)          # [b, 2c, m, k]
    # eu.MLP dimension=2: 1x1 Conv2d -> BatchNorm2d -> ReLU (dropout identity at eval)
    y = jnp.einsum('oc,bcmk->bomk', W, x) + bconv[None, :, None, None]
    mu = jnp.mean(y, axis=(0, 2, 3), keepdims=True)
    var = jnp.var(y, axis=(0, 2, 3), keepdims=True)
    y = (y - mu) / jnp.sqrt(var + 1e-5)
    y = y * gamma[None, :, None, None] + beta[None, :, None, None]
    y = jax.nn.relu(y)
    out_fea = jnp.max(y, axis=3)                               # [b, sp_out, m]
    stk_coor_sampled = index_points(stk_coor, fps_idx)         # [b, m, coor_dim]
    return (out_fea, stk_coor_sampled)

if __name__ == "__main__":
    import jax
    _d = setup_inputs()
    print(jax.jit(kernel)(*tuple(_d.values())))

</pallas_src>

<mosaic_0001>
#map = affine_map<(d0, d1) -> (0, 0)>
#map1 = affine_map<(d0, d1) -> (0)>
module attributes {stable_mosaic.version = 14 : i64} {
  func.func @k(%arg0: i32, %arg1: i32, %arg2: memref<8192x256xf32, #tpu.memory_space<hbm>>, %arg3: memref<4096xi32, #tpu.memory_space<hbm>>, %arg4: memref<4096x256xf32, #tpu.memory_space<hbm>>, %arg5: memref<128xi32, #tpu.memory_space<vmem>>, %arg6: memref<128x256xf32, #tpu.memory_space<vmem>>, %arg7: memref<!tpu.dma_semaphore, #tpu.memory_space<semaphore_mem>>) attributes {dimension_semantics = [#tpu.dimension_semantics<core_parallel>, #tpu.dimension_semantics<subcore_parallel>], iteration_bounds = array<i64: 2, 16>, scalar_prefetch = 0 : i64, scratch_operands = 3 : i64, tpu.core_type = #tpu.core_type<sc_vector_subcore>, window_params = [{transform_indices = #map}, {transform_indices = #map1}, {transform_indices = #map}]} {
    %mul3A = arith.constant 2 : i32
    %mul3A_0 = arith.muli %arg1, %mul3A : i32
    %add3A = arith.addi %mul3A_0, %arg0 : i32
    %mul3A_1 = arith.constant 128 : i32
    %mul3A_2 = arith.muli %add3A, %mul3A_1 : i32
    %add3A_3 = arith.constant 0 : i32
    %add3A_4 = arith.addi %mul3A_2, %add3A_3 : i32
    "tpu.region"() ({
      %run_scoped3A = tpu.sem_alloc : memref<!tpu.dma_semaphore, #tpu.memory_space<semaphore_mem>>
      %dma_start3A_9 = tpu.memref_slice %arg3[%add3A_4] : memref<4096xi32, #tpu.memory_space<hbm>> -> memref<128xi32, #tpu.memory_space<hbm>>
      %dma_start3A_10 = tpu.memref_slice %arg3[%add3A_4] : memref<4096xi32, #tpu.memory_space<hbm>> -> memref<128xi32, #tpu.memory_space<hbm>>
      tpu.enqueue_dma source(%dma_start3A_10 : memref<128xi32, #tpu.memory_space<hbm>>) target(%arg5 : memref<128xi32, #tpu.memory_space<vmem>>) target_semaphore(%run_scoped3A : memref<!tpu.dma_semaphore, #tpu.memory_space<semaphore_mem>>)
      %dma_wait3A_11 = tpu.memref_slice %arg3[%add3A_4] : memref<4096xi32, #tpu.memory_space<hbm>> -> memref<128xi32, #tpu.memory_space<hbm>>
      %dma_wait3A_12 = tpu.memref_slice %arg3[%add3A_4] : memref<4096xi32, #tpu.memory_space<hbm>> -> memref<128xi32, #tpu.memory_space<hbm>>
      tpu.wait_dma2 semaphore(%run_scoped3A : memref<!tpu.dma_semaphore, #tpu.memory_space<semaphore_mem>>) src(%dma_wait3A_12 : memref<128xi32, #tpu.memory_space<hbm>>) dst(%arg5 : memref<128xi32, #tpu.memory_space<vmem>>)
      tpu.yield
    }) : () -> ()
    %dma_start3A = arith.constant 0 : i32
    %dma_start3A_5 = arith.constant 0 : i32
    %dma_start3A_6 = tpu.memref_slice %arg2[%dma_start3A, %dma_start3A_5] : memref<8192x256xf32, #tpu.memory_space<hbm>> -> memref<8192x256xf32, #tpu.memory_space<hbm>>
    tpu.enqueue_indirect_dma source(%dma_start3A_6 : memref<8192x256xf32, #tpu.memory_space<hbm>>) target(%arg6 : memref<128x256xf32, #tpu.memory_space<vmem>>) offsets(%arg5 : memref<128xi32, #tpu.memory_space<vmem>>) semaphore(%arg7 : memref<!tpu.dma_semaphore, #tpu.memory_space<semaphore_mem>>)
    %dma_wait3A = arith.constant 0 : i32
    %dma_wait3A_7 = arith.constant 0 : i32
    %dma_wait3A_8 = tpu.memref_slice %arg2[%dma_wait3A, %dma_wait3A_7] : memref<8192x256xf32, #tpu.memory_space<hbm>> -> memref<8192x256xf32, #tpu.memory_space<hbm>>
    tpu.wait_indirect_dma semaphore(%arg7 : memref<!tpu.dma_semaphore, #tpu.memory_space<semaphore_mem>>) src(%dma_wait3A_8 : memref<8192x256xf32, #tpu.memory_space<hbm>>) dst(%arg6 : memref<128x256xf32, #tpu.memory_space<vmem>>)
    "tpu.region"() ({
      %run_scoped3A = tpu.sem_alloc : memref<!tpu.dma_semaphore, #tpu.memory_space<semaphore_mem>>
      %dma_start3A_9 = arith.constant 0 : i32
      %dma_start3A_10 = tpu.memref_slice %arg4[%add3A_4, %dma_start3A_9] : memref<4096x256xf32, #tpu.memory_space<hbm>> -> memref<128x256xf32, #tpu.memory_space<hbm>>
      %dma_start3A_11 = arith.constant 0 : i32
      %dma_start3A_12 = tpu.memref_slice %arg4[%add3A_4, %dma_start3A_11] : memref<4096x256xf32, #tpu.memory_space<hbm>> -> memref<128x256xf32, #tpu.memory_space<hbm>>
      tpu.enqueue_dma source(%arg6 : memref<128x256xf32, #tpu.memory_space<vmem>>) target(%dma_start3A_12 : memref<128x256xf32, #tpu.memory_space<hbm>>) target_semaphore(%run_scoped3A : memref<!tpu.dma_semaphore, #tpu.memory_space<semaphore_mem>>)
      %dma_wait3A_13 = arith.constant 0 : i32
      %dma_wait3A_14 = tpu.memref_slice %arg4[%add3A_4, %dma_wait3A_13] : memref<4096x256xf32, #tpu.memory_space<hbm>> -> memref<128x256xf32, #tpu.memory_space<hbm>>
      %dma_wait3A_15 = arith.constant 0 : i32
      %dma_wait3A_16 = tpu.memref_slice %arg4[%add3A_4, %dma_wait3A_15] : memref<4096x256xf32, #tpu.memory_space<hbm>> -> memref<128x256xf32, #tpu.memory_space<hbm>>
      tpu.wait_dma2 semaphore(%run_scoped3A : memref<!tpu.dma_semaphore, #tpu.memory_space<semaphore_mem>>) src(%arg6 : memref<128x256xf32, #tpu.memory_space<vmem>>) dst(%dma_wait3A_16 : memref<128x256xf32, #tpu.memory_space<hbm>>)
      tpu.yield
    }) : () -> ()
    return
  }
}

#map = affine_map<(d0, d1) -> (0, 0)>
#map1 = affine_map<(d0, d1) -> (0)>
module attributes {stable_mosaic.version = 14 : i64} {
  func.func @k(%arg0: i32, %arg1: i32, %arg2: memref<8192x128xf32, #tpu.memory_space<hbm>>, %arg3: memref<4096xi32, #tpu.memory_space<hbm>>, %arg4: memref<4096x128xf32, #tpu.memory_space<hbm>>, %arg5: memref<128xi32, #tpu.memory_space<vmem>>, %arg6: memref<128x128xf32, #tpu.memory_space<vmem>>, %arg7: memref<!tpu.dma_semaphore, #tpu.memory_space<semaphore_mem>>) attributes {dimension_semantics = [#tpu.dimension_semantics<core_parallel>, #tpu.dimension_semantics<subcore_parallel>], iteration_bounds = array<i64: 2, 16>, scalar_prefetch = 0 : i64, scratch_operands = 3 : i64, tpu.core_type = #tpu.core_type<sc_vector_subcore>, window_params = [{transform_indices = #map}, {transform_indices = #map1}, {transform_indices = #map}]} {
    %mul3A = arith.constant 2 : i32
    %mul3A_0 = arith.muli %arg1, %mul3A : i32
    %add3A = arith.addi %mul3A_0, %arg0 : i32
    %mul3A_1 = arith.constant 128 : i32
    %mul3A_2 = arith.muli %add3A, %mul3A_1 : i32
    %add3A_3 = arith.constant 0 : i32
    %add3A_4 = arith.addi %mul3A_2, %add3A_3 : i32
    "tpu.region"() ({
      %run_scoped3A = tpu.sem_alloc : memref<!tpu.dma_semaphore, #tpu.memory_space<semaphore_mem>>
      %dma_start3A_9 = tpu.memref_slice %arg3[%add3A_4] : memref<4096xi32, #tpu.memory_space<hbm>> -> memref<128xi32, #tpu.memory_space<hbm>>
      %dma_start3A_10 = tpu.memref_slice %arg3[%add3A_4] : memref<4096xi32, #tpu.memory_space<hbm>> -> memref<128xi32, #tpu.memory_space<hbm>>
      tpu.enqueue_dma source(%dma_start3A_10 : memref<128xi32, #tpu.memory_space<hbm>>) target(%arg5 : memref<128xi32, #tpu.memory_space<vmem>>) target_semaphore(%run_scoped3A : memref<!tpu.dma_semaphore, #tpu.memory_space<semaphore_mem>>)
      %dma_wait3A_11 = tpu.memref_slice %arg3[%add3A_4] : memref<4096xi32, #tpu.memory_space<hbm>> -> memref<128xi32, #tpu.memory_space<hbm>>
      %dma_wait3A_12 = tpu.memref_slice %arg3[%add3A_4] : memref<4096xi32, #tpu.memory_space<hbm>> -> memref<128xi32, #tpu.memory_space<hbm>>
      tpu.wait_dma2 semaphore(%run_scoped3A : memref<!tpu.dma_semaphore, #tpu.memory_space<semaphore_mem>>) src(%dma_wait3A_12 : memref<128xi32, #tpu.memory_space<hbm>>) dst(%arg5 : memref<128xi32, #tpu.memory_space<vmem>>)
      tpu.yield
    }) : () -> ()
    %dma_start3A = arith.constant 0 : i32
    %dma_start3A_5 = arith.constant 0 : i32
    %dma_start3A_6 = tpu.memref_slice %arg2[%dma_start3A, %dma_start3A_5] : memref<8192x128xf32, #tpu.memory_space<hbm>> -> memref<8192x128xf32, #tpu.memory_space<hbm>>
    tpu.enqueue_indirect_dma source(%dma_start3A_6 : memref<8192x128xf32, #tpu.memory_space<hbm>>) target(%arg6 : memref<128x128xf32, #tpu.memory_space<vmem>>) offsets(%arg5 : memref<128xi32, #tpu.memory_space<vmem>>) semaphore(%arg7 : memref<!tpu.dma_semaphore, #tpu.memory_space<semaphore_mem>>)
    %dma_wait3A = arith.constant 0 : i32
    %dma_wait3A_7 = arith.constant 0 : i32
    %dma_wait3A_8 = tpu.memref_slice %arg2[%dma_wait3A, %dma_wait3A_7] : memref<8192x128xf32, #tpu.memory_space<hbm>> -> memref<8192x128xf32, #tpu.memory_space<hbm>>
    tpu.wait_indirect_dma semaphore(%arg7 : memref<!tpu.dma_semaphore, #tpu.memory_space<semaphore_mem>>) src(%dma_wait3A_8 : memref<8192x128xf32, #tpu.memory_space<hbm>>) dst(%arg6 : memref<128x128xf32, #tpu.memory_space<vmem>>)
    "tpu.region"() ({
      %run_scoped3A = tpu.sem_alloc : memref<!tpu.dma_semaphore, #tpu.memory_space<semaphore_mem>>
      %dma_start3A_9 = arith.constant 0 : i32
      %dma_start3A_10 = tpu.memref_slice %arg4[%add3A_4, %dma_start3A_9] : memref<4096x128xf32, #tpu.memory_space<hbm>> -> memref<128x128xf32, #tpu.memory_space<hbm>>
      %dma_start3A_11 = arith.constant 0 : i32
      %dma_start3A_12 = tpu.memref_slice %arg4[%add3A_4, %dma_start3A_11] : memref<4096x128xf32, #tpu.memory_space<hbm>> -> memref<128x128xf32, #tpu.memory_space<hbm>>
      tpu.enqueue_dma source(%arg6 : memref<128x128xf32, #tpu.memory_space<vmem>>) target(%dma_start3A_12 : memref<128x128xf32, #tpu.memory_space<hbm>>) target_semaphore(%run_scoped3A : memref<!tpu.dma_semaphore, #tpu.memory_space<semaphore_mem>>)
      %dma_wait3A_13 = arith.constant 0 : i32
      %dma_wait3A_14 = tpu.memref_slice %arg4[%add3A_4, %dma_wait3A_13] : memref<4096x128xf32, #tpu.memory_space<hbm>> -> memref<128x128xf32, #tpu.memory_space<hbm>>
      %dma_wait3A_15 = arith.constant 0 : i32
      %dma_wait3A_16 = tpu.memref_slice %arg4[%add3A_4, %dma_wait3A_15] : memref<4096x128xf32, #tpu.memory_space<hbm>> -> memref<128x128xf32, #tpu.memory_space<hbm>>
      tpu.wait_dma2 semaphore(%run_scoped3A : memref<!tpu.dma_semaphore, #tpu.memory_space<semaphore_mem>>) src(%arg6 : memref<128x128xf32, #tpu.memory_space<vmem>>) dst(%dma_wait3A_16 : memref<128x128xf32, #tpu.memory_space<hbm>>)
      tpu.yield
    }) : () -> ()
    return
  }
}

#map = affine_map<(d0, d1) -> (0, 0)>
#map1 = affine_map<(d0, d1) -> (0)>
module attributes {stable_mosaic.version = 14 : i64} {
  func.func @k(%arg0: i32, %arg1: i32, %arg2: memref<8192x256xf32, #tpu.memory_space<hbm>>, %arg3: memref<32768xi32, #tpu.memory_space<hbm>>, %arg4: memref<32768x256xf32, #tpu.memory_space<hbm>>, %arg5: memref<128xi32, #tpu.memory_space<vmem>>, %arg6: memref<128x256xf32, #tpu.memory_space<vmem>>, %arg7: memref<!tpu.dma_semaphore, #tpu.memory_space<semaphore_mem>>) attributes {dimension_semantics = [#tpu.dimension_semantics<core_parallel>, #tpu.dimension_semantics<subcore_parallel>], iteration_bounds = array<i64: 2, 16>, scalar_prefetch = 0 : i64, scratch_operands = 3 : i64, tpu.core_type = #tpu.core_type<sc_vector_subcore>, window_params = [{transform_indices = #map}, {transform_indices = #map1}, {transform_indices = #map}]} {
    %mul3A = arith.constant 2 : i32
    %mul3A_0 = arith.muli %arg1, %mul3A : i32
    %add3A = arith.addi %mul3A_0, %arg0 : i32
    %mul3A_1 = arith.constant 1024 : i32
    %mul3A_2 = arith.muli %add3A, %mul3A_1 : i32
    %add3A_3 = arith.constant 0 : i32
    %add3A_4 = arith.addi %mul3A_2, %add3A_3 : i32
    "tpu.region"() ({
      %run_scoped3A = tpu.sem_alloc : memref<!tpu.dma_semaphore, #tpu.memory_space<semaphore_mem>>
      %dma_start3A_79 = tpu.memref_slice %arg3[%add3A_4] : memref<32768xi32, #tpu.memory_space<hbm>> -> memref<128xi32, #tpu.memory_space<hbm>>
      %dma_start3A_80 = tpu.memref_slice %arg3[%add3A_4] : memref<32768xi32, #tpu.memory_space<hbm>> -> memref<128xi32, #tpu.memory_space<hbm>>
      tpu.enqueue_dma source(%dma_start3A_80 : memref<128xi32, #tpu.memory_space<hbm>>) target(%arg5 : memref<128xi32, #tpu.memory_space<vmem>>) target_semaphore(%run_scoped3A : memref<!tpu.dma_semaphore, #tpu.memory_space<semaphore_mem>>)
      %dma_wait3A_81 = tpu.memref_slice %arg3[%add3A_4] : memref<32768xi32, #tpu.memory_space<hbm>> -> memref<128xi32, #tpu.memory_space<hbm>>
      %dma_wait3A_82 = tpu.memref_slice %arg3[%add3A_4] : memref<32768xi32, #tpu.memory_space<hbm>> -> memref<128xi32, #tpu.memory_space<hbm>>
      tpu.wait_dma2 semaphore(%run_scoped3A : memref<!tpu.dma_semaphore, #tpu.memory_space<semaphore_mem>>) src(%dma_wait3A_82 : memref<128xi32, #tpu.memory_space<hbm>>) dst(%arg5 : memref<128xi32, #tpu.memory_space<vmem>>)
      tpu.yield
    }) : () -> ()
    %dma_start3A = arith.constant 0 : i32
    %dma_start3A_5 = arith.constant 0 : i32
    %dma_start3A_6 = tpu.memref_slice %arg2[%dma_start3A, %dma_start3A_5] : memref<8192x256xf32, #tpu.memory_space<hbm>> -> memref<8192x256xf32, #tpu.memory_space<hbm>>
    tpu.enqueue_indirect_dma source(%dma_start3A_6 : memref<8192x256xf32, #tpu.memory_space<hbm>>) target(%arg6 : memref<128x256xf32, #tpu.memory_space<vmem>>) offsets(%arg5 : memref<128xi32, #tpu.memory_space<vmem>>) semaphore(%arg7 : memref<!tpu.dma_semaphore, #tpu.memory_space<semaphore_mem>>)
    %dma_wait3A = arith.constant 0 : i32
    %dma_wait3A_7 = arith.constant 0 : i32
    %dma_wait3A_8 = tpu.memref_slice %arg2[%dma_wait3A, %dma_wait3A_7] : memref<8192x256xf32, #tpu.memory_space<hbm>> -> memref<8192x256xf32, #tpu.memory_space<hbm>>
    tpu.wait_indirect_dma semaphore(%arg7 : memref<!tpu.dma_semaphore, #tpu.memory_space<semaphore_mem>>) src(%dma_wait3A_8 : memref<8192x256xf32, #tpu.memory_space<hbm>>) dst(%arg6 : memref<128x256xf32, #tpu.memory_space<vmem>>)
    "tpu.region"() ({
      %run_scoped3A = tpu.sem_alloc : memref<!tpu.dma_semaphore, #tpu.memory_space<semaphore_mem>>
      %dma_start3A_79 = arith.constant 0 : i32
      %dma_start3A_80 = tpu.memref_slice %arg4[%add3A_4, %dma_start3A_79] : memref<32768x256xf32, #tpu.memory_space<hbm>> -> memref<128x256xf32, #tpu.memory_space<hbm>>
      %dma_start3A_81 = arith.constant 0 : i32
      %dma_start3A_82 = tpu.memref_slice %arg4[%add3A_4, %dma_start3A_81] : memref<32768x256xf32, #tpu.memory_space<hbm>> -> memref<128x256xf32, #tpu.memory_space<hbm>>
      tpu.enqueue_dma source(%arg6 : memref<128x256xf32, #tpu.memory_space<vmem>>) target(%dma_start3A_82 : memref<128x256xf32, #tpu.memory_space<hbm>>) target_semaphore(%run_scoped3A : memref<!tpu.dma_semaphore, #tpu.memory_space<semaphore_mem>>)
      %dma_wait3A_83 = arith.constant 0 : i32
      %dma_wait3A_84 = tpu.memref_slice %arg4[%add3A_4, %dma_wait3A_83] : memref<32768x256xf32, #tpu.memory_space<hbm>> -> memref<128x256xf32, #tpu.memory_space<hbm>>
      %dma_wait3A_85 = arith.constant 0 : i32
      %dma_wait3A_86 = tpu.memref_slice %arg4[%add3A_4, %dma_wait3A_85] : memref<32768x256xf32, #tpu.memory_space<hbm>> -> memref<128x256xf32, #tpu.memory_space<hbm>>
      tpu.wait_dma2 semaphore(%run_scoped3A : memref<!tpu.dma_semaphore, #tpu.memory_space<semaphore_mem>>) src(%arg6 : memref<128x256xf32, #tpu.memory_space<vmem>>) dst(%dma_wait3A_86 : memref<128x256xf32, #tpu.memory_space<hbm>>)
      tpu.yield
    }) : () -> ()
    %mul3A_9 = arith.constant 1024 : i32
    %mul3A_10 = arith.muli %add3A, %mul3A_9 : i32
    %add3A_11 = arith.constant 128 : i32
    %add3A_12 = arith.addi %mul3A_10, %add3A_11 : i32
    "tpu.region"() ({
      %run_scoped3A = tpu.sem_alloc : memref<!tpu.dma_semaphore, #tpu.memory_space<semaphore_mem>>
      %dma_start3A_79 = tpu.memref_slice %arg3[%add3A_12] : memref<32768xi32, #tpu.memory_space<hbm>> -> memref<128xi32, #tpu.memory_space<hbm>>
      %dma_start3A_80 = tpu.memref_slice %arg3[%add3A_12] : memref<32768xi32, #tpu.memory_space<hbm>> -> memref<128xi32, #tpu.memory_space<hbm>>
      tpu.enqueue_dma source(%dma_start3A_80 : memref<128xi32, #tpu.memory_space<hbm>>) target(%arg5 : memref<128xi32, #tpu.memory_space<vmem>>) target_semaphore(%run_scoped3A : memref<!tpu.dma_semaphore, #tpu.memory_space<semaphore_mem>>)
      %dma_wait3A_81 = tpu.memref_slice %arg3[%add3A_12] : memref<32768xi32, #tpu.memory_space<hbm>> -> memref<128xi32, #tpu.memory_space<hbm>>
      %dma_wait3A_82 = tpu.memref_slice %arg3[%add3A_12] : memref<32768xi32, #tpu.memory_space<hbm>> -> memref<128xi32, #tpu.memory_space<hbm>>
      tpu.wait_dma2 semaphore(%run_scoped3A : memref<!tpu.dma_semaphore, #tpu.memory_space<semaphore_mem>>) src(%dma_wait3A_82 : memref<128xi32, #tpu.memory_space<hbm>>) dst(%arg5 : memref<128xi32, #tpu.memory_space<vmem>>)
      tpu.yield
    }) : () -> ()
    %dma_start3A_13 = arith.constant 0 : i32
    %dma_start3A_14 = arith.constant 0 : i32
    %dma_start3A_15 = tpu.memref_slice %arg2[%dma_start3A_13, %dma_start3A_14] : memref<8192x256xf32, #tpu.memory_space<hbm>> -> memref<8192x256xf32, #tpu.memory_space<hbm>>
    tpu.enqueue_indirect_dma source(%dma_start3A_15 : memref<8192x256xf32, #tpu.memory_space<hbm>>) target(%arg6 : memref<128x256xf32, #tpu.memory_space<vmem>>) offsets(%arg5 : memref<128xi32, #tpu.memory_space<vmem>>) semaphore(%arg7 : memref<!tpu.dma_semaphore, #tpu.memory_space<semaphore_mem>>)
    %dma_wait3A_16 = arith.constant 0 : i32
    %dma_wait3A_17 = arith.constant 0 : i32
    %dma_wait3A_18 = tpu.memref_slice %arg2[%dma_wait3A_16, %dma_wait3A_17] : memref<8192x256xf32, #tpu.memory_space<hbm>> -> memref<8192x256xf32, #tpu.memory_space<hbm>>
    tpu.wait_indirect_dma semaphore(%arg7 : memref<!tpu.dma_semaphore, #tpu.memory_space<semaphore_mem>>) src(%dma_wait3A_18 : memref<8192x256xf32, #tpu.memory_space<hbm>>) dst(%arg6 : memref<128x256xf32, #tpu.memory_space<vmem>>)
    "tpu.region"() ({
      %run_scoped3A = tpu.sem_alloc : memref<!tpu.dma_semaphore, #tpu.memory_space<semaphore_mem>>
      %dma_start3A_79 = arith.constant 0 : i32
      %dma_start3A_80 = tpu.memref_slice %arg4[%add3A_12, %dma_start3A_79] : memref<32768x256xf32, #tpu.memory_space<hbm>> -> memref<128x256xf32, #tpu.memory_space<hbm>>
      %dma_start3A_81 = arith.constant 0 : i32
      %dma_start3A_82 = tpu.memref_slice %arg4[%add3A_12, %dma_start3A_81] : memref<32768x256xf32, #tpu.memory_space<hbm>> -> memref<128x256xf32, #tpu.memory_space<hbm>>
      tpu.enqueue_dma source(%arg6 : memref<128x256xf32, #tpu.memory_space<vmem>>) target(%dma_start3A_82 : memref<128x256xf32, #tpu.memory_space<hbm>>) target_semaphore(%run_scoped3A : memref<!tpu.dma_semaphore, #tpu.memory_space<semaphore_mem>>)
      %dma_wait3A_83 = arith.constant 0 : i32
      %dma_wait3A_84 = tpu.memref_slice %arg4[%add3A_12, %dma_wait3A_83] : memref<32768x256xf32, #tpu.memory_space<hbm>> -> memref<128x256xf32, #tpu.memory_space<hbm>>
      %dma_wait3A_85 = arith.constant 0 : i32
      %dma_wait3A_86 = tpu.memref_slice %arg4[%add3A_12, %dma_wait3A_85] : memref<32768x256xf32, #tpu.memory_space<hbm>> -> memref<128x256xf32, #tpu.memory_space<hbm>>
      tpu.wait_dma2 semaphore(%run_scoped3A : memref<!tpu.dma_semaphore, #tpu.memory_space<semaphore_mem>>) src(%arg6 : memref<128x256xf32, #tpu.memory_space<vmem>>) dst(%dma_wait3A_86 : memref<128x256xf32, #tpu.memory_space<hbm>>)
      tpu.yield
    }) : () -> ()
    %mul3A_19 = arith.constant 1024 : i32
    %mul3A_20 = arith.muli %add3A, %mul3A_19 : i32
    %add3A_21 = arith.constant 256 : i32
    %add3A_22 = arith.addi %mul3A_20, %add3A_21 : i32
    "tpu.region"() ({
      %run_scoped3A = tpu.sem_alloc : memref<!tpu.dma_semaphore, #tpu.memory_space<semaphore_mem>>
      %dma_start3A_79 = tpu.memref_slice %arg3[%add3A_22] : memref<32768xi32, #tpu.memory_space<hbm>> -> memref<128xi32, #tpu.memory_space<hbm>>
      %dma_start3A_80 = tpu.memref_slice %arg3[%add3A_22] : memref<32768xi32, #tpu.memory_space<hbm>> -> memref<128xi32, #tpu.memory_space<hbm>>
      tpu.enqueue_dma source(%dma_start3A_80 : memref<128xi32, #tpu.memory_space<hbm>>) target(%arg5 : memref<128xi32, #tpu.memory_space<vmem>>) target_semaphore(%run_scoped3A : memref<!tpu.dma_semaphore, #tpu.memory_space<semaphore_mem>>)
      %dma_wait3A_81 = tpu.memref_slice %arg3[%add3A_22] : memref<32768xi32, #tpu.memory_space<hbm>> -> memref<128xi32, #tpu.memory_space<hbm>>
      %dma_wait3A_82 = tpu.memref_slice %arg3[%add3A_22] : memref<32768xi32, #tpu.memory_space<hbm>> -> memref<128xi32, #tpu.memory_space<hbm>>
      tpu.wait_dma2 semaphore(%run_scoped3A : memref<!tpu.dma_semaphore, #tpu.memory_space<semaphore_mem>>) src(%dma_wait3A_82 : memref<128xi32, #tpu.memory_space<hbm>>) dst(%arg5 : memref<128xi32, #tpu.memory_space<vmem>>)
      tpu.yield
    }) : () -> ()
    %dma_start3A_23 = arith.constant 0 : i32
    %dma_start3A_24 = arith.constant 0 : i32
    %dma_start3A_25 = tpu.memref_slice %arg2[%dma_start3A_23, %dma_start3A_24] : memref<8192x256xf32, #tpu.memory_space<hbm>> -> memref<8192x256xf32, #tpu.memory_space<hbm>>
    tpu.enqueue_indirect_dma source(%dma_start3A_25 : memref<8192x256xf32, #tpu.memory_space<hbm>>) target(%arg6 : memref<128x256xf32, #tpu.memory_space<vmem>>) offsets(%arg5 : memref<128xi32, #tpu.memory_space<vmem>>) semaphore(%arg7 : memref<!tpu.dma_semaphore, #tpu.memory_space<semaphore_mem>>)
    %dma_wait3A_26 = arith.constant 0 : i32
    %dma_wait3A_27 = arith.constant 0 : i32
    %dma_wait3A_28 = tpu.memref_slice %arg2[%dma_wait3A_26, %dma_wait3A_27] : memref<8192x256xf32, #tpu.memory_space<hbm>> -> memref<8192x256xf32, #tpu.memory_space<hbm>>
    tpu.wait_indirect_dma semaphore(%arg7 : memref<!tpu.dma_semaphore, #tpu.memory_space<semaphore_mem>>) src(%dma_wait3A_28 : memref<8192x256xf32, #tpu.memory_space<hbm>>) dst(%arg6 : memref<128x256xf32, #tpu.memory_space<vmem>>)
    "tpu.region"() ({
      %run_scoped3A = tpu.sem_alloc : memref<!tpu.dma_semaphore, #tpu.memory_space<semaphore_mem>>
      %dma_start3A_79 = arith.constant 0 : i32
      %dma_start3A_80 = tpu.memref_slice %arg4[%add3A_22, %dma_start3A_79] : memref<32768x256xf32, #tpu.memory_space<hbm>> -> memref<128x256xf32, #tpu.memory_space<hbm>>
      %dma_start3A_81 = arith.constant 0 : i32
      %dma_start3A_82 = tpu.memref_slice %arg4[%add3A_22, %dma_start3A_81] : memref<32768x256xf32, #tpu.memory_space<hbm>> -> memref<128x256xf32, #tpu.memory_space<hbm>>
      tpu.enqueue_dma source(%arg6 : memref<128x256xf32, #tpu.memory_space<vmem>>) target(%dma_start3A_82 : memref<128x256xf32, #tpu.memory_space<hbm>>) target_semaphore(%run_scoped3A : memref<!tpu.dma_semaphore, #tpu.memory_space<semaphore_mem>>)
      %dma_wait3A_83 = arith.constant 0 : i32
      %dma_wait3A_84 = tpu.memref_slice %arg4[%add3A_22, %dma_wait3A_83] : memref<32768x256xf32, #tpu.memory_space<hbm>> -> memref<128x256xf32, #tpu.memory_space<hbm>>
      %dma_wait3A_85 = arith.constant 0 : i32
      %dma_wait3A_86 = tpu.memref_slice %arg4[%add3A_22, %dma_wait3A_85] : memref<32768x256xf32, #tpu.memory_space<hbm>> -> memref<128x256xf32, #tpu.memory_space<hbm>>
      tpu.wait_dma2 semaphore(%run_scoped3A : memref<!tpu.dma_semaphore, #tpu.memory_space<semaphore_mem>>) src(%arg6 : memref<128x256xf32, #tpu.memory_space<vmem>>) dst(%dma_wait3A_86 : memref<128x256xf32, #tpu.memory_space<hbm>>)
      tpu.yield
    }) : () -> ()
    %mul3A_29 = arith.constant 1024 : i32
    %mul3A_30 = arith.muli %add3A, %mul3A_29 : i32
    %add3A_31 = arith.constant 384 : i32
    %add3A_32 = arith.addi %mul3A_30, %add3A_31 : i32
    "tpu.region"() ({
      %run_scoped3A = tpu.sem_alloc : memref<!tpu.dma_semaphore, #tpu.memory_space<semaphore_mem>>
      %dma_start3A_79 = tpu.memref_slice %arg3[%add3A_32] : memref<32768xi32, #tpu.memory_space<hbm>> -> memref<128xi32, #tpu.memory_space<hbm>>
      %dma_start3A_80 = tpu.memref_slice %arg3[%add3A_32] : memref<32768xi32, #tpu.memory_space<hbm>> -> memref<128xi32, #tpu.memory_space<hbm>>
      tpu.enqueue_dma source(%dma_start3A_80 : memref<128xi32, #tpu.memory_space<hbm>>) target(%arg5 : memref<128xi32, #tpu.memory_space<vmem>>) target_semaphore(%run_scoped3A : memref<!tpu.dma_semaphore, #tpu.memory_space<semaphore_mem>>)
      %dma_wait3A_81 = tpu.memref_slice %arg3[%add3A_32] : memref<32768xi32, #tpu.memory_space<hbm>> -> memref<128xi32, #tpu.memory_space<hbm>>
      %dma_wait3A_82 = tpu.memref_slice %arg3[%add3A_32] : memref<32768xi32, #tpu.memory_space<hbm>> -> memref<128xi32, #tpu.memory_space<hbm>>
      tpu.wait_dma2 semaphore(%run_scoped3A : memref<!tpu.dma_semaphore, #tpu.memory_space<semaphore_mem>>) src(%dma_wait3A_82 : memref<128xi32, #tpu.memory_space<hbm>>) dst(%arg5 : memref<128xi32, #tpu.memory_space<vmem>>)
      tpu.yield
    }) : () -> ()
    %dma_start3A_33 = arith.constant 0 : i32
    %dma_start3A_34 = arith.constant 0 : i32
    %dma_start3A_35 = tpu.memref_slice %arg2[%dma_start3A_33, %dma_start3A_34] : memref<8192x256xf32, #tpu.memory_space<hbm>> -> memref<8192x256xf32, #tpu.memory_space<hbm>>
    tpu.enqueue_indirect_dma source(%dma_start3A_35 : memref<8192x256xf32, #tpu.memory_space<hbm>>) target(%arg6 : memref<128x256xf32, #tpu.memory_space<vmem>>) offsets(%arg5 : memref<128xi32, #tpu.memory_space<vmem>>) semaphore(%arg7 : memref<!tpu.dma_semaphore, #tpu.memory_space<semaphore_mem>>)
    %dma_wait3A_36 = arith.constant 0 : i32
    %dma_wait3A_37 = arith.constant 0 : i32
    %dma_wait3A_38 = tpu.memref_slice %arg2[%dma_wait3A_36, %dma_wait3A_37] : memref<8192x256xf32, #tpu.memory_space<hbm>> -> memref<8192x256xf32, #tpu.memory_space<hbm>>
    tpu.wait_indirect_dma semaphore(%arg7 : memref<!tpu.dma_semaphore, #tpu.memory_space<semaphore_mem>>) src(%dma_wait3A_38 : memref<8192x256xf32, #tpu.memory_space<hbm>>) dst(%arg6 : memref<128x256xf32, #tpu.memory_space<vmem>>)
    "tpu.region"() ({
      %run_scoped3A = tpu.sem_alloc : memref<!tpu.dma_semaphore, #tpu.memory_space<semaphore_mem>>
      %dma_start3A_79 = arith.constant 0 : i32
      %dma_start3A_80 = tpu.memref_slice %arg4[%add3A_32, %dma_start3A_79] : memref<32768x256xf32, #tpu.memory_space<hbm>> -> memref<128x256xf32, #tpu.memory_space<hbm>>
      %dma_start3A_81 = arith.constant 0 : i32
      %dma_start3A_82 = tpu.memref_slice %arg4[%add3A_32, %dma_start3A_81] : memref<32768x256xf32, #tpu.memory_space<hbm>> -> memref<128x256xf32, #tpu.memory_space<hbm>>
      tpu.enqueue_dma source(%arg6 : memref<128x256xf32, #tpu.memory_space<vmem>>) target(%dma_start3A_82 : memref<128x256xf32, #tpu.memory_space<hbm>>) target_semaphore(%run_scoped3A : memref<!tpu.dma_semaphore, #tpu.memory_space<semaphore_mem>>)
      %dma_wait3A_83 = arith.constant 0 : i32
      %dma_wait3A_84 = tpu.memref_slice %arg4[%add3A_32, %dma_wait3A_83] : memref<32768x256xf32, #tpu.memory_space<hbm>> -> memref<128x256xf32, #tpu.memory_space<hbm>>
      %dma_wait3A_85 = arith.constant 0 : i32
      %dma_wait3A_86 = tpu.memref_slice %arg4[%add3A_32, %dma_wait3A_85] : memref<32768x256xf32, #tpu.memory_space<hbm>> -> memref<128x256xf32, #tpu.memory_space<hbm>>
      tpu.wait_dma2 semaphore(%run_scoped3A : memref<!tpu.dma_semaphore, #tpu.memory_space<semaphore_mem>>) src(%arg6 : memref<128x256xf32, #tpu.memory_space<vmem>>) dst(%dma_wait3A_86 : memref<128x256xf32, #tpu.memory_space<hbm>>)
      tpu.yield
    }) : () -> ()
    %mul3A_39 = arith.constant 1024 : i32
    %mul3A_40 = arith.muli %add3A, %mul3A_39 : i32
    %add3A_41 = arith.constant 512 : i32
    %add3A_42 = arith.addi %mul3A_40, %add3A_41 : i32
    "tpu.region"() ({
      %run_scoped3A = tpu.sem_alloc : memref<!tpu.dma_semaphore, #tpu.memory_space<semaphore_mem>>
      %dma_start3A_79 = tpu.memref_slice %arg3[%add3A_42] : memref<32768xi32, #tpu.memory_space<hbm>> -> memref<128xi32, #tpu.memory_space<hbm>>
      %dma_start3A_80 = tpu.memref_slice %arg3[%add3A_42] : memref<32768xi32, #tpu.memory_space<hbm>> -> memref<128xi32, #tpu.memory_space<hbm>>
      tpu.enqueue_dma source(%dma_start3A_80 : memref<128xi32, #tpu.memory_space<hbm>>) target(%arg5 : memref<128xi32, #tpu.memory_space<vmem>>) target_semaphore(%run_scoped3A : memref<!tpu.dma_semaphore, #tpu.memory_space<semaphore_mem>>)
      %dma_wait3A_81 = tpu.memref_slice %arg3[%add3A_42] : memref<32768xi32, #tpu.memory_space<hbm>> -> memref<128xi32, #tpu.memory_space<hbm>>
      %dma_wait3A_82 = tpu.memref_slice %arg3[%add3A_42] : memref<32768xi32, #tpu.memory_space<hbm>> -> memref<128xi32, #tpu.memory_space<hbm>>
      tpu.wait_dma2 semaphore(%run_scoped3A : memref<!tpu.dma_semaphore, #tpu.memory_space<semaphore_mem>>) src(%dma_wait3A_82 : memref<128xi32, #tpu.memory_space<hbm>>) dst(%arg5 : memref<128xi32, #tpu.memory_space<vmem>>)
      tpu.yield
    }) : () -> ()
    %dma_start3A_43 = arith.constant 0 : i32
    %dma_start3A_44 = arith.constant 0 : i32
    %dma_start3A_45 = tpu.memref_slice %arg2[%dma_start3A_43, %dma_start3A_44] : memref<8192x256xf32, #tpu.memory_space<hbm>> -> memref<8192x256xf32, #tpu.memory_space<hbm>>
    tpu.enqueue_indirect_dma source(%dma_start3A_45 : memref<8192x256xf32, #tpu.memory_space<hbm>>) target(%arg6 : memref<128x256xf32, #tpu.memory_space<vmem>>) offsets(%arg5 : memref<128xi32, #tpu.memory_space<vmem>>) semaphore(%arg7 : memref<!tpu.dma_semaphore, #tpu.memory_space<semaphore_mem>>)
    %dma_wait3A_46 = arith.constant 0 : i32
    %dma_wait3A_47 = arith.constant 0 : i32
    %dma_wait3A_48 = tpu.memref_slice %arg2[%dma_wait3A_46, %dma_wait3A_47] : memref<8192x256xf32, #tpu.memory_space<hbm>> -> memref<8192x256xf32, #tpu.memory_space<hbm>>
    tpu.wait_indirect_dma semaphore(%arg7 : memref<!tpu.dma_semaphore, #tpu.memory_space<semaphore_mem>>) src(%dma_wait3A_48 : memref<8192x256xf32, #tpu.memory_space<hbm>>) dst(%arg6 : memref<128x256xf32, #tpu.memory_space<vmem>>)
    "tpu.region"() ({
      %run_scoped3A = tpu.sem_alloc : memref<!tpu.dma_semaphore, #tpu.memory_space<semaphore_mem>>
      %dma_start3A_79 = arith.constant 0 : i32
      %dma_start3A_80 = tpu.memref_slice %arg4[%add3A_42, %dma_start3A_79] : memref<32768x256xf32, #tpu.memory_space<hbm>> -> memref<128x256xf32, #tpu.memory_space<hbm>>
      %dma_start3A_81 = arith.constant 0 : i32
      %dma_start3A_82 = tpu.memref_slice %arg4[%add3A_42, %dma_start3A_81] : memref<32768x256xf32, #tpu.memory_space<hbm>> -> memref<128x256xf32, #tpu.memory_space<hbm>>
      tpu.enqueue_dma source(%arg6 : memref<128x256xf32, #tpu.memory_space<vmem>>) target(%dma_start3A_82 : memref<128x256xf32, #tpu.memory_space<hbm>>) target_semaphore(%run_scoped3A : memref<!tpu.dma_semaphore, #tpu.memory_space<semaphore_mem>>)
      %dma_wait3A_83 = arith.constant 0 : i32
      %dma_wait3A_84 = tpu.memref_slice %arg4[%add3A_42, %dma_wait3A_83] : memref<32768x256xf32, #tpu.memory_space<hbm>> -> memref<128x256xf32, #tpu.memory_space<hbm>>
      %dma_wait3A_85 = arith.constant 0 : i32
      %dma_wait3A_86 = tpu.memref_slice %arg4[%add3A_42, %dma_wait3A_85] : memref<32768x256xf32, #tpu.memory_space<hbm>> -> memref<128x256xf32, #tpu.memory_space<hbm>>
      tpu.wait_dma2 semaphore(%run_scoped3A : memref<!tpu.dma_semaphore, #tpu.memory_space<semaphore_mem>>) src(%arg6 : memref<128x256xf32, #tpu.memory_space<vmem>>) dst(%dma_wait3A_86 : memref<128x256xf32, #tpu.memory_space<hbm>>)
      tpu.yield
    }) : () -> ()
    %mul3A_49 = arith.constant 1024 : i32
    %mul3A_50 = arith.muli %add3A, %mul3A_49 : i32
    %add3A_51 = arith.constant 640 : i32
    %add3A_52 = arith.addi %mul3A_50, %add3A_51 : i32
    "tpu.region"() ({
      %run_scoped3A = tpu.sem_alloc : memref<!tpu.dma_semaphore, #tpu.memory_space<semaphore_mem>>
      %dma_start3A_79 = tpu.memref_slice %arg3[%add3A_52] : memref<32768xi32, #tpu.memory_space<hbm>> -> memref<128xi32, #tpu.memory_space<hbm>>
      %dma_start3A_80 = tpu.memref_slice %arg3[%add3A_52] : memref<32768xi32, #tpu.memory_space<hbm>> -> memref<128xi32, #tpu.memory_space<hbm>>
      tpu.enqueue_dma source(%dma_start3A_80 : memref<128xi32, #tpu.memory_space<hbm>>) target(%arg5 : memref<128xi32, #tpu.memory_space<vmem>>) target_semaphore(%run_scoped3A : memref<!tpu.dma_semaphore, #tpu.memory_space<semaphore_mem>>)
      %dma_wait3A_81 = tpu.memref_slice %arg3[%add3A_52] : memref<32768xi32, #tpu.memory_space<hbm>> -> memref<128xi32, #tpu.memory_space<hbm>>
      %dma_wait3A_82 = tpu.memref_slice %arg3[%add3A_52] : memref<32768xi32, #tpu.memory_space<hbm>> -> memref<128xi32, #tpu.memory_space<hbm>>
      tpu.wait_dma2 semaphore(%run_scoped3A : memref<!tpu.dma_semaphore, #tpu.memory_space<semaphore_mem>>) src(%dma_wait3A_82 : memref<128xi32, #tpu.memory_space<hbm>>) dst(%arg5 : memref<128xi32, #tpu.memory_space<vmem>>)
      tpu.yield
    }) : () -> ()
    %dma_start3A_53 = arith.constant 0 : i32
    %dma_start3A_54 = arith.constant 0 : i32
    %dma_start3A_55 = tpu.memref_slice %arg2[%dma_start3A_53, %dma_start3A_54] : memref<8192x256xf32, #tpu.memory_space<hbm>> -> memref<8192x256xf32, #tpu.memory_space<hbm>>
    tpu.enqueue_indirect_dma source(%dma_start3A_55 : memref<8192x256xf32, #tpu.memory_space<hbm>>) target(%arg6 : memref<128x256xf32, #tpu.memory_space<vmem>>) offsets(%arg5 : memref<128xi32, #tpu.memory_space<vmem>>) semaphore(%arg7 : memref<!tpu.dma_semaphore, #tpu.memory_space<semaphore_mem>>)
    %dma_wait3A_56 = arith.constant 0 : i32
    %dma_wait3A_57 = arith.constant 0 : i32
    %dma_wait3A_58 = tpu.memref_slice %arg2[%dma_wait3A_56, %dma_wait3A_57] : memref<8192x256xf32, #tpu.memory_space<hbm>> -> memref<8192x256xf32, #tpu.memory_space<hbm>>
    tpu.wait_indirect_dma semaphore(%arg7 : memref<!tpu.dma_semaphore, #tpu.memory_space<semaphore_mem>>) src(%dma_wait3A_58 : memref<8192x256xf32, #tpu.memory_space<hbm>>) dst(%arg6 : memref<128x256xf32, #tpu.memory_space<vmem>>)
    "tpu.region"() ({
      %run_scoped3A = tpu.sem_alloc : memref<!tpu.dma_semaphore, #tpu.memory_space<semaphore_mem>>
      %dma_start3A_79 = arith.constant 0 : i32
      %dma_start3A_80 = tpu.memref_slice %arg4[%add3A_52, %dma_start3A_79] : memref<32768x256xf32, #tpu.memory_space<hbm>> -> memref<128x256xf32, #tpu.memory_space<hbm>>
      %dma_start3A_81 = arith.constant 0 : i32
      %dma_start3A_82 = tpu.memref_slice %arg4[%add3A_52, %dma_start3A_81] : memref<32768x256xf32, #tpu.memory_space<hbm>> -> memref<128x256xf32, #tpu.memory_space<hbm>>
      tpu.enqueue_dma source(%arg6 : memref<128x256xf32, #tpu.memory_space<vmem>>) target(%dma_start3A_82 : memref<128x256xf32, #tpu.memory_space<hbm>>) target_semaphore(%run_scoped3A : memref<!tpu.dma_semaphore, #tpu.memory_space<semaphore_mem>>)
      %dma_wait3A_83 = arith.constant 0 : i32
      %dma_wait3A_84 = tpu.memref_slice %arg4[%add3A_52, %dma_wait3A_83] : memref<32768x256xf32, #tpu.memory_space<hbm>> -> memref<128x256xf32, #tpu.memory_space<hbm>>
      %dma_wait3A_85 = arith.constant 0 : i32
      %dma_wait3A_86 = tpu.memref_slice %arg4[%add3A_52, %dma_wait3A_85] : memref<32768x256xf32, #tpu.memory_space<hbm>> -> memref<128x256xf32, #tpu.memory_space<hbm>>
      tpu.wait_dma2 semaphore(%run_scoped3A : memref<!tpu.dma_semaphore, #tpu.memory_space<semaphore_mem>>) src(%arg6 : memref<128x256xf32, #tpu.memory_space<vmem>>) dst(%dma_wait3A_86 : memref<128x256xf32, #tpu.memory_space<hbm>>)
      tpu.yield
    }) : () -> ()
    %mul3A_59 = arith.constant 1024 : i32
    %mul3A_60 = arith.muli %add3A, %mul3A_59 : i32
    %add3A_61 = arith.constant 768 : i32
    %add3A_62 = arith.addi %mul3A_60, %add3A_61 : i32
    "tpu.region"() ({
      %run_scoped3A = tpu.sem_alloc : memref<!tpu.dma_semaphore, #tpu.memory_space<semaphore_mem>>
      %dma_start3A_79 = tpu.memref_slice %arg3[%add3A_62] : memref<32768xi32, #tpu.memory_space<hbm>> -> memref<128xi32, #tpu.memory_space<hbm>>
      %dma_start3A_80 = tpu.memref_slice %arg3[%add3A_62] : memref<32768xi32, #tpu.memory_space<hbm>> -> memref<128xi32, #tpu.memory_space<hbm>>
      tpu.enqueue_dma source(%dma_start3A_80 : memref<128xi32, #tpu.memory_space<hbm>>) target(%arg5 : memref<128xi32, #tpu.memory_space<vmem>>) target_semaphore(%run_scoped3A : memref<!tpu.dma_semaphore, #tpu.memory_space<semaphore_mem>>)
      %dma_wait3A_81 = tpu.memref_slice %arg3[%add3A_62] : memref<32768xi32, #tpu.memory_space<hbm>> -> memref<128xi32, #tpu.memory_space<hbm>>
      %dma_wait3A_82 = tpu.memref_slice %arg3[%add3A_62] : memref<32768xi32, #tpu.memory_space<hbm>> -> memref<128xi32, #tpu.memory_space<hbm>>
      tpu.wait_dma2 semaphore(%run_scoped3A : memref<!tpu.dma_semaphore, #tpu.memory_space<semaphore_mem>>) src(%dma_wait3A_82 : memref<128xi32, #tpu.memory_space<hbm>>) dst(%arg5 : memref<128xi32, #tpu.memory_space<vmem>>)
      tpu.yield
    }) : () -> ()
    %dma_start3A_63 = arith.constant 0 : i32
    %dma_start3A_64 = arith.constant 0 : i32
    %dma_start3A_65 = tpu.memref_slice %arg2[%dma_start3A_63, %dma_start3A_64] : memref<8192x256xf32, #tpu.memory_space<hbm>> -> memref<8192x256xf32, #tpu.memory_space<hbm>>
    tpu.enqueue_indirect_dma source(%dma_start3A_65 : memref<8192x256xf32, #tpu.memory_space<hbm>>) target(%arg6 : memref<128x256xf32, #tpu.memory_space<vmem>>) offsets(%arg5 : memref<128xi32, #tpu.memory_space<vmem>>) semaphore(%arg7 : memref<!tpu.dma_semaphore, #tpu.memory_space<semaphore_mem>>)
    %dma_wait3A_66 = arith.constant 0 : i32
    %dma_wait3A_67 = arith.constant 0 : i32
    %dma_wait3A_68 = tpu.memref_slice %arg2[%dma_wait3A_66, %dma_wait3A_67] : memref<8192x256xf32, #tpu.memory_space<hbm>> -> memref<8192x256xf32, #tpu.memory_space<hbm>>
    tpu.wait_indirect_dma semaphore(%arg7 : memref<!tpu.dma_semaphore, #tpu.memory_space<semaphore_mem>>) src(%dma_wait3A_68 : memref<8192x256xf32, #tpu.memory_space<hbm>>) dst(%arg6 : memref<128x256xf32, #tpu.memory_space<vmem>>)
    "tpu.region"() ({
      %run_scoped3A = tpu.sem_alloc : memref<!tpu.dma_semaphore, #tpu.memory_space<semaphore_mem>>
      %dma_start3A_79 = arith.constant 0 : i32
      %dma_start3A_80 = tpu.memref_slice %arg4[%add3A_62, %dma_start3A_79] : memref<32768x256xf32, #tpu.memory_space<hbm>> -> memref<128x256xf32, #tpu.memory_space<hbm>>
      %dma_start3A_81 = arith.constant 0 : i32
      %dma_start3A_82 = tpu.memref_slice %arg4[%add3A_62, %dma_start3A_81] : memref<32768x256xf32, #tpu.memory_space<hbm>> -> memref<128x256xf32, #tpu.memory_space<hbm>>
      tpu.enqueue_dma source(%arg6 : memref<128x256xf32, #tpu.memory_space<vmem>>) target(%dma_start3A_82 : memref<128x256xf32, #tpu.memory_space<hbm>>) target_semaphore(%run_scoped3A : memref<!tpu.dma_semaphore, #tpu.memory_space<semaphore_mem>>)
      %dma_wait3A_83 = arith.constant 0 : i32
      %dma_wait3A_84 = tpu.memref_slice %arg4[%add3A_62, %dma_wait3A_83] : memref<32768x256xf32, #tpu.memory_space<hbm>> -> memref<128x256xf32, #tpu.memory_space<hbm>>
      %dma_wait3A_85 = arith.constant 0 : i32
      %dma_wait3A_86 = tpu.memref_slice %arg4[%add3A_62, %dma_wait3A_85] : memref<32768x256xf32, #tpu.memory_space<hbm>> -> memref<128x256xf32, #tpu.memory_space<hbm>>
      tpu.wait_dma2 semaphore(%run_scoped3A : memref<!tpu.dma_semaphore, #tpu.memory_space<semaphore_mem>>) src(%arg6 : memref<128x256xf32, #tpu.memory_space<vmem>>) dst(%dma_wait3A_86 : memref<128x256xf32, #tpu.memory_space<hbm>>)
      tpu.yield
    }) : () -> ()
    %mul3A_69 = arith.constant 1024 : i32
    %mul3A_70 = arith.muli %add3A, %mul3A_69 : i32
    %add3A_71 = arith.constant 896 : i32
    %add3A_72 = arith.addi %mul3A_70, %add3A_71 : i32
    "tpu.region"() ({
      %run_scoped3A = tpu.sem_alloc : memref<!tpu.dma_semaphore, #tpu.memory_space<semaphore_mem>>
      %dma_start3A_79 = tpu.memref_slice %arg3[%add3A_72] : memref<32768xi32, #tpu.memory_space<hbm>> -> memref<128xi32, #tpu.memory_space<hbm>>
      %dma_start3A_80 = tpu.memref_slice %arg3[%add3A_72] : memref<32768xi32, #tpu.memory_space<hbm>> -> memref<128xi32, #tpu.memory_space<hbm>>
      tpu.enqueue_dma source(%dma_start3A_80 : memref<128xi32, #tpu.memory_space<hbm>>) target(%arg5 : memref<128xi32, #tpu.memory_space<vmem>>) target_semaphore(%run_scoped3A : memref<!tpu.dma_semaphore, #tpu.memory_space<semaphore_mem>>)
      %dma_wait3A_81 = tpu.memref_slice %arg3[%add3A_72] : memref<32768xi32, #tpu.memory_space<hbm>> -> memref<128xi32, #tpu.memory_space<hbm>>
      %dma_wait3A_82 = tpu.memref_slice %arg3[%add3A_72] : memref<32768xi32, #tpu.memory_space<hbm>> -> memref<128xi32, #tpu.memory_space<hbm>>
      tpu.wait_dma2 semaphore(%run_scoped3A : memref<!tpu.dma_semaphore, #tpu.memory_space<semaphore_mem>>) src(%dma_wait3A_82 : memref<128xi32, #tpu.memory_space<hbm>>) dst(%arg5 : memref<128xi32, #tpu.memory_space<vmem>>)
      tpu.yield
    }) : () -> ()
    %dma_start3A_73 = arith.constant 0 : i32
    %dma_start3A_74 = arith.constant 0 : i32
    %dma_start3A_75 = tpu.memref_slice %arg2[%dma_start3A_73, %dma_start3A_74] : memref<8192x256xf32, #tpu.memory_space<hbm>> -> memref<8192x256xf32, #tpu.memory_space<hbm>>
    tpu.enqueue_indirect_dma source(%dma_start3A_75 : memref<8192x256xf32, #tpu.memory_space<hbm>>) target(%arg6 : memref<128x256xf32, #tpu.memory_space<vmem>>) offsets(%arg5 : memref<128xi32, #tpu.memory_space<vmem>>) semaphore(%arg7 : memref<!tpu.dma_semaphore, #tpu.memory_space<semaphore_mem>>)
    %dma_wait3A_76 = arith.constant 0 : i32
    %dma_wait3A_77 = arith.constant 0 : i32
    %dma_wait3A_78 = tpu.memref_slice %arg2[%dma_wait3A_76, %dma_wait3A_77] : memref<8192x256xf32, #tpu.memory_space<hbm>> -> memref<8192x256xf32, #tpu.memory_space<hbm>>
    tpu.wait_indirect_dma semaphore(%arg7 : memref<!tpu.dma_semaphore, #tpu.memory_space<semaphore_mem>>) src(%dma_wait3A_78 : memref<8192x256xf32, #tpu.memory_space<hbm>>) dst(%arg6 : memref<128x256xf32, #tpu.memory_space<vmem>>)
    "tpu.region"() ({
      %run_scoped3A = tpu.sem_alloc : memref<!tpu.dma_semaphore, #tpu.memory_space<semaphore_mem>>
      %dma_start3A_79 = arith.constant 0 : i32
      %dma_start3A_80 = tpu.memref_slice %arg4[%add3A_72, %dma_start3A_79] : memref<32768x256xf32, #tpu.memory_space<hbm>> -> memref<128x256xf32, #tpu.memory_space<hbm>>
      %dma_start3A_81 = arith.constant 0 : i32
      %dma_start3A_82 = tpu.memref_slice %arg4[%add3A_72, %dma_start3A_81] : memref<32768x256xf32, #tpu.memory_space<hbm>> -> memref<128x256xf32, #tpu.memory_space<hbm>>
      tpu.enqueue_dma source(%arg6 : memref<128x256xf32, #tpu.memory_space<vmem>>) target(%dma_start3A_82 : memref<128x256xf32, #tpu.memory_space<hbm>>) target_semaphore(%run_scoped3A : memref<!tpu.dma_semaphore, #tpu.memory_space<semaphore_mem>>)
      %dma_wait3A_83 = arith.constant 0 : i32
      %dma_wait3A_84 = tpu.memref_slice %arg4[%add3A_72, %dma_wait3A_83] : memref<32768x256xf32, #tpu.memory_space<hbm>> -> memref<128x256xf32, #tpu.memory_space<hbm>>
      %dma_wait3A_85 = arith.constant 0 : i32
      %dma_wait3A_86 = tpu.memref_slice %arg4[%add3A_72, %dma_wait3A_85] : memref<32768x256xf32, #tpu.memory_space<hbm>> -> memref<128x256xf32, #tpu.memory_space<hbm>>
      tpu.wait_dma2 semaphore(%run_scoped3A : memref<!tpu.dma_semaphore, #tpu.memory_space<semaphore_mem>>) src(%arg6 : memref<128x256xf32, #tpu.memory_space<vmem>>) dst(%dma_wait3A_86 : memref<128x256xf32, #tpu.memory_space<hbm>>)
      tpu.yield
    }) : () -> ()
    return
  }
}

module attributes {stable_mosaic.version = 14 : i64} {
  func.func @_fps_body(%arg0: memref<16x32x2048xf32, #tpu.memory_space<vmem>>, %arg1: memref<8192x128xf32, #tpu.memory_space<vmem>>, %arg2: memref<4x1x1024xi32, #tpu.memory_space<vmem>>) attributes {dimension_semantics = [], scalar_prefetch = 0 : i64, scratch_operands = 0 : i64, tpu.core_type = #tpu.core_type<tc>} {
    %iota3A = tpu.iota {dimensions = array<i32: 1>} : vector<1x2048xi32>
    %iota3A_0 = tpu.iota {dimensions = array<i32: 1>} : vector<1x1024xi32>
    %broadcast_in_dim3A = arith.constant 1.000000e+10 : f32
    %broadcast_in_dim3A_1 = vector.broadcast %broadcast_in_dim3A : f32 to vector<1x2048xf32>
    %broadcast_in_dim3A_2 = arith.constant 1.000000e+10 : f32
    %broadcast_in_dim3A_3 = vector.broadcast %broadcast_in_dim3A_2 : f32 to vector<1x2048xf32>
    %broadcast_in_dim3A_4 = arith.constant 1.000000e+10 : f32
    %broadcast_in_dim3A_5 = vector.broadcast %broadcast_in_dim3A_4 : f32 to vector<1x2048xf32>
    %broadcast_in_dim3A_6 = arith.constant 1.000000e+10 : f32
    %broadcast_in_dim3A_7 = vector.broadcast %broadcast_in_dim3A_6 : f32 to vector<1x2048xf32>
    %broadcast_in_dim3A_8 = arith.constant 0 : i32
    %broadcast_in_dim3A_9 = vector.broadcast %broadcast_in_dim3A_8 : i32 to vector<1x1024xi32>
    %broadcast_in_dim3A_10 = arith.constant 0 : i32
    %broadcast_in_dim3A_11 = vector.broadcast %broadcast_in_dim3A_10 : i32 to vector<1x1024xi32>
    %broadcast_in_dim3A_12 = arith.constant 0 : i32
    %broadcast_in_dim3A_13 = vector.broadcast %broadcast_in_dim3A_12 : i32 to vector<1x1024xi32>
    %broadcast_in_dim3A_14 = arith.constant 0 : i32
    %broadcast_in_dim3A_15 = vector.broadcast %broadcast_in_dim3A_14 : i32 to vector<1x1024xi32>
    %scan3A = arith.constant 0 : i32
    %scan3A_16 = arith.constant 0 : i32
    %scan3A_17 = arith.constant 0 : i32
    %scan3A_18 = arith.constant 0 : i32
    %scan3A_19 = arith.constant 0 : i32
    %scan3A_20 = arith.constant 1024 : i32
    %scan3A_21 = arith.addi %scan3A_19, %scan3A_20 : i32
    %scan3A_22 = arith.constant 1 : i32
    %scan3A_23:12 = scf.for %scan3A_48 = %scan3A_19 to %scan3A_21 step %scan3A_22 iter_args(%scan3A_49 = %broadcast_in_dim3A_1, %scan3A_50 = %broadcast_in_dim3A_3, %scan3A_51 = %broadcast_in_dim3A_5, %scan3A_52 = %broadcast_in_dim3A_7, %scan3A_53 = %scan3A, %scan3A_54 = %scan3A_16, %scan3A_55 = %scan3A_17, %scan3A_56 = %scan3A_18, %scan3A_57 = %broadcast_in_dim3A_9, %scan3A_58 = %broadcast_in_dim3A_11, %scan3A_59 = %broadcast_in_dim3A_13, %scan3A_60 = %broadcast_in_dim3A_15) -> (vector<1x2048xf32>, vector<1x2048xf32>, vector<1x2048xf32>, vector<1x2048xf32>, i32, i32, i32, i32, vector<1x1024xi32>, vector<1x1024xi32>, vector<1x1024xi32>, vector<1x1024xi32>)  : i32 {
      %eq3A = vector.broadcast %scan3A_48 : i32 to vector<1x1024xi32>
      %eq3A_61 = arith.cmpi eq, %iota3A_0, %eq3A : vector<1x1024xi32>
      %broadcast_in_dim3A_62 = vector.broadcast %scan3A_53 : i32 to vector<1x1024xi32>
      %select_n3A = arith.select %eq3A_61, %broadcast_in_dim3A_62, %scan3A_57 : vector<1x1024xi1>, vector<1x1024xi32>
      %eq3A_63 = vector.broadcast %scan3A_48 : i32 to vector<1x1024xi32>
      %eq3A_64 = arith.cmpi eq, %iota3A_0, %eq3A_63 : vector<1x1024xi32>
      %broadcast_in_dim3A_65 = vector.broadcast %scan3A_54 : i32 to vector<1x1024xi32>
      %select_n3A_66 = arith.select %eq3A_64, %broadcast_in_dim3A_65, %scan3A_58 : vector<1x1024xi1>, vector<1x1024xi32>
      %eq3A_67 = vector.broadcast %scan3A_48 : i32 to vector<1x1024xi32>
      %eq3A_68 = arith.cmpi eq, %iota3A_0, %eq3A_67 : vector<1x1024xi32>
      %broadcast_in_dim3A_69 = vector.broadcast %scan3A_55 : i32 to vector<1x1024xi32>
      %select_n3A_70 = arith.select %eq3A_68, %broadcast_in_dim3A_69, %scan3A_59 : vector<1x1024xi1>, vector<1x1024xi32>
      %eq3A_71 = vector.broadcast %scan3A_48 : i32 to vector<1x1024xi32>
      %eq3A_72 = arith.cmpi eq, %iota3A_0, %eq3A_71 : vector<1x1024xi32>
      %broadcast_in_dim3A_73 = vector.broadcast %scan3A_56 : i32 to vector<1x1024xi32>
      %select_n3A_74 = arith.select %eq3A_72, %broadcast_in_dim3A_73, %scan3A_60 : vector<1x1024xi1>, vector<1x1024xi32>
      %add3A = arith.constant 0 : i32
      %add3A_75 = arith.addi %scan3A_53, %add3A : i32
      %get3A = arith.index_cast %add3A_75 : i32 to index
      %get3A_76 = arith.constant 0 : index
      %get3A_77 = vector.load %arg1[%get3A, %get3A_76] : memref<8192x128xf32, #tpu.memory_space<vmem>>, vector<1x128xf32>
      %transpose3A = tpu.transpose %get3A_77, [1, 0] : vector<1x128xf32> -> vector<128x1xf32>
      %reshape3A = vector.shape_cast %transpose3A : vector<128x1xf32> to vector<16x8x1xf32>
      %add3A_78 = arith.constant 2048 : i32
      %add3A_79 = arith.addi %scan3A_54, %add3A_78 : i32
      %get3A_80 = arith.index_cast %add3A_79 : i32 to index
      %get3A_81 = arith.constant 0 : index
      %get3A_82 = vector.load %arg1[%get3A_80, %get3A_81] : memref<8192x128xf32, #tpu.memory_space<vmem>>, vector<1x128xf32>
      %transpose3A_83 = tpu.transpose %get3A_82, [1, 0] : vector<1x128xf32> -> vector<128x1xf32>
      %reshape3A_84 = vector.shape_cast %transpose3A_83 : vector<128x1xf32> to vector<16x8x1xf32>
      %add3A_85 = arith.constant 4096 : i32
      %add3A_86 = arith.addi %scan3A_55, %add3A_85 : i32
      %get3A_87 = arith.index_cast %add3A_86 : i32 to index
      %get3A_88 = arith.constant 0 : index
      %get3A_89 = vector.load %arg1[%get3A_87, %get3A_88] : memref<8192x128xf32, #tpu.memory_space<vmem>>, vector<1x128xf32>
      %transpose3A_90 = tpu.transpose %get3A_89, [1, 0] : vector<1x128xf32> -> vector<128x1xf32>
      %reshape3A_91 = vector.shape_cast %transpose3A_90 : vector<128x1xf32> to vector<16x8x1xf32>
      %add3A_92 = arith.constant 6144 : i32
      %add3A_93 = arith.addi %scan3A_56, %add3A_92 : i32
      %get3A_94 = arith.index_cast %add3A_93 : i32 to index
      %get3A_95 = arith.constant 0 : index
      %get3A_96 = vector.load %arg1[%get3A_94, %get3A_95] : memref<8192x128xf32, #tpu.memory_space<vmem>>, vector<1x128xf32>
      %transpose3A_97 = tpu.transpose %get3A_96, [1, 0] : vector<1x128xf32> -> vector<128x1xf32>
      %reshape3A_98 = vector.shape_cast %transpose3A_97 : vector<128x1xf32> to vector<16x8x1xf32>
      %get3A_99 = arith.constant 0 : index
      %get3A_100 = arith.constant 0 : index
      %get3A_101 = arith.constant 0 : index
      %get3A_102 = vector.load %arg0[%get3A_99, %get3A_100, %get3A_101] : memref<16x32x2048xf32, #tpu.memory_space<vmem>>, vector<1x8x2048xf32>
      %get3A_103 = vector.shape_cast %get3A_102 : vector<1x8x2048xf32> to vector<8x2048xf32>
      %slice3A = vector.extract_strided_slice %reshape3A {offsets = [0, 0, 0], sizes = [1, 8, 1], strides = [1, 1, 1]} : vector<16x8x1xf32> to vector<1x8x1xf32>
      %squeeze3A = vector.shape_cast %slice3A : vector<1x8x1xf32> to vector<8x1xf32>
      %sub3A = vector.broadcast %squeeze3A : vector<8x1xf32> to vector<8x2048xf32>
      %sub3A_104 = arith.subf %get3A_103, %sub3A : vector<8x2048xf32>
      %mul3A = arith.mulf %sub3A_104, %sub3A_104 : vector<8x2048xf32>
      %get3A_105 = arith.constant 0 : index
      %get3A_106 = arith.constant 8 : index
      %get3A_107 = arith.constant 0 : index
      %get3A_108 = vector.load %arg0[%get3A_105, %get3A_106, %get3A_107] : memref<16x32x2048xf32, #tpu.memory_space<vmem>>, vector<1x8x2048xf32>
      %get3A_109 = vector.shape_cast %get3A_108 : vector<1x8x2048xf32> to vector<8x2048xf32>
      %slice3A_110 = vector.extract_strided_slice %reshape3A_84 {offsets = [0, 0, 0], sizes = [1, 8, 1], strides = [1, 1, 1]} : vector<16x8x1xf32> to vector<1x8x1xf32>
      %squeeze3A_111 = vector.shape_cast %slice3A_110 : vector<1x8x1xf32> to vector<8x1xf32>
      %sub3A_112 = vector.broadcast %squeeze3A_111 : vector<8x1xf32> to vector<8x2048xf32>
      %sub3A_113 = arith.subf %get3A_109, %sub3A_112 : vector<8x2048xf32>
      %mul3A_114 = arith.mulf %sub3A_113, %sub3A_113 : vector<8x2048xf32>
      %get3A_115 = arith.constant 0 : index
      %get3A_116 = arith.constant 16 : index
      %get3A_117 = arith.constant 0 : index
      %get3A_118 = vector.load %arg0[%get3A_115, %get3A_116, %get3A_117] : memref<16x32x2048xf32, #tpu.memory_space<vmem>>, vector<1x8x2048xf32>
      %get3A_119 = vector.shape_cast %get3A_118 : vector<1x8x2048xf32> to vector<8x2048xf32>
      %slice3A_120 = vector.extract_strided_slice %reshape3A_91 {offsets = [0, 0, 0], sizes = [1, 8, 1], strides = [1, 1, 1]} : vector<16x8x1xf32> to vector<1x8x1xf32>
      %squeeze3A_121 = vector.shape_cast %slice3A_120 : vector<1x8x1xf32> to vector<8x1xf32>
      %sub3A_122 = vector.broadcast %squeeze3A_121 : vector<8x1xf32> to vector<8x2048xf32>
      %sub3A_123 = arith.subf %get3A_119, %sub3A_122 : vector<8x2048xf32>
      %mul3A_124 = arith.mulf %sub3A_123, %sub3A_123 : vector<8x2048xf32>
      %get3A_125 = arith.constant 0 : index
      %get3A_126 = arith.constant 24 : index
      %get3A_127 = arith.constant 0 : index
      %get3A_128 = vector.load %arg0[%get3A_125, %get3A_126, %get3A_127] : memref<16x32x2048xf32, #tpu.memory_space<vmem>>, vector<1x8x2048xf32>
      %get3A_129 = vector.shape_cast %get3A_128 : vector<1x8x2048xf32> to vector<8x2048xf32>
      %slice3A_130 = vector.extract_strided_slice %reshape3A_98 {offsets = [0, 0, 0], sizes = [1, 8, 1], strides = [1, 1, 1]} : vector<16x8x1xf32> to vector<1x8x1xf32>
      %squeeze3A_131 = vector.shape_cast %slice3A_130 : vector<1x8x1xf32> to vector<8x1xf32>
      %sub3A_132 = vector.broadcast %squeeze3A_131 : vector<8x1xf32> to vector<8x2048xf32>
      %sub3A_133 = arith.subf %get3A_129, %sub3A_132 : vector<8x2048xf32>
      %mul3A_134 = arith.mulf %sub3A_133, %sub3A_133 : vector<8x2048xf32>
      %get3A_135 = arith.constant 1 : index
      %get3A_136 = arith.constant 0 : index
      %get3A_137 = arith.constant 0 : index
      %get3A_138 = vector.load %arg0[%get3A_135, %get3A_136, %get3A_137] : memref<16x32x2048xf32, #tpu.memory_space<vmem>>, vector<1x8x2048xf32>
      %get3A_139 = vector.shape_cast %get3A_138 : vector<1x8x2048xf32> to vector<8x2048xf32>
      %slice3A_140 = vector.extract_strided_slice %reshape3A {offsets = [1, 0, 0], sizes = [1, 8, 1], strides = [1, 1, 1]} : vector<16x8x1xf32> to vector<1x8x1xf32>
      %squeeze3A_141 = vector.shape_cast %slice3A_140 : vector<1x8x1xf32> to vector<8x1xf32>
      %sub3A_142 = vector.broadcast %squeeze3A_141 : vector<8x1xf32> to vector<8x2048xf32>
      %sub3A_143 = arith.subf %get3A_139, %sub3A_142 : vector<8x2048xf32>
      %mul3A_144 = arith.mulf %sub3A_143, %sub3A_143 : vector<8x2048xf32>
      %add3A_145 = arith.addf %mul3A, %mul3A_144 : vector<8x2048xf32>
      %get3A_146 = arith.constant 1 : index
      %get3A_147 = arith.constant 8 : index
      %get3A_148 = arith.constant 0 : index
      %get3A_149 = vector.load %arg0[%get3A_146, %get3A_147, %get3A_148] : memref<16x32x2048xf32, #tpu.memory_space<vmem>>, vector<1x8x2048xf32>
      %get3A_150 = vector.shape_cast %get3A_149 : vector<1x8x2048xf32> to vector<8x2048xf32>
      %slice3A_151 = vector.extract_strided_slice %reshape3A_84 {offsets = [1, 0, 0], sizes = [1, 8, 1], strides = [1, 1, 1]} : vector<16x8x1xf32> to vector<1x8x1xf32>
      %squeeze3A_152 = vector.shape_cast %slice3A_151 : vector<1x8x1xf32> to vector<8x1xf32>
      %sub3A_153 = vector.broadcast %squeeze3A_152 : vector<8x1xf32> to vector<8x2048xf32>
      %sub3A_154 = arith.subf %get3A_150, %sub3A_153 : vector<8x2048xf32>
      %mul3A_155 = arith.mulf %sub3A_154, %sub3A_154 : vector<8x2048xf32>
      %add3A_156 = arith.addf %mul3A_114, %mul3A_155 : vector<8x2048xf32>
      %get3A_157 = arith.constant 1 : index
      %get3A_158 = arith.constant 16 : index
      %get3A_159 = arith.constant 0 : index
      %get3A_160 = vector.load %arg0[%get3A_157, %get3A_158, %get3A_159] : memref<16x32x2048xf32, #tpu.memory_space<vmem>>, vector<1x8x2048xf32>
      %get3A_161 = vector.shape_cast %get3A_160 : vector<1x8x2048xf32> to vector<8x2048xf32>
      %slice3A_162 = vector.extract_strided_slice %reshape3A_91 {offsets = [1, 0, 0], sizes = [1, 8, 1], strides = [1, 1, 1]} : vector<16x8x1xf32> to vector<1x8x1xf32>
      %squeeze3A_163 = vector.shape_cast %slice3A_162 : vector<1x8x1xf32> to vector<8x1xf32>
      %sub3A_164 = vector.broadcast %squeeze3A_163 : vector<8x1xf32> to vector<8x2048xf32>
      %sub3A_165 = arith.subf %get3A_161, %sub3A_164 : vector<8x2048xf32>
      %mul3A_166 = arith.mulf %sub3A_165, %sub3A_165 : vector<8x2048xf32>
      %add3A_167 = arith.addf %mul3A_124, %mul3A_166 : vector<8x2048xf32>
      %get3A_168 = arith.constant 1 : index
      %get3A_169 = arith.constant 24 : index
      %get3A_170 = arith.constant 0 : index
      %get3A_171 = vector.load %arg0[%get3A_168, %get3A_169, %get3A_170] : memref<16x32x2048xf32, #tpu.memory_space<vmem>>, vector<1x8x2048xf32>
      %get3A_172 = vector.shape_cast %get3A_171 : vector<1x8x2048xf32> to vector<8x2048xf32>
      %slice3A_173 = vector.extract_strided_slice %reshape3A_98 {offsets = [1, 0, 0], sizes = [1, 8, 1], strides = [1, 1, 1]} : vector<16x8x1xf32> to vector<1x8x1xf32>
      %squeeze3A_174 = vector.shape_cast %slice3A_173 : vector<1x8x1xf32> to vector<8x1xf32>
      %sub3A_175 = vector.broadcast %squeeze3A_174 : vector<8x1xf32> to vector<8x2048xf32>
      %sub3A_176 = arith.subf %get3A_172, %sub3A_175 : vector<8x2048xf32>
      %mul3A_177 = arith.mulf %sub3A_176, %sub3A_176 : vector<8x2048xf32>
      %add3A_178 = arith.addf %mul3A_134, %mul3A_177 : vector<8x2048xf32>
      %get3A_179 = arith.constant 2 : index
      %get3A_180 = arith.constant 0 : index
      %get3A_181 = arith.constant 0 : index
      %get3A_182 = vector.load %arg0[%get3A_179, %get3A_180, %get3A_181] : memref<16x32x2048xf32, #tpu.memory_space<vmem>>, vector<1x8x2048xf32>
      %get3A_183 = vector.shape_cast %get3A_182 : vector<1x8x2048xf32> to vector<8x2048xf32>
      %slice3A_184 = vector.extract_strided_slice %reshape3A {offsets = [2, 0, 0], sizes = [1, 8, 1], strides = [1, 1, 1]} : vector<16x8x1xf32> to vector<1x8x1xf32>
      %squeeze3A_185 = vector.shape_cast %slice3A_184 : vector<1x8x1xf32> to vector<8x1xf32>
      %sub3A_186 = vector.broadcast %squeeze3A_185 : vector<8x1xf32> to vector<8x2048xf32>
      %sub3A_187 = arith.subf %get3A_183, %sub3A_186 : vector<8x2048xf32>
      %mul3A_188 = arith.mulf %sub3A_187, %sub3A_187 : vector<8x2048xf32>
      %add3A_189 = arith.addf %add3A_145, %mul3A_188 : vector<8x2048xf32>
      %get3A_190 = arith.constant 2 : index
      %get3A_191 = arith.constant 8 : index
      %get3A_192 = arith.constant 0 : index
      %get3A_193 = vector.load %arg0[%get3A_190, %get3A_191, %get3A_192] : memref<16x32x2048xf32, #tpu.memory_space<vmem>>, vector<1x8x2048xf32>
      %get3A_194 = vector.shape_cast %get3A_193 : vector<1x8x2048xf32> to vector<8x2048xf32>
      %slice3A_195 = vector.extract_strided_slice %reshape3A_84 {offsets = [2, 0, 0], sizes = [1, 8, 1], strides = [1, 1, 1]} : vector<16x8x1xf32> to vector<1x8x1xf32>
      %squeeze3A_196 = vector.shape_cast %slice3A_195 : vector<1x8x1xf32> to vector<8x1xf32>
      %sub3A_197 = vector.broadcast %squeeze3A_196 : vector<8x1xf32> to vector<8x2048xf32>
      %sub3A_198 = arith.subf %get3A_194, %sub3A_197 : vector<8x2048xf32>
      %mul3A_199 = arith.mulf %sub3A_198, %sub3A_198 : vector<8x2048xf32>
      %add3A_200 = arith.addf %add3A_156, %mul3A_199 : vector<8x2048xf32>
      %get3A_201 = arith.constant 2 : index
      %get3A_202 = arith.constant 16 : index
      %get3A_203 = arith.constant 0 : index
      %get3A_204 = vector.load %arg0[%get3A_201, %get3A_202, %get3A_203] : memref<16x32x2048xf32, #tpu.memory_space<vmem>>, vector<1x8x2048xf32>
      %get3A_205 = vector.shape_cast %get3A_204 : vector<1x8x2048xf32> to vector<8x2048xf32>
      %slice3A_206 = vector.extract_strided_slice %reshape3A_91 {offsets = [2, 0, 0], sizes = [1, 8, 1], strides = [1, 1, 1]} : vector<16x8x1xf32> to vector<1x8x1xf32>
      %squeeze3A_207 = vector.shape_cast %slice3A_206 : vector<1x8x1xf32> to vector<8x1xf32>
      %sub3A_208 = vector.broadcast %squeeze3A_207 : vector<8x1xf32> to vector<8x2048xf32>
      %sub3A_209 = arith.subf %get3A_205, %sub3A_208 : vector<8x2048xf32>
      %mul3A_210 = arith.mulf %sub3A_209, %sub3A_209 : vector<8x2048xf32>
      %add3A_211 = arith.addf %add3A_167, %mul3A_210 : vector<8x2048xf32>
      %get3A_212 = arith.constant 2 : index
      %get3A_213 = arith.constant 24 : index
      %get3A_214 = arith.constant 0 : index
      %get3A_215 = vector.load %arg0[%get3A_212, %get3A_213, %get3A_214] : memref<16x32x2048xf32, #tpu.memory_space<vmem>>, vector<1x8x2048xf32>
      %get3A_216 = vector.shape_cast %get3A_215 : vector<1x8x2048xf32> to vector<8x2048xf32>
      %slice3A_217 = vector.extract_strided_slice %reshape3A_98 {offsets = [2, 0, 0], sizes = [1, 8, 1], strides = [1, 1, 1]} : vector<16x8x1xf32> to vector<1x8x1xf32>
      %squeeze3A_218 = vector.shape_cast %slice3A_217 : vector<1x8x1xf32> to vector<8x1xf32>
      %sub3A_219 = vector.broadcast %squeeze3A_218 : vector<8x1xf32> to vector<8x2048xf32>
      %sub3A_220 = arith.subf %get3A_216, %sub3A_219 : vector<8x2048xf32>
      %mul3A_221 = arith.mulf %sub3A_220, %sub3A_220 : vector<8x2048xf32>
      %add3A_222 = arith.addf %add3A_178, %mul3A_221 : vector<8x2048xf32>
      %get3A_223 = arith.constant 3 : index
      %get3A_224 = arith.constant 0 : index
      %get3A_225 = arith.constant 0 : index
      %get3A_226 = vector.load %arg0[%get3A_223, %get3A_224, %get3A_225] : memref<16x32x2048xf32, #tpu.memory_space<vmem>>, vector<1x8x2048xf32>
      %get3A_227 = vector.shape_cast %get3A_226 : vector<1x8x2048xf32> to vector<8x2048xf32>
      %slice3A_228 = vector.extract_strided_slice %reshape3A {offsets = [3, 0, 0], sizes = [1, 8, 1], strides = [1, 1, 1]} : vector<16x8x1xf32> to vector<1x8x1xf32>
      %squeeze3A_229 = vector.shape_cast %slice3A_228 : vector<1x8x1xf32> to vector<8x1xf32>
      %sub3A_230 = vector.broadcast %squeeze3A_229 : vector<8x1xf32> to vector<8x2048xf32>
      %sub3A_231 = arith.subf %get3A_227, %sub3A_230 : vector<8x2048xf32>
      %mul3A_232 = arith.mulf %sub3A_231, %sub3A_231 : vector<8x2048xf32>
      %add3A_233 = arith.addf %add3A_189, %mul3A_232 : vector<8x2048xf32>
      %get3A_234 = arith.constant 3 : index
      %get3A_235 = arith.constant 8 : index
      %get3A_236 = arith.constant 0 : index
      %get3A_237 = vector.load %arg0[%get3A_234, %get3A_235, %get3A_236] : memref<16x32x2048xf32, #tpu.memory_space<vmem>>, vector<1x8x2048xf32>
      %get3A_238 = vector.shape_cast %get3A_237 : vector<1x8x2048xf32> to vector<8x2048xf32>
      %slice3A_239 = vector.extract_strided_slice %reshape3A_84 {offsets = [3, 0, 0], sizes = [1, 8, 1], strides = [1, 1, 1]} : vector<16x8x1xf32> to vector<1x8x1xf32>
      %squeeze3A_240 = vector.shape_cast %slice3A_239 : vector<1x8x1xf32> to vector<8x1xf32>
      %sub3A_241 = vector.broadcast %squeeze3A_240 : vector<8x1xf32> to vector<8x2048xf32>
      %sub3A_242 = arith.subf %get3A_238, %sub3A_241 : vector<8x2048xf32>
      %mul3A_243 = arith.mulf %sub3A_242, %sub3A_242 : vector<8x2048xf32>
      %add3A_244 = arith.addf %add3A_200, %mul3A_243 : vector<8x2048xf32>
      %get3A_245 = arith.constant 3 : index
      %get3A_246 = arith.constant 16 : index
      %get3A_247 = arith.constant 0 : index
      %get3A_248 = vector.load %arg0[%get3A_245, %get3A_246, %get3A_247] : memref<16x32x2048xf32, #tpu.memory_space<vmem>>, vector<1x8x2048xf32>
      %get3A_249 = vector.shape_cast %get3A_248 : vector<1x8x2048xf32> to vector<8x2048xf32>
      %slice3A_250 = vector.extract_strided_slice %reshape3A_91 {offsets = [3, 0, 0], sizes = [1, 8, 1], strides = [1, 1, 1]} : vector<16x8x1xf32> to vector<1x8x1xf32>
      %squeeze3A_251 = vector.shape_cast %slice3A_250 : vector<1x8x1xf32> to vector<8x1xf32>
      %sub3A_252 = vector.broadcast %squeeze3A_251 : vector<8x1xf32> to vector<8x2048xf32>
      %sub3A_253 = arith.subf %get3A_249, %sub3A_252 : vector<8x2048xf32>
      %mul3A_254 = arith.mulf %sub3A_253, %sub3A_253 : vector<8x2048xf32>
      %add3A_255 = arith.addf %add3A_211, %mul3A_254 : vector<8x2048xf32>
      %get3A_256 = arith.constant 3 : index
      %get3A_257 = arith.constant 24 : index
      %get3A_258 = arith.constant 0 : index
      %get3A_259 = vector.load %arg0[%get3A_256, %get3A_257, %get3A_258] : memref<16x32x2048xf32, #tpu.memory_space<vmem>>, vector<1x8x2048xf32>
      %get3A_260 = vector.shape_cast %get3A_259 : vector<1x8x2048xf32> to vector<8x2048xf32>
      %slice3A_261 = vector.extract_strided_slice %reshape3A_98 {offsets = [3, 0, 0], sizes = [1, 8, 1], strides = [1, 1, 1]} : vector<16x8x1xf32> to vector<1x8x1xf32>
      %squeeze3A_262 = vector.shape_cast %slice3A_261 : vector<1x8x1xf32> to vector<8x1xf32>
      %sub3A_263 = vector.broadcast %squeeze3A_262 : vector<8x1xf32> to vector<8x2048xf32>
      %sub3A_264 = arith.subf %get3A_260, %sub3A_263 : vector<8x2048xf32>
      %mul3A_265 = arith.mulf %sub3A_264, %sub3A_264 : vector<8x2048xf32>
      %add3A_266 = arith.addf %add3A_222, %mul3A_265 : vector<8x2048xf32>
      %get3A_267 = arith.constant 4 : index
      %get3A_268 = arith.constant 0 : index
      %get3A_269 = arith.constant 0 : index
      %get3A_270 = vector.load %arg0[%get3A_267, %get3A_268, %get3A_269] : memref<16x32x2048xf32, #tpu.memory_space<vmem>>, vector<1x8x2048xf32>
      %get3A_271 = vector.shape_cast %get3A_270 : vector<1x8x2048xf32> to vector<8x2048xf32>
      %slice3A_272 = vector.extract_strided_slice %reshape3A {offsets = [4, 0, 0], sizes = [1, 8, 1], strides = [1, 1, 1]} : vector<16x8x1xf32> to vector<1x8x1xf32>
      %squeeze3A_273 = vector.shape_cast %slice3A_272 : vector<1x8x1xf32> to vector<8x1xf32>
      %sub3A_274 = vector.broadcast %squeeze3A_273 : vector<8x1xf32> to vector<8x2048xf32>
      %sub3A_275 = arith.subf %get3A_271, %sub3A_274 : vector<8x2048xf32>
      %mul3A_276 = arith.mulf %sub3A_275, %sub3A_275 : vector<8x2048xf32>
      %add3A_277 = arith.addf %add3A_233, %mul3A_276 : vector<8x2048xf32>
      %get3A_278 = arith.constant 4 : index
      %get3A_279 = arith.constant 8 : index
      %get3A_280 = arith.constant 0 : index
      %get3A_281 = vector.load %arg0[%get3A_278, %get3A_279, %get3A_280] : memref<16x32x2048xf32, #tpu.memory_space<vmem>>, vector<1x8x2048xf32>
      %get3A_282 = vector.shape_cast %get3A_281 : vector<1x8x2048xf32> to vector<8x2048xf32>
      %slice3A_283 = vector.extract_strided_slice %reshape3A_84 {offsets = [4, 0, 0], sizes = [1, 8, 1], strides = [1, 1, 1]} : vector<16x8x1xf32> to vector<1x8x1xf32>
      %squeeze3A_284 = vector.shape_cast %slice3A_283 : vector<1x8x1xf32> to vector<8x1xf32>
      %sub3A_285 = vector.broadcast %squeeze3A_284 : vector<8x1xf32> to vector<8x2048xf32>
      %sub3A_286 = arith.subf %get3A_282, %sub3A_285 : vector<8x2048xf32>
      %mul3A_287 = arith.mulf %sub3A_286, %sub3A_286 : vector<8x2048xf32>
      %add3A_288 = arith.addf %add3A_244, %mul3A_287 : vector<8x2048xf32>
      %get3A_289 = arith.constant 4 : index
      %get3A_290 = arith.constant 16 : index
      %get3A_291 = arith.constant 0 : index
      %get3A_292 = vector.load %arg0[%get3A_289, %get3A_290, %get3A_291] : memref<16x32x2048xf32, #tpu.memory_space<vmem>>, vector<1x8x2048xf32>
      %get3A_293 = vector.shape_cast %get3A_292 : vector<1x8x2048xf32> to vector<8x2048xf32>
      %slice3A_294 = vector.extract_strided_slice %reshape3A_91 {offsets = [4, 0, 0], sizes = [1, 8, 1], strides = [1, 1, 1]} : vector<16x8x1xf32> to vector<1x8x1xf32>
      %squeeze3A_295 = vector.shape_cast %slice3A_294 : vector<1x8x1xf32> to vector<8x1xf32>
      %sub3A_296 = vector.broadcast %squeeze3A_295 : vector<8x1xf32> to vector<8x2048xf32>
      %sub3A_297 = arith.subf %get3A_293, %sub3A_296 : vector<8x2048xf32>
      %mul3A_298 = arith.mulf %sub3A_297, %sub3A_297 : vector<8x2048xf32>
      %add3A_299 = arith.addf %add3A_255, %mul3A_298 : vector<8x2048xf32>
      %get3A_300 = arith.constant 4 : index
      %get3A_301 = arith.constant 24 : index
      %get3A_302 = arith.constant 0 : index
      %get3A_303 = vector.load %arg0[%get3A_300, %get3A_301, %get3A_302] : memref<16x32x2048xf32, #tpu.memory_space<vmem>>, vector<1x8x2048xf32>
      %get3A_304 = vector.shape_cast %get3A_303 : vector<1x8x2048xf32> to vector<8x2048xf32>
      %slice3A_305 = vector.extract_strided_slice %reshape3A_98 {offsets = [4, 0, 0], sizes = [1, 8, 1], strides = [1, 1, 1]} : vector<16x8x1xf32> to vector<1x8x1xf32>
      %squeeze3A_306 = vector.shape_cast %slice3A_305 : vector<1x8x1xf32> to vector<8x1xf32>
      %sub3A_307 = vector.broadcast %squeeze3A_306 : vector<8x1xf32> to vector<8x2048xf32>
      %sub3A_308 = arith.subf %get3A_304, %sub3A_307 : vector<8x2048xf32>
      %mul3A_309 = arith.mulf %sub3A_308, %sub3A_308 : vector<8x2048xf32>
      %add3A_310 = arith.addf %add3A_266, %mul3A_309 : vector<8x2048xf32>
      %get3A_311 = arith.constant 5 : index
      %get3A_312 = arith.constant 0 : index
      %get3A_313 = arith.constant 0 : index
      %get3A_314 = vector.load %arg0[%get3A_311, %get3A_312, %get3A_313] : memref<16x32x2048xf32, #tpu.memory_space<vmem>>, vector<1x8x2048xf32>
      %get3A_315 = vector.shape_cast %get3A_314 : vector<1x8x2048xf32> to vector<8x2048xf32>
      %slice3A_316 = vector.extract_strided_slice %reshape3A {offsets = [5, 0, 0], sizes = [1, 8, 1], strides = [1, 1, 1]} : vector<16x8x1xf32> to vector<1x8x1xf32>
      %squeeze3A_317 = vector.shape_cast %slice3A_316 : vector<1x8x1xf32> to vector<8x1xf32>
      %sub3A_318 = vector.broadcast %squeeze3A_317 : vector<8x1xf32> to vector<8x2048xf32>
      %sub3A_319 = arith.subf %get3A_315, %sub3A_318 : vector<8x2048xf32>
      %mul3A_320 = arith.mulf %sub3A_319, %sub3A_319 : vector<8x2048xf32>
      %add3A_321 = arith.addf %add3A_277, %mul3A_320 : vector<8x2048xf32>
      %get3A_322 = arith.constant 5 : index
      %get3A_323 = arith.constant 8 : index
      %get3A_324 = arith.constant 0 : index
      %get3A_325 = vector.load %arg0[%get3A_322, %get3A_323, %get3A_324] : memref<16x32x2048xf32, #tpu.memory_space<vmem>>, vector<1x8x2048xf32>
      %get3A_326 = vector.shape_cast %get3A_325 : vector<1x8x2048xf32> to vector<8x2048xf32>
      %slice3A_327 = vector.extract_strided_slice %reshape3A_84 {offsets = [5, 0, 0], sizes = [1, 8, 1], strides = [1, 1, 1]} : vector<16x8x1xf32> to vector<1x8x1xf32>
      %squeeze3A_328 = vector.shape_cast %slice3A_327 : vector<1x8x1xf32> to vector<8x1xf32>
      %sub3A_329 = vector.broadcast %squeeze3A_328 : vector<8x1xf32> to vector<8x2048xf32>
      %sub3A_330 = arith.subf %get3A_326, %sub3A_329 : vector<8x2048xf32>
      %mul3A_331 = arith.mulf %sub3A_330, %sub3A_330 : vector<8x2048xf32>
      %add3A_332 = arith.addf %add3A_288, %mul3A_331 : vector<8x2048xf32>
      %get3A_333 = arith.constant 5 : index
      %get3A_334 = arith.constant 16 : index
      %get3A_335 = arith.constant 0 : index
      %get3A_336 = vector.load %arg0[%get3A_333, %get3A_334, %get3A_335] : memref<16x32x2048xf32, #tpu.memory_space<vmem>>, vector<1x8x2048xf32>
      %get3A_337 = vector.shape_cast %get3A_336 : vector<1x8x2048xf32> to vector<8x2048xf32>
      %slice3A_338 = vector.extract_strided_slice %reshape3A_91 {offsets = [5, 0, 0], sizes = [1, 8, 1], strides = [1, 1, 1]} : vector<16x8x1xf32> to vector<1x8x1xf32>
      %squeeze3A_339 = vector.shape_cast %slice3A_338 : vector<1x8x1xf32> to vector<8x1xf32>
      %sub3A_340 = vector.broadcast %squeeze3A_339 : vector<8x1xf32> to vector<8x2048xf32>
      %sub3A_341 = arith.subf %get3A_337, %sub3A_340 : vector<8x2048xf32>
      %mul3A_342 = arith.mulf %sub3A_341, %sub3A_341 : vector<8x2048xf32>
      %add3A_343 = arith.addf %add3A_299, %mul3A_342 : vector<8x2048xf32>
      %get3A_344 = arith.constant 5 : index
      %get3A_345 = arith.constant 24 : index
      %get3A_346 = arith.constant 0 : index
      %get3A_347 = vector.load %arg0[%get3A_344, %get3A_345, %get3A_346] : memref<16x32x2048xf32, #tpu.memory_space<vmem>>, vector<1x8x2048xf32>
      %get3A_348 = vector.shape_cast %get3A_347 : vector<1x8x2048xf32> to vector<8x2048xf32>
      %slice3A_349 = vector.extract_strided_slice %reshape3A_98 {offsets = [5, 0, 0], sizes = [1, 8, 1], strides = [1, 1, 1]} : vector<16x8x1xf32> to vector<1x8x1xf32>
      %squeeze3A_350 = vector.shape_cast %slice3A_349 : vector<1x8x1xf32> to vector<8x1xf32>
      %sub3A_351 = vector.broadcast %squeeze3A_350 : vector<8x1xf32> to vector<8x2048xf32>
      %sub3A_352 = arith.subf %get3A_348, %sub3A_351 : vector<8x2048xf32>
      %mul3A_353 = arith.mulf %sub3A_352, %sub3A_352 : vector<8x2048xf32>
      %add3A_354 = arith.addf %add3A_310, %mul3A_353 : vector<8x2048xf32>
      %get3A_355 = arith.constant 6 : index
      %get3A_356 = arith.constant 0 : index
      %get3A_357 = arith.constant 0 : index
      %get3A_358 = vector.load %arg0[%get3A_355, %get3A_356, %get3A_357] : memref<16x32x2048xf32, #tpu.memory_space<vmem>>, vector<1x8x2048xf32>
      %get3A_359 = vector.shape_cast %get3A_358 : vector<1x8x2048xf32> to vector<8x2048xf32>
      %slice3A_360 = vector.extract_strided_slice %reshape3A {offsets = [6, 0, 0], sizes = [1, 8, 1], strides = [1, 1, 1]} : vector<16x8x1xf32> to vector<1x8x1xf32>
      %squeeze3A_361 = vector.shape_cast %slice3A_360 : vector<1x8x1xf32> to vector<8x1xf32>
      %sub3A_362 = vector.broadcast %squeeze3A_361 : vector<8x1xf32> to vector<8x2048xf32>
      %sub3A_363 = arith.subf %get3A_359, %sub3A_362 : vector<8x2048xf32>
      %mul3A_364 = arith.mulf %sub3A_363, %sub3A_363 : vector<8x2048xf32>
      %add3A_365 = arith.addf %add3A_321, %mul3A_364 : vector<8x2048xf32>
      %get3A_366 = arith.constant 6 : index
      %get3A_367 = arith.constant 8 : index
      %get3A_368 = arith.constant 0 : index
      %get3A_369 = vector.load %arg0[%get3A_366, %get3A_367, %get3A_368] : memref<16x32x2048xf32, #tpu.memory_space<vmem>>, vector<1x8x2048xf32>
      %get3A_370 = vector.shape_cast %get3A_369 : vector<1x8x2048xf32> to vector<8x2048xf32>
      %slice3A_371 = vector.extract_strided_slice %reshape3A_84 {offsets = [6, 0, 0], sizes = [1, 8, 1], strides = [1, 1, 1]} : vector<16x8x1xf32> to vector<1x8x1xf32>
      %squeeze3A_372 = vector.shape_cast %slice3A_371 : vector<1x8x1xf32> to vector<8x1xf32>
      %sub3A_373 = vector.broadcast %squeeze3A_372 : vector<8x1xf32> to vector<8x2048xf32>
      %sub3A_374 = arith.subf %get3A_370, %sub3A_373 : vector<8x2048xf32>
      %mul3A_375 = arith.mulf %sub3A_374, %sub3A_374 : vector<8x2048xf32>
      %add3A_376 = arith.addf %add3A_332, %mul3A_375 : vector<8x2048xf32>
      %get3A_377 = arith.constant 6 : index
      %get3A_378 = arith.constant 16 : index
      %get3A_379 = arith.constant 0 : index
      %get3A_380 = vector.load %arg0[%get3A_377, %get3A_378, %get3A_379] : memref<16x32x2048xf32, #tpu.memory_space<vmem>>, vector<1x8x2048xf32>
      %get3A_381 = vector.shape_cast %get3A_380 : vector<1x8x2048xf32> to vector<8x2048xf32>
      %slice3A_382 = vector.extract_strided_slice %reshape3A_91 {offsets = [6, 0, 0], sizes = [1, 8, 1], strides = [1, 1, 1]} : vector<16x8x1xf32> to vector<1x8x1xf32>
      %squeeze3A_383 = vector.shape_cast %slice3A_382 : vector<1x8x1xf32> to vector<8x1xf32>
      %sub3A_384 = vector.broadcast %squeeze3A_383 : vector<8x1xf32> to vector<8x2048xf32>
      %sub3A_385 = arith.subf %get3A_381, %sub3A_384 : vector<8x2048xf32>
      %mul3A_386 = arith.mulf %sub3A_385, %sub3A_385 : vector<8x2048xf32>
      %add3A_387 = arith.addf %add3A_343, %mul3A_386 : vector<8x2048xf32>
      %get3A_388 = arith.constant 6 : index
      %get3A_389 = arith.constant 24 : index
      %get3A_390 = arith.constant 0 : index
      %get3A_391 = vector.load %arg0[%get3A_388, %get3A_389, %get3A_390] : memref<16x32x2048xf32, #tpu.memory_space<vmem>>, vector<1x8x2048xf32>
      %get3A_392 = vector.shape_cast %get3A_391 : vector<1x8x2048xf32> to vector<8x2048xf32>
      %slice3A_393 = vector.extract_strided_slice %reshape3A_98 {offsets = [6, 0, 0], sizes = [1, 8, 1], strides = [1, 1, 1]} : vector<16x8x1xf32> to vector<1x8x1xf32>
      %squeeze3A_394 = vector.shape_cast %slice3A_393 : vector<1x8x1xf32> to vector<8x1xf32>
      %sub3A_395 = vector.broadcast %squeeze3A_394 : vector<8x1xf32> to vector<8x2048xf32>
      %sub3A_396 = arith.subf %get3A_392, %sub3A_395 : vector<8x2048xf32>
      %mul3A_397 = arith.mulf %sub3A_396, %sub3A_396 : vector<8x2048xf32>
      %add3A_398 = arith.addf %add3A_354, %mul3A_397 : vector<8x2048xf32>
      %get3A_399 = arith.constant 7 : index
      %get3A_400 = arith.constant 0 : index
      %get3A_401 = arith.constant 0 : index
      %get3A_402 = vector.load %arg0[%get3A_399, %get3A_400, %get3A_401] : memref<16x32x2048xf32, #tpu.memory_space<vmem>>, vector<1x8x2048xf32>
      %get3A_403 = vector.shape_cast %get3A_402 : vector<1x8x2048xf32> to vector<8x2048xf32>
      %slice3A_404 = vector.extract_strided_slice %reshape3A {offsets = [7, 0, 0], sizes = [1, 8, 1], strides = [1, 1, 1]} : vector<16x8x1xf32> to vector<1x8x1xf32>
      %squeeze3A_405 = vector.shape_cast %slice3A_404 : vector<1x8x1xf32> to vector<8x1xf32>
      %sub3A_406 = vector.broadcast %squeeze3A_405 : vector<8x1xf32> to vector<8x2048xf32>
      %sub3A_407 = arith.subf %get3A_403, %sub3A_406 : vector<8x2048xf32>
      %mul3A_408 = arith.mulf %sub3A_407, %sub3A_407 : vector<8x2048xf32>
      %add3A_409 = arith.addf %add3A_365, %mul3A_408 : vector<8x2048xf32>
      %get3A_410 = arith.constant 7 : index
      %get3A_411 = arith.constant 8 : index
      %get3A_412 = arith.constant 0 : index
      %get3A_413 = vector.load %arg0[%get3A_410, %get3A_411, %get3A_412] : memref<16x32x2048xf32, #tpu.memory_space<vmem>>, vector<1x8x2048xf32>
      %get3A_414 = vector.shape_cast %get3A_413 : vector<1x8x2048xf32> to vector<8x2048xf32>
      %slice3A_415 = vector.extract_strided_slice %reshape3A_84 {offsets = [7, 0, 0], sizes = [1, 8, 1], strides = [1, 1, 1]} : vector<16x8x1xf32> to vector<1x8x1xf32>
      %squeeze3A_416 = vector.shape_cast %slice3A_415 : vector<1x8x1xf32> to vector<8x1xf32>
      %sub3A_417 = vector.broadcast %squeeze3A_416 : vector<8x1xf32> to vector<8x2048xf32>
      %sub3A_418 = arith.subf %get3A_414, %sub3A_417 : vector<8x2048xf32>
      %mul3A_419 = arith.mulf %sub3A_418, %sub3A_418 : vector<8x2048xf32>
      %add3A_420 = arith.addf %add3A_376, %mul3A_419 : vector<8x2048xf32>
      %get3A_421 = arith.constant 7 : index
      %get3A_422 = arith.constant 16 : index
      %get3A_423 = arith.constant 0 : index
      %get3A_424 = vector.load %arg0[%get3A_421, %get3A_422, %get3A_423] : memref<16x32x2048xf32, #tpu.memory_space<vmem>>, vector<1x8x2048xf32>
      %get3A_425 = vector.shape_cast %get3A_424 : vector<1x8x2048xf32> to vector<8x2048xf32>
      %slice3A_426 = vector.extract_strided_slice %reshape3A_91 {offsets = [7, 0, 0], sizes = [1, 8, 1], strides = [1, 1, 1]} : vector<16x8x1xf32> to vector<1x8x1xf32>
      %squeeze3A_427 = vector.shape_cast %slice3A_426 : vector<1x8x1xf32> to vector<8x1xf32>
      %sub3A_428 = vector.broadcast %squeeze3A_427 : vector<8x1xf32> to vector<8x2048xf32>
      %sub3A_429 = arith.subf %get3A_425, %sub3A_428 : vector<8x2048xf32>
      %mul3A_430 = arith.mulf %sub3A_429, %sub3A_429 : vector<8x2048xf32>
      %add3A_431 = arith.addf %add3A_387, %mul3A_430 : vector<8x2048xf32>
      %get3A_432 = arith.constant 7 : index
      %get3A_433 = arith.constant 24 : index
      %get3A_434 = arith.constant 0 : index
      %get3A_435 = vector.load %arg0[%get3A_432, %get3A_433, %get3A_434] : memref<16x32x2048xf32, #tpu.memory_space<vmem>>, vector<1x8x2048xf32>
      %get3A_436 = vector.shape_cast %get3A_435 : vector<1x8x2048xf32> to vector<8x2048xf32>
      %slice3A_437 = vector.extract_strided_slice %reshape3A_98 {offsets = [7, 0, 0], sizes = [1, 8, 1], strides = [1, 1, 1]} : vector<16x8x1xf32> to vector<1x8x1xf32>
      %squeeze3A_438 = vector.shape_cast %slice3A_437 : vector<1x8x1xf32> to vector<8x1xf32>
      %sub3A_439 = vector.broadcast %squeeze3A_438 : vector<8x1xf32> to vector<8x2048xf32>
      %sub3A_440 = arith.subf %get3A_436, %sub3A_439 : vector<8x2048xf32>
      %mul3A_441 = arith.mulf %sub3A_440, %sub3A_440 : vector<8x2048xf32>
      %add3A_442 = arith.addf %add3A_398, %mul3A_441 : vector<8x2048xf32>
      %get3A_443 = arith.constant 8 : index
      %get3A_444 = arith.constant 0 : index
      %get3A_445 = arith.constant 0 : index
      %get3A_446 = vector.load %arg0[%get3A_443, %get3A_444, %get3A_445] : memref<16x32x2048xf32, #tpu.memory_space<vmem>>, vector<1x8x2048xf32>
      %get3A_447 = vector.shape_cast %get3A_446 : vector<1x8x2048xf32> to vector<8x2048xf32>
      %slice3A_448 = vector.extract_strided_slice %reshape3A {offsets = [8, 0, 0], sizes = [1, 8, 1], strides = [1, 1, 1]} : vector<16x8x1xf32> to vector<1x8x1xf32>
      %squeeze3A_449 = vector.shape_cast %slice3A_448 : vector<1x8x1xf32> to vector<8x1xf32>
      %sub3A_450 = vector.broadcast %squeeze3A_449 : vector<8x1xf32> to vector<8x2048xf32>
      %sub3A_451 = arith.subf %get3A_447, %sub3A_450 : vector<8x2048xf32>
      %mul3A_452 = arith.mulf %sub3A_451, %sub3A_451 : vector<8x2048xf32>
      %add3A_453 = arith.addf %add3A_409, %mul3A_452 : vector<8x2048xf32>
      %get3A_454 = arith.constant 8 : index
      %get3A_455 = arith.constant 8 : index
      %get3A_456 = arith.constant 0 : index
      %get3A_457 = vector.load %arg0[%get3A_454, %get3A_455, %get3A_456] : memref<16x32x2048xf32, #tpu.memory_space<vmem>>, vector<1x8x2048xf32>
      %get3A_458 = vector.shape_cast %get3A_457 : vector<1x8x2048xf32> to vector<8x2048xf32>
      %slice3A_459 = vector.extract_strided_slice %reshape3A_84 {offsets = [8, 0, 0], sizes = [1, 8, 1], strides = [1, 1, 1]} : vector<16x8x1xf32> to vector<1x8x1xf32>
      %squeeze3A_460 = vector.shape_cast %slice3A_459 : vector<1x8x1xf32> to vector<8x1xf32>
      %sub3A_461 = vector.broadcast %squeeze3A_460 : vector<8x1xf32> to vector<8x2048xf32>
      %sub3A_462 = arith.subf %get3A_458, %sub3A_461 : vector<8x2048xf32>
      %mul3A_463 = arith.mulf %sub3A_462, %sub3A_462 : vector<8x2048xf32>
      %add3A_464 = arith.addf %add3A_420, %mul3A_463 : vector<8x2048xf32>
      %get3A_465 = arith.constant 8 : index
      %get3A_466 = arith.constant 16 : index
      %get3A_467 = arith.constant 0 : index
      %get3A_468 = vector.load %arg0[%get3A_465, %get3A_466, %get3A_467] : memref<16x32x2048xf32, #tpu.memory_space<vmem>>, vector<1x8x2048xf32>
      %get3A_469 = vector.shape_cast %get3A_468 : vector<1x8x2048xf32> to vector<8x2048xf32>
      %slice3A_470 = vector.extract_strided_slice %reshape3A_91 {offsets = [8, 0, 0], sizes = [1, 8, 1], strides = [1, 1, 1]} : vector<16x8x1xf32> to vector<1x8x1xf32>
      %squeeze3A_471 = vector.shape_cast %slice3A_470 : vector<1x8x1xf32> to vector<8x1xf32>
      %sub3A_472 = vector.broadcast %squeeze3A_471 : vector<8x1xf32> to vector<8x2048xf32>
      %sub3A_473 = arith.subf %get3A_469, %sub3A_472 : vector<8x2048xf32>
      %mul3A_474 = arith.mulf %sub3A_473, %sub3A_473 : vector<8x2048xf32>
      %add3A_475 = arith.addf %add3A_431, %mul3A_474 : vector<8x2048xf32>
      %get3A_476 = arith.constant 8 : index
      %get3A_477 = arith.constant 24 : index
      %get3A_478 = arith.constant 0 : index
      %get3A_479 = vector.load %arg0[%get3A_476, %get3A_477, %get3A_478] : memref<16x32x2048xf32, #tpu.memory_space<vmem>>, vector<1x8x2048xf32>
      %get3A_480 = vector.shape_cast %get3A_479 : vector<1x8x2048xf32> to vector<8x2048xf32>
      %slice3A_481 = vector.extract_strided_slice %reshape3A_98 {offsets = [8, 0, 0], sizes = [1, 8, 1], strides = [1, 1, 1]} : vector<16x8x1xf32> to vector<1x8x1xf32>
      %squeeze3A_482 = vector.shape_cast %slice3A_481 : vector<1x8x1xf32> to vector<8x1xf32>
      %sub3A_483 = vector.broadcast %squeeze3A_482 : vector<8x1xf32> to vector<8x2048xf32>
      %sub3A_484 = arith.subf %get3A_480, %sub3A_483 : vector<8x2048xf32>
      %mul3A_485 = arith.mulf %sub3A_484, %sub3A_484 : vector<8x2048xf32>
      %add3A_486 = arith.addf %add3A_442, %mul3A_485 : vector<8x2048xf32>
      %get3A_487 = arith.constant 9 : index
      %get3A_488 = arith.constant 0 : index
      %get3A_489 = arith.constant 0 : index
      %get3A_490 = vector.load %arg0[%get3A_487, %get3A_488, %get3A_489] : memref<16x32x2048xf32, #tpu.memory_space<vmem>>, vector<1x8x2048xf32>
      %get3A_491 = vector.shape_cast %get3A_490 : vector<1x8x2048xf32> to vector<8x2048xf32>
      %slice3A_492 = vector.extract_strided_slice %reshape3A {offsets = [9, 0, 0], sizes = [1, 8, 1], strides = [1, 1, 1]} : vector<16x8x1xf32> to vector<1x8x1xf32>
      %squeeze3A_493 = vector.shape_cast %slice3A_492 : vector<1x8x1xf32> to vector<8x1xf32>
      %sub3A_494 = vector.broadcast %squeeze3A_493 : vector<8x1xf32> to vector<8x2048xf32>
      %sub3A_495 = arith.subf %get3A_491, %sub3A_494 : vector<8x2048xf32>
      %mul3A_496 = arith.mulf %sub3A_495, %sub3A_495 : vector<8x2048xf32>
      %add3A_497 = arith.addf %add3A_453, %mul3A_496 : vector<8x2048xf32>
      %get3A_498 = arith.constant 9 : index
      %get3A_499 = arith.constant 8 : index
      %get3A_500 = arith.constant 0 : index
      %get3A_501 = vector.load %arg0[%get3A_498, %get3A_499, %get3A_500] : memref<16x32x2048xf32, #tpu.memory_space<vmem>>, vector<1x8x2048xf32>
      %get3A_502 = vector.shape_cast %get3A_501 : vector<1x8x2048xf32> to vector<8x2048xf32>
      %slice3A_503 = vector.extract_strided_slice %reshape3A_84 {offsets = [9, 0, 0], sizes = [1, 8, 1], strides = [1, 1, 1]} : vector<16x8x1xf32> to vector<1x8x1xf32>
      %squeeze3A_504 = vector.shape_cast %slice3A_503 : vector<1x8x1xf32> to vector<8x1xf32>
      %sub3A_505 = vector.broadcast %squeeze3A_504 : vector<8x1xf32> to vector<8x2048xf32>
      %sub3A_506 = arith.subf %get3A_502, %sub3A_505 : vector<8x2048xf32>
      %mul3A_507 = arith.mulf %sub3A_506, %sub3A_506 : vector<8x2048xf32>
      %add3A_508 = arith.addf %add3A_464, %mul3A_507 : vector<8x2048xf32>
      %get3A_509 = arith.constant 9 : index
      %get3A_510 = arith.constant 16 : index
      %get3A_511 = arith.constant 0 : index
      %get3A_512 = vector.load %arg0[%get3A_509, %get3A_510, %get3A_511] : memref<16x32x2048xf32, #tpu.memory_space<vmem>>, vector<1x8x2048xf32>
      %get3A_513 = vector.shape_cast %get3A_512 : vector<1x8x2048xf32> to vector<8x2048xf32>
      %slice3A_514 = vector.extract_strided_slice %reshape3A_91 {offsets = [9, 0, 0], sizes = [1, 8, 1], strides = [1, 1, 1]} : vector<16x8x1xf32> to vector<1x8x1xf32>
      %squeeze3A_515 = vector.shape_cast %slice3A_514 : vector<1x8x1xf32> to vector<8x1xf32>
      %sub3A_516 = vector.broadcast %squeeze3A_515 : vector<8x1xf32> to vector<8x2048xf32>
      %sub3A_517 = arith.subf %get3A_513, %sub3A_516 : vector<8x2048xf32>
      %mul3A_518 = arith.mulf %sub3A_517, %sub3A_517 : vector<8x2048xf32>
      %add3A_519 = arith.addf %add3A_475, %mul3A_518 : vector<8x2048xf32>
      %get3A_520 = arith.constant 9 : index
      %get3A_521 = arith.constant 24 : index
      %get3A_522 = arith.constant 0 : index
      %get3A_523 = vector.load %arg0[%get3A_520, %get3A_521, %get3A_522] : memref<16x32x2048xf32, #tpu.memory_space<vmem>>, vector<1x8x2048xf32>
      %get3A_524 = vector.shape_cast %get3A_523 : vector<1x8x2048xf32> to vector<8x2048xf32>
      %slice3A_525 = vector.extract_strided_slice %reshape3A_98 {offsets = [9, 0, 0], sizes = [1, 8, 1], strides = [1, 1, 1]} : vector<16x8x1xf32> to vector<1x8x1xf32>
      %squeeze3A_526 = vector.shape_cast %slice3A_525 : vector<1x8x1xf32> to vector<8x1xf32>
      %sub3A_527 = vector.broadcast %squeeze3A_526 : vector<8x1xf32> to vector<8x2048xf32>
      %sub3A_528 = arith.subf %get3A_524, %sub3A_527 : vector<8x2048xf32>
      %mul3A_529 = arith.mulf %sub3A_528, %sub3A_528 : vector<8x2048xf32>
      %add3A_530 = arith.addf %add3A_486, %mul3A_529 : vector<8x2048xf32>
      %get3A_531 = arith.constant 10 : index
      %get3A_532 = arith.constant 0 : index
      %get3A_533 = arith.constant 0 : index
      %get3A_534 = vector.load %arg0[%get3A_531, %get3A_532, %get3A_533] : memref<16x32x2048xf32, #tpu.memory_space<vmem>>, vector<1x8x2048xf32>
      %get3A_535 = vector.shape_cast %get3A_534 : vector<1x8x2048xf32> to vector<8x2048xf32>
      %slice3A_536 = vector.extract_strided_slice %reshape3A {offsets = [10, 0, 0], sizes = [1, 8, 1], strides = [1, 1, 1]} : vector<16x8x1xf32> to vector<1x8x1xf32>
      %squeeze3A_537 = vector.shape_cast %slice3A_536 : vector<1x8x1xf32> to vector<8x1xf32>
      %sub3A_538 = vector.broadcast %squeeze3A_537 : vector<8x1xf32> to vector<8x2048xf32>
      %sub3A_539 = arith.subf %get3A_535, %sub3A_538 : vector<8x2048xf32>
      %mul3A_540 = arith.mulf %sub3A_539, %sub3A_539 : vector<8x2048xf32>
      %add3A_541 = arith.addf %add3A_497, %mul3A_540 : vector<8x2048xf32>
      %get3A_542 = arith.constant 10 : index
      %get3A_543 = arith.constant 8 : index
      %get3A_544 = arith.constant 0 : index
      %get3A_545 = vector.load %arg0[%get3A_542, %get3A_543, %get3A_544] : memref<16x32x2048xf32, #tpu.memory_space<vmem>>, vector<1x8x2048xf32>
      %get3A_546 = vector.shape_cast %get3A_545 : vector<1x8x2048xf32> to vector<8x2048xf32>
      %slice3A_547 = vector.extract_strided_slice %reshape3A_84 {offsets = [10, 0, 0], sizes = [1, 8, 1], strides = [1, 1, 1]} : vector<16x8x1xf32> to vector<1x8x1xf32>
      %squeeze3A_548 = vector.shape_cast %slice3A_547 : vector<1x8x1xf32> to vector<8x1xf32>
      %sub3A_549 = vector.broadcast %squeeze3A_548 : vector<8x1xf32> to vector<8x2048xf32>
      %sub3A_550 = arith.subf %get3A_546, %sub3A_549 : vector<8x2048xf32>
      %mul3A_551 = arith.mulf %sub3A_550, %sub3A_550 : vector<8x2048xf32>
      %add3A_552 = arith.addf %add3A_508, %mul3A_551 : vector<8x2048xf32>
      %get3A_553 = arith.constant 10 : index
      %get3A_554 = arith.constant 16 : index
      %get3A_555 = arith.constant 0 : index
      %get3A_556 = vector.load %arg0[%get3A_553, %get3A_554, %get3A_555] : memref<16x32x2048xf32, #tpu.memory_space<vmem>>, vector<1x8x2048xf32>
      %get3A_557 = vector.shape_cast %get3A_556 : vector<1x8x2048xf32> to vector<8x2048xf32>
      %slice3A_558 = vector.extract_strided_slice %reshape3A_91 {offsets = [10, 0, 0], sizes = [1, 8, 1], strides = [1, 1, 1]} : vector<16x8x1xf32> to vector<1x8x1xf32>
      %squeeze3A_559 = vector.shape_cast %slice3A_558 : vector<1x8x1xf32> to vector<8x1xf32>
      %sub3A_560 = vector.broadcast %squeeze3A_559 : vector<8x1xf32> to vector<8x2048xf32>
      %sub3A_561 = arith.subf %get3A_557, %sub3A_560 : vector<8x2048xf32>
      %mul3A_562 = arith.mulf %sub3A_561, %sub3A_561 : vector<8x2048xf32>
      %add3A_563 = arith.addf %add3A_519, %mul3A_562 : vector<8x2048xf32>
      %get3A_564 = arith.constant 10 : index
      %get3A_565 = arith.constant 24 : index
      %get3A_566 = arith.constant 0 : index
      %get3A_567 = vector.load %arg0[%get3A_564, %get3A_565, %get3A_566] : memref<16x32x2048xf32, #tpu.memory_space<vmem>>, vector<1x8x2048xf32>
      %get3A_568 = vector.shape_cast %get3A_567 : vector<1x8x2048xf32> to vector<8x2048xf32>
      %slice3A_569 = vector.extract_strided_slice %reshape3A_98 {offsets = [10, 0, 0], sizes = [1, 8, 1], strides = [1, 1, 1]} : vector<16x8x1xf32> to vector<1x8x1xf32>
      %squeeze3A_570 = vector.shape_cast %slice3A_569 : vector<1x8x1xf32> to vector<8x1xf32>
      %sub3A_571 = vector.broadcast %squeeze3A_570 : vector<8x1xf32> to vector<8x2048xf32>
      %sub3A_572 = arith.subf %get3A_568, %sub3A_571 : vector<8x2048xf32>
      %mul3A_573 = arith.mulf %sub3A_572, %sub3A_572 : vector<8x2048xf32>
      %add3A_574 = arith.addf %add3A_530, %mul3A_573 : vector<8x2048xf32>
      %get3A_575 = arith.constant 11 : index
      %get3A_576 = arith.constant 0 : index
      %get3A_577 = arith.constant 0 : index
      %get3A_578 = vector.load %arg0[%get3A_575, %get3A_576, %get3A_577] : memref<16x32x2048xf32, #tpu.memory_space<vmem>>, vector<1x8x2048xf32>
      %get3A_579 = vector.shape_cast %get3A_578 : vector<1x8x2048xf32> to vector<8x2048xf32>
      %slice3A_580 = vector.extract_strided_slice %reshape3A {offsets = [11, 0, 0], sizes = [1, 8, 1], strides = [1, 1, 1]} : vector<16x8x1xf32> to vector<1x8x1xf32>
      %squeeze3A_581 = vector.shape_cast %slice3A_580 : vector<1x8x1xf32> to vector<8x1xf32>
      %sub3A_582 = vector.broadcast %squeeze3A_581 : vector<8x1xf32> to vector<8x2048xf32>
      %sub3A_583 = arith.subf %get3A_579, %sub3A_582 : vector<8x2048xf32>
      %mul3A_584 = arith.mulf %sub3A_583, %sub3A_583 : vector<8x2048xf32>
      %add3A_585 = arith.addf %add3A_541, %mul3A_584 : vector<8x2048xf32>
      %get3A_586 = arith.constant 11 : index
      %get3A_587 = arith.constant 8 : index
      %get3A_588 = arith.constant 0 : index
      %get3A_589 = vector.load %arg0[%get3A_586, %get3A_587, %get3A_588] : memref<16x32x2048xf32, #tpu.memory_space<vmem>>, vector<1x8x2048xf32>
      %get3A_590 = vector.shape_cast %get3A_589 : vector<1x8x2048xf32> to vector<8x2048xf32>
      %slice3A_591 = vector.extract_strided_slice %reshape3A_84 {offsets = [11, 0, 0], sizes = [1, 8, 1], strides = [1, 1, 1]} : vector<16x8x1xf32> to vector<1x8x1xf32>
      %squeeze3A_592 = vector.shape_cast %slice3A_591 : vector<1x8x1xf32> to vector<8x1xf32>
      %sub3A_593 = vector.broadcast %squeeze3A_592 : vector<8x1xf32> to vector<8x2048xf32>
      %sub3A_594 = arith.subf %get3A_590, %sub3A_593 : vector<8x2048xf32>
      %mul3A_595 = arith.mulf %sub3A_594, %sub3A_594 : vector<8x2048xf32>
      %add3A_596 = arith.addf %add3A_552, %mul3A_595 : vector<8x2048xf32>
      %get3A_597 = arith.constant 11 : index
      %get3A_598 = arith.constant 16 : index
      %get3A_599 = arith.constant 0 : index
      %get3A_600 = vector.load %arg0[%get3A_597, %get3A_598, %get3A_599] : memref<16x32x2048xf32, #tpu.memory_space<vmem>>, vector<1x8x2048xf32>
      %get3A_601 = vector.shape_cast %get3A_600 : vector<1x8x2048xf32> to vector<8x2048xf32>
      %slice3A_602 = vector.extract_strided_slice %reshape3A_91 {offsets = [11, 0, 0], sizes = [1, 8, 1], strides = [1, 1, 1]} : vector<16x8x1xf32> to vector<1x8x1xf32>
      %squeeze3A_603 = vector.shape_cast %slice3A_602 : vector<1x8x1xf32> to vector<8x1xf32>
      %sub3A_604 = vector.broadcast %squeeze3A_603 : vector<8x1xf32> to vector<8x2048xf32>
      %sub3A_605 = arith.subf %get3A_601, %sub3A_604 : vector<8x2048xf32>
      %mul3A_606 = arith.mulf %sub3A_605, %sub3A_605 : vector<8x2048xf32>
      %add3A_607 = arith.addf %add3A_563, %mul3A_606 : vector<8x2048xf32>
      %get3A_608 = arith.constant 11 : index
      %get3A_609 = arith.constant 24 : index
      %get3A_610 = arith.constant 0 : index
      %get3A_611 = vector.load %arg0[%get3A_608, %get3A_609, %get3A_610] : memref<16x32x2048xf32, #tpu.memory_space<vmem>>, vector<1x8x2048xf32>
      %get3A_612 = vector.shape_cast %get3A_611 : vector<1x8x2048xf32> to vector<8x2048xf32>
      %slice3A_613 = vector.extract_strided_slice %reshape3A_98 {offsets = [11, 0, 0], sizes = [1, 8, 1], strides = [1, 1, 1]} : vector<16x8x1xf32> to vector<1x8x1xf32>
      %squeeze3A_614 = vector.shape_cast %slice3A_613 : vector<1x8x1xf32> to vector<8x1xf32>
      %sub3A_615 = vector.broadcast %squeeze3A_614 : vector<8x1xf32> to vector<8x2048xf32>
      %sub3A_616 = arith.subf %get3A_612, %sub3A_615 : vector<8x2048xf32>
      %mul3A_617 = arith.mulf %sub3A_616, %sub3A_616 : vector<8x2048xf32>
      %add3A_618 = arith.addf %add3A_574, %mul3A_617 : vector<8x2048xf32>
      %get3A_619 = arith.constant 12 : index
      %get3A_620 = arith.constant 0 : index
      %get3A_621 = arith.constant 0 : index
      %get3A_622 = vector.load %arg0[%get3A_619, %get3A_620, %get3A_621] : memref<16x32x2048xf32, #tpu.memory_space<vmem>>, vector<1x8x2048xf32>
      %get3A_623 = vector.shape_cast %get3A_622 : vector<1x8x2048xf32> to vector<8x2048xf32>
      %slice3A_624 = vector.extract_strided_slice %reshape3A {offsets = [12, 0, 0], sizes = [1, 8, 1], strides = [1, 1, 1]} : vector<16x8x1xf32> to vector<1x8x1xf32>
      %squeeze3A_625 = vector.shape_cast %slice3A_624 : vector<1x8x1xf32> to vector<8x1xf32>
      %sub3A_626 = vector.broadcast %squeeze3A_625 : vector<8x1xf32> to vector<8x2048xf32>
      %sub3A_627 = arith.subf %get3A_623, %sub3A_626 : vector<8x2048xf32>
      %mul3A_628 = arith.mulf %sub3A_627, %sub3A_627 : vector<8x2048xf32>
      %add3A_629 = arith.addf %add3A_585, %mul3A_628 : vector<8x2048xf32>
      %get3A_630 = arith.constant 12 : index
      %get3A_631 = arith.constant 8 : index
      %get3A_632 = arith.constant 0 : index
      %get3A_633 = vector.load %arg0[%get3A_630, %get3A_631, %get3A_632] : memref<16x32x2048xf32, #tpu.memory_space<vmem>>, vector<1x8x2048xf32>
      %get3A_634 = vector.shape_cast %get3A_633 : vector<1x8x2048xf32> to vector<8x2048xf32>
      %slice3A_635 = vector.extract_strided_slice %reshape3A_84 {offsets = [12, 0, 0], sizes = [1, 8, 1], strides = [1, 1, 1]} : vector<16x8x1xf32> to vector<1x8x1xf32>
      %squeeze3A_636 = vector.shape_cast %slice3A_635 : vector<1x8x1xf32> to vector<8x1xf32>
      %sub3A_637 = vector.broadcast %squeeze3A_636 : vector<8x1xf32> to vector<8x2048xf32>
      %sub3A_638 = arith.subf %get3A_634, %sub3A_637 : vector<8x2048xf32>
      %mul3A_639 = arith.mulf %sub3A_638, %sub3A_638 : vector<8x2048xf32>
      %add3A_640 = arith.addf %add3A_596, %mul3A_639 : vector<8x2048xf32>
      %get3A_641 = arith.constant 12 : index
      %get3A_642 = arith.constant 16 : index
      %get3A_643 = arith.constant 0 : index
      %get3A_644 = vector.load %arg0[%get3A_641, %get3A_642, %get3A_643] : memref<16x32x2048xf32, #tpu.memory_space<vmem>>, vector<1x8x2048xf32>
      %get3A_645 = vector.shape_cast %get3A_644 : vector<1x8x2048xf32> to vector<8x2048xf32>
      %slice3A_646 = vector.extract_strided_slice %reshape3A_91 {offsets = [12, 0, 0], sizes = [1, 8, 1], strides = [1, 1, 1]} : vector<16x8x1xf32> to vector<1x8x1xf32>
      %squeeze3A_647 = vector.shape_cast %slice3A_646 : vector<1x8x1xf32> to vector<8x1xf32>
      %sub3A_648 = vector.broadcast %squeeze3A_647 : vector<8x1xf32> to vector<8x2048xf32>
      %sub3A_649 = arith.subf %get3A_645, %sub3A_648 : vector<8x2048xf32>
      %mul3A_650 = arith.mulf %sub3A_649, %sub3A_649 : vector<8x2048xf32>
      %add3A_651 = arith.addf %add3A_607, %mul3A_650 : vector<8x2048xf32>
      %get3A_652 = arith.constant 12 : index
      %get3A_653 = arith.constant 24 : index
      %get3A_654 = arith.constant 0 : index
      %get3A_655 = vector.load %arg0[%get3A_652, %get3A_653, %get3A_654] : memref<16x32x2048xf32, #tpu.memory_space<vmem>>, vector<1x8x2048xf32>
      %get3A_656 = vector.shape_cast %get3A_655 : vector<1x8x2048xf32> to vector<8x2048xf32>
      %slice3A_657 = vector.extract_strided_slice %reshape3A_98 {offsets = [12, 0, 0], sizes = [1, 8, 1], strides = [1, 1, 1]} : vector<16x8x1xf32> to vector<1x8x1xf32>
      %squeeze3A_658 = vector.shape_cast %slice3A_657 : vector<1x8x1xf32> to vector<8x1xf32>
      %sub3A_659 = vector.broadcast %squeeze3A_658 : vector<8x1xf32> to vector<8x2048xf32>
      %sub3A_660 = arith.subf %get3A_656, %sub3A_659 : vector<8x2048xf32>
      %mul3A_661 = arith.mulf %sub3A_660, %sub3A_660 : vector<8x2048xf32>
      %add3A_662 = arith.addf %add3A_618, %mul3A_661 : vector<8x2048xf32>
      %get3A_663 = arith.constant 13 : index
      %get3A_664 = arith.constant 0 : index
      %get3A_665 = arith.constant 0 : index
      %get3A_666 = vector.load %arg0[%get3A_663, %get3A_664, %get3A_665] : memref<16x32x2048xf32, #tpu.memory_space<vmem>>, vector<1x8x2048xf32>
      %get3A_667 = vector.shape_cast %get3A_666 : vector<1x8x2048xf32> to vector<8x2048xf32>
      %slice3A_668 = vector.extract_strided_slice %reshape3A {offsets = [13, 0, 0], sizes = [1, 8, 1], strides = [1, 1, 1]} : vector<16x8x1xf32> to vector<1x8x1xf32>
      %squeeze3A_669 = vector.shape_cast %slice3A_668 : vector<1x8x1xf32> to vector<8x1xf32>
      %sub3A_670 = vector.broadcast %squeeze3A_669 : vector<8x1xf32> to vector<8x2048xf32>
      %sub3A_671 = arith.subf %get3A_667, %sub3A_670 : vector<8x2048xf32>
      %mul3A_672 = arith.mulf %sub3A_671, %sub3A_671 : vector<8x2048xf32>
      %add3A_673 = arith.addf %add3A_629, %mul3A_672 : vector<8x2048xf32>
      %get3A_674 = arith.constant 13 : index
      %get3A_675 = arith.constant 8 : index
      %get3A_676 = arith.constant 0 : index
      %get3A_677 = vector.load %arg0[%get3A_674, %get3A_675, %get3A_676] : memref<16x32x2048xf32, #tpu.memory_space<vmem>>, vector<1x8x2048xf32>
      %get3A_678 = vector.shape_cast %get3A_677 : vector<1x8x2048xf32> to vector<8x2048xf32>
      %slice3A_679 = vector.extract_strided_slice %reshape3A_84 {offsets = [13, 0, 0], sizes = [1, 8, 1], strides = [1, 1, 1]} : vector<16x8x1xf32> to vector<1x8x1xf32>
      %squeeze3A_680 = vector.shape_cast %slice3A_679 : vector<1x8x1xf32> to vector<8x1xf32>
      %sub3A_681 = vector.broadcast %squeeze3A_680 : vector<8x1xf32> to vector<8x2048xf32>
      %sub3A_682 = arith.subf %get3A_678, %sub3A_681 : vector<8x2048xf32>
      %mul3A_683 = arith.mulf %sub3A_682, %sub3A_682 : vector<8x2048xf32>
      %add3A_684 = arith.addf %add3A_640, %mul3A_683 : vector<8x2048xf32>
      %get3A_685 = arith.constant 13 : index
      %get3A_686 = arith.constant 16 : index
      %get3A_687 = arith.constant 0 : index
      %get3A_688 = vector.load %arg0[%get3A_685, %get3A_686, %get3A_687] : memref<16x32x2048xf32, #tpu.memory_space<vmem>>, vector<1x8x2048xf32>
      %get3A_689 = vector.shape_cast %get3A_688 : vector<1x8x2048xf32> to vector<8x2048xf32>
      %slice3A_690 = vector.extract_strided_slice %reshape3A_91 {offsets = [13, 0, 0], sizes = [1, 8, 1], strides = [1, 1, 1]} : vector<16x8x1xf32> to vector<1x8x1xf32>
      %squeeze3A_691 = vector.shape_cast %slice3A_690 : vector<1x8x1xf32> to vector<8x1xf32>
      %sub3A_692 = vector.broadcast %squeeze3A_691 : vector<8x1xf32> to vector<8x2048xf32>
      %sub3A_693 = arith.subf %get3A_689, %sub3A_692 : vector<8x2048xf32>
      %mul3A_694 = arith.mulf %sub3A_693, %sub3A_693 : vector<8x2048xf32>
      %add3A_695 = arith.addf %add3A_651, %mul3A_694 : vector<8x2048xf32>
      %get3A_696 = arith.constant 13 : index
      %get3A_697 = arith.constant 24 : index
      %get3A_698 = arith.constant 0 : index
      %get3A_699 = vector.load %arg0[%get3A_696, %get3A_697, %get3A_698] : memref<16x32x2048xf32, #tpu.memory_space<vmem>>, vector<1x8x2048xf32>
      %get3A_700 = vector.shape_cast %get3A_699 : vector<1x8x2048xf32> to vector<8x2048xf32>
      %slice3A_701 = vector.extract_strided_slice %reshape3A_98 {offsets = [13, 0, 0], sizes = [1, 8, 1], strides = [1, 1, 1]} : vector<16x8x1xf32> to vector<1x8x1xf32>
      %squeeze3A_702 = vector.shape_cast %slice3A_701 : vector<1x8x1xf32> to vector<8x1xf32>
      %sub3A_703 = vector.broadcast %squeeze3A_702 : vector<8x1xf32> to vector<8x2048xf32>
      %sub3A_704 = arith.subf %get3A_700, %sub3A_703 : vector<8x2048xf32>
      %mul3A_705 = arith.mulf %sub3A_704, %sub3A_704 : vector<8x2048xf32>
      %add3A_706 = arith.addf %add3A_662, %mul3A_705 : vector<8x2048xf32>
      %get3A_707 = arith.constant 14 : index
      %get3A_708 = arith.constant 0 : index
      %get3A_709 = arith.constant 0 : index
      %get3A_710 = vector.load %arg0[%get3A_707, %get3A_708, %get3A_709] : memref<16x32x2048xf32, #tpu.memory_space<vmem>>, vector<1x8x2048xf32>
      %get3A_711 = vector.shape_cast %get3A_710 : vector<1x8x2048xf32> to vector<8x2048xf32>
      %slice3A_712 = vector.extract_strided_slice %reshape3A {offsets = [14, 0, 0], sizes = [1, 8, 1], strides = [1, 1, 1]} : vector<16x8x1xf32> to vector<1x8x1xf32>
      %squeeze3A_713 = vector.shape_cast %slice3A_712 : vector<1x8x1xf32> to vector<8x1xf32>
      %sub3A_714 = vector.broadcast %squeeze3A_713 : vector<8x1xf32> to vector<8x2048xf32>
      %sub3A_715 = arith.subf %get3A_711, %sub3A_714 : vector<8x2048xf32>
      %mul3A_716 = arith.mulf %sub3A_715, %sub3A_715 : vector<8x2048xf32>
      %add3A_717 = arith.addf %add3A_673, %mul3A_716 : vector<8x2048xf32>
      %get3A_718 = arith.constant 14 : index
      %get3A_719 = arith.constant 8 : index
      %get3A_720 = arith.constant 0 : index
      %get3A_721 = vector.load %arg0[%get3A_718, %get3A_719, %get3A_720] : memref<16x32x2048xf32, #tpu.memory_space<vmem>>, vector<1x8x2048xf32>
      %get3A_722 = vector.shape_cast %get3A_721 : vector<1x8x2048xf32> to vector<8x2048xf32>
      %slice3A_723 = vector.extract_strided_slice %reshape3A_84 {offsets = [14, 0, 0], sizes = [1, 8, 1], strides = [1, 1, 1]} : vector<16x8x1xf32> to vector<1x8x1xf32>
      %squeeze3A_724 = vector.shape_cast %slice3A_723 : vector<1x8x1xf32> to vector<8x1xf32>
      %sub3A_725 = vector.broadcast %squeeze3A_724 : vector<8x1xf32> to vector<8x2048xf32>
      %sub3A_726 = arith.subf %get3A_722, %sub3A_725 : vector<8x2048xf32>
      %mul3A_727 = arith.mulf %sub3A_726, %sub3A_726 : vector<8x2048xf32>
      %add3A_728 = arith.addf %add3A_684, %mul3A_727 : vector<8x2048xf32>
      %get3A_729 = arith.constant 14 : index
      %get3A_730 = arith.constant 16 : index
      %get3A_731 = arith.constant 0 : index
      %get3A_732 = vector.load %arg0[%get3A_729, %get3A_730, %get3A_731] : memref<16x32x2048xf32, #tpu.memory_space<vmem>>, vector<1x8x2048xf32>
      %get3A_733 = vector.shape_cast %get3A_732 : vector<1x8x2048xf32> to vector<8x2048xf32>
      %slice3A_734 = vector.extract_strided_slice %reshape3A_91 {offsets = [14, 0, 0], sizes = [1, 8, 1], strides = [1, 1, 1]} : vector<16x8x1xf32> to vector<1x8x1xf32>
      %squeeze3A_735 = vector.shape_cast %slice3A_734 : vector<1x8x1xf32> to vector<8x1xf32>
      %sub3A_736 = vector.broadcast %squeeze3A_735 : vector<8x1xf32> to vector<8x2048xf32>
      %sub3A_737 = arith.subf %get3A_733, %sub3A_736 : vector<8x2048xf32>
      %mul3A_738 = arith.mulf %sub3A_737, %sub3A_737 : vector<8x2048xf32>
      %add3A_739 = arith.addf %add3A_695, %mul3A_738 : vector<8x2048xf32>
      %get3A_740 = arith.constant 14 : index
      %get3A_741 = arith.constant 24 : index
      %get3A_742 = arith.constant 0 : index
      %get3A_743 = vector.load %arg0[%get3A_740, %get3A_741, %get3A_742] : memref<16x32x2048xf32, #tpu.memory_space<vmem>>, vector<1x8x2048xf32>
      %get3A_744 = vector.shape_cast %get3A_743 : vector<1x8x2048xf32> to vector<8x2048xf32>
      %slice3A_745 = vector.extract_strided_slice %reshape3A_98 {offsets = [14, 0, 0], sizes = [1, 8, 1], strides = [1, 1, 1]} : vector<16x8x1xf32> to vector<1x8x1xf32>
      %squeeze3A_746 = vector.shape_cast %slice3A_745 : vector<1x8x1xf32> to vector<8x1xf32>
      %sub3A_747 = vector.broadcast %squeeze3A_746 : vector<8x1xf32> to vector<8x2048xf32>
      %sub3A_748 = arith.subf %get3A_744, %sub3A_747 : vector<8x2048xf32>
      %mul3A_749 = arith.mulf %sub3A_748, %sub3A_748 : vector<8x2048xf32>
      %add3A_750 = arith.addf %add3A_706, %mul3A_749 : vector<8x2048xf32>
      %get3A_751 = arith.constant 15 : index
      %get3A_752 = arith.constant 0 : index
      %get3A_753 = arith.constant 0 : index
      %get3A_754 = vector.load %arg0[%get3A_751, %get3A_752, %get3A_753] : memref<16x32x2048xf32, #tpu.memory_space<vmem>>, vector<1x8x2048xf32>
      %get3A_755 = vector.shape_cast %get3A_754 : vector<1x8x2048xf32> to vector<8x2048xf32>
      %slice3A_756 = vector.extract_strided_slice %reshape3A {offsets = [15, 0, 0], sizes = [1, 8, 1], strides = [1, 1, 1]} : vector<16x8x1xf32> to vector<1x8x1xf32>
      %squeeze3A_757 = vector.shape_cast %slice3A_756 : vector<1x8x1xf32> to vector<8x1xf32>
      %sub3A_758 = vector.broadcast %squeeze3A_757 : vector<8x1xf32> to vector<8x2048xf32>
      %sub3A_759 = arith.subf %get3A_755, %sub3A_758 : vector<8x2048xf32>
      %mul3A_760 = arith.mulf %sub3A_759, %sub3A_759 : vector<8x2048xf32>
      %add3A_761 = arith.addf %add3A_717, %mul3A_760 : vector<8x2048xf32>
      %get3A_762 = arith.constant 15 : index
      %get3A_763 = arith.constant 8 : index
      %get3A_764 = arith.constant 0 : index
      %get3A_765 = vector.load %arg0[%get3A_762, %get3A_763, %get3A_764] : memref<16x32x2048xf32, #tpu.memory_space<vmem>>, vector<1x8x2048xf32>
      %get3A_766 = vector.shape_cast %get3A_765 : vector<1x8x2048xf32> to vector<8x2048xf32>
      %slice3A_767 = vector.extract_strided_slice %reshape3A_84 {offsets = [15, 0, 0], sizes = [1, 8, 1], strides = [1, 1, 1]} : vector<16x8x1xf32> to vector<1x8x1xf32>
      %squeeze3A_768 = vector.shape_cast %slice3A_767 : vector<1x8x1xf32> to vector<8x1xf32>
      %sub3A_769 = vector.broadcast %squeeze3A_768 : vector<8x1xf32> to vector<8x2048xf32>
      %sub3A_770 = arith.subf %get3A_766, %sub3A_769 : vector<8x2048xf32>
      %mul3A_771 = arith.mulf %sub3A_770, %sub3A_770 : vector<8x2048xf32>
      %add3A_772 = arith.addf %add3A_728, %mul3A_771 : vector<8x2048xf32>
      %get3A_773 = arith.constant 15 : index
      %get3A_774 = arith.constant 16 : index
      %get3A_775 = arith.constant 0 : index
      %get3A_776 = vector.load %arg0[%get3A_773, %get3A_774, %get3A_775] : memref<16x32x2048xf32, #tpu.memory_space<vmem>>, vector<1x8x2048xf32>
      %get3A_777 = vector.shape_cast %get3A_776 : vector<1x8x2048xf32> to vector<8x2048xf32>
      %slice3A_778 = vector.extract_strided_slice %reshape3A_91 {offsets = [15, 0, 0], sizes = [1, 8, 1], strides = [1, 1, 1]} : vector<16x8x1xf32> to vector<1x8x1xf32>
      %squeeze3A_779 = vector.shape_cast %slice3A_778 : vector<1x8x1xf32> to vector<8x1xf32>
      %sub3A_780 = vector.broadcast %squeeze3A_779 : vector<8x1xf32> to vector<8x2048xf32>
      %sub3A_781 = arith.subf %get3A_777, %sub3A_780 : vector<8x2048xf32>
      %mul3A_782 = arith.mulf %sub3A_781, %sub3A_781 : vector<8x2048xf32>
      %add3A_783 = arith.addf %add3A_739, %mul3A_782 : vector<8x2048xf32>
      %get3A_784 = arith.constant 15 : index
      %get3A_785 = arith.constant 24 : index
      %get3A_786 = arith.constant 0 : index
      %get3A_787 = vector.load %arg0[%get3A_784, %get3A_785, %get3A_786] : memref<16x32x2048xf32, #tpu.memory_space<vmem>>, vector<1x8x2048xf32>
      %get3A_788 = vector.shape_cast %get3A_787 : vector<1x8x2048xf32> to vector<8x2048xf32>
      %slice3A_789 = vector.extract_strided_slice %reshape3A_98 {offsets = [15, 0, 0], sizes = [1, 8, 1], strides = [1, 1, 1]} : vector<16x8x1xf32> to vector<1x8x1xf32>
      %squeeze3A_790 = vector.shape_cast %slice3A_789 : vector<1x8x1xf32> to vector<8x1xf32>
      %sub3A_791 = vector.broadcast %squeeze3A_790 : vector<8x1xf32> to vector<8x2048xf32>
      %sub3A_792 = arith.subf %get3A_788, %sub3A_791 : vector<8x2048xf32>
      %mul3A_793 = arith.mulf %sub3A_792, %sub3A_792 : vector<8x2048xf32>
      %add3A_794 = arith.addf %add3A_750, %mul3A_793 : vector<8x2048xf32>
      %slice3A_795 = vector.extract_strided_slice %add3A_761 {offsets = [0, 0], sizes = [4, 2048], strides = [1, 1]} : vector<8x2048xf32> to vector<4x2048xf32>
      %slice3A_796 = vector.extract_strided_slice %add3A_761 {offsets = [4, 0], sizes = [4, 2048], strides = [1, 1]} : vector<8x2048xf32> to vector<4x2048xf32>
      %add3A_797 = arith.addf %slice3A_795, %slice3A_796 : vector<4x2048xf32>
      %slice3A_798 = vector.extract_strided_slice %add3A_797 {offsets = [0, 0], sizes = [2, 2048], strides = [1, 1]} : vector<4x2048xf32> to vector<2x2048xf32>
      %slice3A_799 = vector.extract_strided_slice %add3A_797 {offsets = [2, 0], sizes = [2, 2048], strides = [1, 1]} : vector<4x2048xf32> to vector<2x2048xf32>
      %add3A_800 = arith.addf %slice3A_798, %slice3A_799 : vector<2x2048xf32>
      %slice3A_801 = vector.extract_strided_slice %add3A_800 {offsets = [0, 0], sizes = [1, 2048], strides = [1, 1]} : vector<2x2048xf32> to vector<1x2048xf32>
      %slice3A_802 = vector.extract_strided_slice %add3A_800 {offsets = [1, 0], sizes = [1, 2048], strides = [1, 1]} : vector<2x2048xf32> to vector<1x2048xf32>
      %add3A_803 = arith.addf %slice3A_801, %slice3A_802 : vector<1x2048xf32>
      %min3A = arith.minimumf %scan3A_49, %add3A_803 : vector<1x2048xf32>
      %reduce_max3A = vector.shape_cast %min3A : vector<1x2048xf32> to vector<1x1x2048xf32>
      %reduce_max3A_804 = arith.constant dense<0xFF800000> : vector<1xf32>
      %reduce_max3A_805 = vector.multi_reduction <maximumf>, %reduce_max3A, %reduce_max3A_804 [1, 2] : vector<1x1x2048xf32> to vector<1xf32>
      %reduce_max3A_806 = vector.shape_cast %reduce_max3A_805 : vector<1xf32> to vector<1x1x1xf32>
      %reduce_max3A_807 = vector.extract %reduce_max3A_806[0, 0, 0] : f32 from vector<1x1x1xf32>
      %eq3A_808 = vector.broadcast %reduce_max3A_807 : f32 to vector<1x2048xf32>
      %eq3A_809 = arith.cmpf oeq, %min3A, %eq3A_808 : vector<1x2048xf32>
      %jit3A = arith.constant 2048 : i32
      %broadcast_in_dim3A_810 = vector.broadcast %jit3A : i32 to vector<1x2048xi32>
      %select_n3A_811 = arith.select %eq3A_809, %iota3A, %broadcast_in_dim3A_810 : vector<1x2048xi1>, vector<1x2048xi32>
      %reduce_min3A = vector.shape_cast %select_n3A_811 : vector<1x2048xi32> to vector<1x1x2048xi32>
      %reduce_min3A_812 = arith.constant dense<2147483647> : vector<1xi32>
      %reduce_min3A_813 = vector.multi_reduction <minsi>, %reduce_min3A, %reduce_min3A_812 [1, 2] : vector<1x1x2048xi32> to vector<1xi32>
      %reduce_min3A_814 = vector.shape_cast %reduce_min3A_813 : vector<1xi32> to vector<1x1x1xi32>
      %reduce_min3A_815 = vector.extract %reduce_min3A_814[0, 0, 0] : i32 from vector<1x1x1xi32>
      %slice3A_816 = vector.extract_strided_slice %add3A_772 {offsets = [0, 0], sizes = [4, 2048], strides = [1, 1]} : vector<8x2048xf32> to vector<4x2048xf32>
      %slice3A_817 = vector.extract_strided_slice %add3A_772 {offsets = [4, 0], sizes = [4, 2048], strides = [1, 1]} : vector<8x2048xf32> to vector<4x2048xf32>
      %add3A_818 = arith.addf %slice3A_816, %slice3A_817 : vector<4x2048xf32>
      %slice3A_819 = vector.extract_strided_slice %add3A_818 {offsets = [0, 0], sizes = [2, 2048], strides = [1, 1]} : vector<4x2048xf32> to vector<2x2048xf32>
      %slice3A_820 = vector.extract_strided_slice %add3A_818 {offsets = [2, 0], sizes = [2, 2048], strides = [1, 1]} : vector<4x2048xf32> to vector<2x2048xf32>
      %add3A_821 = arith.addf %slice3A_819, %slice3A_820 : vector<2x2048xf32>
      %slice3A_822 = vector.extract_strided_slice %add3A_821 {offsets = [0, 0], sizes = [1, 2048], strides = [1, 1]} : vector<2x2048xf32> to vector<1x2048xf32>
      %slice3A_823 = vector.extract_strided_slice %add3A_821 {offsets = [1, 0], sizes = [1, 2048], strides = [1, 1]} : vector<2x2048xf32> to vector<1x2048xf32>
      %add3A_824 = arith.addf %slice3A_822, %slice3A_823 : vector<1x2048xf32>
      %min3A_825 = arith.minimumf %scan3A_50, %add3A_824 : vector<1x2048xf32>
      %reduce_max3A_826 = vector.shape_cast %min3A_825 : vector<1x2048xf32> to vector<1x1x2048xf32>
      %reduce_max3A_827 = arith.constant dense<0xFF800000> : vector<1xf32>
      %reduce_max3A_828 = vector.multi_reduction <maximumf>, %reduce_max3A_826, %reduce_max3A_827 [1, 2] : vector<1x1x2048xf32> to vector<1xf32>
      %reduce_max3A_829 = vector.shape_cast %reduce_max3A_828 : vector<1xf32> to vector<1x1x1xf32>
      %reduce_max3A_830 = vector.extract %reduce_max3A_829[0, 0, 0] : f32 from vector<1x1x1xf32>
      %eq3A_831 = vector.broadcast %reduce_max3A_830 : f32 to vector<1x2048xf32>
      %eq3A_832 = arith.cmpf oeq, %min3A_825, %eq3A_831 : vector<1x2048xf32>
      %jit3A_833 = arith.constant 2048 : i32
      %broadcast_in_dim3A_834 = vector.broadcast %jit3A_833 : i32 to vector<1x2048xi32>
      %select_n3A_835 = arith.select %eq3A_832, %iota3A, %broadcast_in_dim3A_834 : vector<1x2048xi1>, vector<1x2048xi32>
      %reduce_min3A_836 = vector.shape_cast %select_n3A_835 : vector<1x2048xi32> to vector<1x1x2048xi32>
      %reduce_min3A_837 = arith.constant dense<2147483647> : vector<1xi32>
      %reduce_min3A_838 = vector.multi_reduction <minsi>, %reduce_min3A_836, %reduce_min3A_837 [1, 2] : vector<1x1x2048xi32> to vector<1xi32>
      %reduce_min3A_839 = vector.shape_cast %reduce_min3A_838 : vector<1xi32> to vector<1x1x1xi32>
      %reduce_min3A_840 = vector.extract %reduce_min3A_839[0, 0, 0] : i32 from vector<1x1x1xi32>
      %slice3A_841 = vector.extract_strided_slice %add3A_783 {offsets = [0, 0], sizes = [4, 2048], strides = [1, 1]} : vector<8x2048xf32> to vector<4x2048xf32>
      %slice3A_842 = vector.extract_strided_slice %add3A_783 {offsets = [4, 0], sizes = [4, 2048], strides = [1, 1]} : vector<8x2048xf32> to vector<4x2048xf32>
      %add3A_843 = arith.addf %slice3A_841, %slice3A_842 : vector<4x2048xf32>
      %slice3A_844 = vector.extract_strided_slice %add3A_843 {offsets = [0, 0], sizes = [2, 2048], strides = [1, 1]} : vector<4x2048xf32> to vector<2x2048xf32>
      %slice3A_845 = vector.extract_strided_slice %add3A_843 {offsets = [2, 0], sizes = [2, 2048], strides = [1, 1]} : vector<4x2048xf32> to vector<2x2048xf32>
      %add3A_846 = arith.addf %slice3A_844, %slice3A_845 : vector<2x2048xf32>
      %slice3A_847 = vector.extract_strided_slice %add3A_846 {offsets = [0, 0], sizes = [1, 2048], strides = [1, 1]} : vector<2x2048xf32> to vector<1x2048xf32>
      %slice3A_848 = vector.extract_strided_slice %add3A_846 {offsets = [1, 0], sizes = [1, 2048], strides = [1, 1]} : vector<2x2048xf32> to vector<1x2048xf32>
      %add3A_849 = arith.addf %slice3A_847, %slice3A_848 : vector<1x2048xf32>
      %min3A_850 = arith.minimumf %scan3A_51, %add3A_849 : vector<1x2048xf32>
      %reduce_max3A_851 = vector.shape_cast %min3A_850 : vector<1x2048xf32> to vector<1x1x2048xf32>
      %reduce_max3A_852 = arith.constant dense<0xFF800000> : vector<1xf32>
      %reduce_max3A_853 = vector.multi_reduction <maximumf>, %reduce_max3A_851, %reduce_max3A_852 [1, 2] : vector<1x1x2048xf32> to vector<1xf32>
      %reduce_max3A_854 = vector.shape_cast %reduce_max3A_853 : vector<1xf32> to vector<1x1x1xf32>
      %reduce_max3A_855 = vector.extract %reduce_max3A_854[0, 0, 0] : f32 from vector<1x1x1xf32>
      %eq3A_856 = vector.broadcast %reduce_max3A_855 : f32 to vector<1x2048xf32>
      %eq3A_857 = arith.cmpf oeq, %min3A_850, %eq3A_856 : vector<1x2048xf32>
      %jit3A_858 = arith.constant 2048 : i32
      %broadcast_in_dim3A_859 = vector.broadcast %jit3A_858 : i32 to vector<1x2048xi32>
      %select_n3A_860 = arith.select %eq3A_857, %iota3A, %broadcast_in_dim3A_859 : vector<1x2048xi1>, vector<1x2048xi32>
      %reduce_min3A_861 = vector.shape_cast %select_n3A_860 : vector<1x2048xi32> to vector<1x1x2048xi32>
      %reduce_min3A_862 = arith.constant dense<2147483647> : vector<1xi32>
      %reduce_min3A_863 = vector.multi_reduction <minsi>, %reduce_min3A_861, %reduce_min3A_862 [1, 2] : vector<1x1x2048xi32> to vector<1xi32>
      %reduce_min3A_864 = vector.shape_cast %reduce_min3A_863 : vector<1xi32> to vector<1x1x1xi32>
      %reduce_min3A_865 = vector.extract %reduce_min3A_864[0, 0, 0] : i32 from vector<1x1x1xi32>
      %slice3A_866 = vector.extract_strided_slice %add3A_794 {offsets = [0, 0], sizes = [4, 2048], strides = [1, 1]} : vector<8x2048xf32> to vector<4x2048xf32>
      %slice3A_867 = vector.extract_strided_slice %add3A_794 {offsets = [4, 0], sizes = [4, 2048], strides = [1, 1]} : vector<8x2048xf32> to vector<4x2048xf32>
      %add3A_868 = arith.addf %slice3A_866, %slice3A_867 : vector<4x2048xf32>
      %slice3A_869 = vector.extract_strided_slice %add3A_868 {offsets = [0, 0], sizes = [2, 2048], strides = [1, 1]} : vector<4x2048xf32> to vector<2x2048xf32>
      %slice3A_870 = vector.extract_strided_slice %add3A_868 {offsets = [2, 0], sizes = [2, 2048], strides = [1, 1]} : vector<4x2048xf32> to vector<2x2048xf32>
      %add3A_871 = arith.addf %slice3A_869, %slice3A_870 : vector<2x2048xf32>
      %slice3A_872 = vector.extract_strided_slice %add3A_871 {offsets = [0, 0], sizes = [1, 2048], strides = [1, 1]} : vector<2x2048xf32> to vector<1x2048xf32>
      %slice3A_873 = vector.extract_strided_slice %add3A_871 {offsets = [1, 0], sizes = [1, 2048], strides = [1, 1]} : vector<2x2048xf32> to vector<1x2048xf32>
      %add3A_874 = arith.addf %slice3A_872, %slice3A_873 : vector<1x2048xf32>
      %min3A_875 = arith.minimumf %scan3A_52, %add3A_874 : vector<1x2048xf32>
      %reduce_max3A_876 = vector.shape_cast %min3A_875 : vector<1x2048xf32> to vector<1x1x2048xf32>
      %reduce_max3A_877 = arith.constant dense<0xFF800000> : vector<1xf32>
      %reduce_max3A_878 = vector.multi_reduction <maximumf>, %reduce_max3A_876, %reduce_max3A_877 [1, 2] : vector<1x1x2048xf32> to vector<1xf32>
      %reduce_max3A_879 = vector.shape_cast %reduce_max3A_878 : vector<1xf32> to vector<1x1x1xf32>
      %reduce_max3A_880 = vector.extract %reduce_max3A_879[0, 0, 0] : f32 from vector<1x1x1xf32>
      %eq3A_881 = vector.broadcast %reduce_max3A_880 : f32 to vector<1x2048xf32>
      %eq3A_882 = arith.cmpf oeq, %min3A_875, %eq3A_881 : vector<1x2048xf32>
      %jit3A_883 = arith.constant 2048 : i32
      %broadcast_in_dim3A_884 = vector.broadcast %jit3A_883 : i32 to vector<1x2048xi32>
      %select_n3A_885 = arith.select %eq3A_882, %iota3A, %broadcast_in_dim3A_884 : vector<1x2048xi1>, vector<1x2048xi32>
      %reduce_min3A_886 = vector.shape_cast %select_n3A_885 : vector<1x2048xi32> to vector<1x1x2048xi32>
      %reduce_min3A_887 = arith.constant dense<2147483647> : vector<1xi32>
      %reduce_min3A_888 = vector.multi_reduction <minsi>, %reduce_min3A_886, %reduce_min3A_887 [1, 2] : vector<1x1x2048xi32> to vector<1xi32>
      %reduce_min3A_889 = vector.shape_cast %reduce_min3A_888 : vector<1xi32> to vector<1x1x1xi32>
      %reduce_min3A_890 = vector.extract %reduce_min3A_889[0, 0, 0] : i32 from vector<1x1x1xi32>
      scf.yield %min3A, %min3A_825, %min3A_850, %min3A_875, %reduce_min3A_815, %reduce_min3A_840, %reduce_min3A_865, %reduce_min3A_890, %select_n3A, %select_n3A_66, %select_n3A_70, %select_n3A_74 : vector<1x2048xf32>, vector<1x2048xf32>, vector<1x2048xf32>, vector<1x2048xf32>, i32, i32, i32, i32, vector<1x1024xi32>, vector<1x1024xi32>, vector<1x1024xi32>, vector<1x1024xi32>
    }
    %scan3A_24 = arith.constant 1024 : i32
    %swap3A = arith.constant 0 : index
    %swap3A_25 = arith.constant 0 : index
    %swap3A_26 = arith.constant 0 : index
    %swap3A_27 = vector.load %arg2[%swap3A, %swap3A_25, %swap3A_26] : memref<4x1x1024xi32, #tpu.memory_space<vmem>>, vector<1x1x1024xi32>
    %swap3A_28 = vector.shape_cast %swap3A_27 : vector<1x1x1024xi32> to vector<1x1024xi32>
    %swap3A_29 = vector.shape_cast %scan3A_23#8 : vector<1x1024xi32> to vector<1x1x1024xi32>
    tpu.vector_store %arg2[%swap3A, %swap3A_25, %swap3A_26], %swap3A_29 {strides = array<i32>} : memref<4x1x1024xi32, #tpu.memory_space<vmem>>, vector<1x1x1024xi32>,
    %swap3A_30 = arith.constant 1 : index
    %swap3A_31 = arith.constant 0 : index
    %swap3A_32 = arith.constant 0 : index
    %swap3A_33 = vector.load %arg2[%swap3A_30, %swap3A_31, %swap3A_32] : memref<4x1x1024xi32, #tpu.memory_space<vmem>>, vector<1x1x1024xi32>
    %swap3A_34 = vector.shape_cast %swap3A_33 : vector<1x1x1024xi32> to vector<1x1024xi32>
    %swap3A_35 = vector.shape_cast %scan3A_23#9 : vector<1x1024xi32> to vector<1x1x1024xi32>
    tpu.vector_store %arg2[%swap3A_30, %swap3A_31, %swap3A_32], %swap3A_35 {strides = array<i32>} : memref<4x1x1024xi32, #tpu.memory_space<vmem>>, vector<1x1x1024xi32>,
    %swap3A_36 = arith.constant 2 : index
    %swap3A_37 = arith.constant 0 : index
    %swap3A_38 = arith.constant 0 : index
    %swap3A_39 = vector.load %arg2[%swap3A_36, %swap3A_37, %swap3A_38] : memref<4x1x1024xi32, #tpu.memory_space<vmem>>, vector<1x1x1024xi32>
    %swap3A_40 = vector.shape_cast %swap3A_39 : vector<1x1x1024xi32> to vector<1x1024xi32>
    %swap3A_41 = vector.shape_cast %scan3A_23#10 : vector<1x1024xi32> to vector<1x1x1024xi32>
    tpu.vector_store %arg2[%swap3A_36, %swap3A_37, %swap3A_38], %swap3A_41 {strides = array<i32>} : memref<4x1x1024xi32, #tpu.memory_space<vmem>>, vector<1x1x1024xi32>,
    %swap3A_42 = arith.constant 3 : index
    %swap3A_43 = arith.constant 0 : index
    %swap3A_44 = arith.constant 0 : index
    %swap3A_45 = vector.load %arg2[%swap3A_42, %swap3A_43, %swap3A_44] : memref<4x1x1024xi32, #tpu.memory_space<vmem>>, vector<1x1x1024xi32>
    %swap3A_46 = vector.shape_cast %swap3A_45 : vector<1x1x1024xi32> to vector<1x1024xi32>
    %swap3A_47 = vector.shape_cast %scan3A_23#11 : vector<1x1024xi32> to vector<1x1x1024xi32>
    tpu.vector_store %arg2[%swap3A_42, %swap3A_43, %swap3A_44], %swap3A_47 {strides = array<i32>} : memref<4x1x1024xi32, #tpu.memory_space<vmem>>, vector<1x1x1024xi32>,
    return
  }
}

module attributes {stable_mosaic.version = 14 : i64} {
  func.func @_knn_mix_body(%arg0: i32, %arg1: memref<1x16x8x2048xf32, #tpu.memory_space<vmem>>, %arg2: memref<1x16x8x1024xf32, #tpu.memory_space<vmem>>, %arg3: memref<1x1024x128xf32, #tpu.memory_space<vmem>>, %arg4: memref<1x2048x128xf32, #tpu.memory_space<vmem>>, %arg5: memref<1x2048x256xf32, #tpu.memory_space<vmem>>, %arg6: memref<256x512xf32, #tpu.memory_space<vmem>>, %arg7: memref<1x1024x8xi32, #tpu.memory_space<vmem>>, %arg8: memref<1x2048x256xf32, #tpu.memory_space<vmem>>, %arg9: memref<1x2048x256xf32, #tpu.memory_space<vmem>>) attributes {dimension_semantics = [#tpu.dimension_semantics<arbitrary>], iteration_bounds = array<i64: 4>, scalar_prefetch = 0 : i64, scratch_operands = 0 : i64, tpu.core_type = #tpu.core_type<tc>, window_params = [{transform_indices = @transform_0, window_bounds = array<i64: 1, 16, 8, 2048>}, {transform_indices = @transform_1, window_bounds = array<i64: 1, 16, 8, 1024>}, {transform_indices = @transform_2, window_bounds = array<i64: 1, 1024, 128>}, {transform_indices = @transform_3, window_bounds = array<i64: 1, 2048, 128>}, {transform_indices = @transform_4, window_bounds = array<i64: 1, 2048, 256>}, {pipeline_mode = #tpu.pipeline_mode<synchronous>, transform_indices = @transform_5, window_bounds = array<i64: 256, 512>}, {transform_indices = @transform_6, window_bounds = array<i64: 1, 1024, 8>}, {transform_indices = @transform_7, window_bounds = array<i64: 1, 2048, 256>}, {transform_indices = @transform_8, window_bounds = array<i64: 1, 2048, 256>}]} {
    %get3A = arith.constant 0 : index
    %get3A_0 = arith.constant 0 : index
    %get3A_1 = arith.constant 0 : index
    %get3A_2 = arith.constant 0 : index
    %get3A_3 = vector.load %arg1[%get3A, %get3A_0, %get3A_1, %get3A_2] : memref<1x16x8x2048xf32, #tpu.memory_space<vmem>>, vector<1x16x8x2048xf32>
    %get3A_4 = vector.shape_cast %get3A_3 : vector<1x16x8x2048xf32> to vector<16x8x2048xf32>
    %get3A_5 = arith.constant 0 : index
    %get3A_6 = arith.constant 0 : index
    %get3A_7 = arith.constant 0 : index
    %get3A_8 = arith.constant 0 : index
    %get3A_9 = vector.load %arg2[%get3A_5, %get3A_6, %get3A_7, %get3A_8] : memref<1x16x8x1024xf32, #tpu.memory_space<vmem>>, vector<1x16x8x1024xf32>
    %get3A_10 = vector.shape_cast %get3A_9 : vector<1x16x8x1024xf32> to vector<16x8x1024xf32>
    %mul3A = arith.mulf %get3A_4, %get3A_4 : vector<16x8x2048xf32>
    %slice3A = vector.extract_strided_slice %mul3A {offsets = [0, 0, 0], sizes = [1, 8, 2048], strides = [1, 1, 1]} : vector<16x8x2048xf32> to vector<1x8x2048xf32>
    %squeeze3A = vector.shape_cast %slice3A : vector<1x8x2048xf32> to vector<8x2048xf32>
    %slice3A_11 = vector.extract_strided_slice %mul3A {offsets = [1, 0, 0], sizes = [1, 8, 2048], strides = [1, 1, 1]} : vector<16x8x2048xf32> to vector<1x8x2048xf32>
    %squeeze3A_12 = vector.shape_cast %slice3A_11 : vector<1x8x2048xf32> to vector<8x2048xf32>
    %add3A = arith.addf %squeeze3A, %squeeze3A_12 : vector<8x2048xf32>
    %slice3A_13 = vector.extract_strided_slice %mul3A {offsets = [2, 0, 0], sizes = [1, 8, 2048], strides = [1, 1, 1]} : vector<16x8x2048xf32> to vector<1x8x2048xf32>
    %squeeze3A_14 = vector.shape_cast %slice3A_13 : vector<1x8x2048xf32> to vector<8x2048xf32>
    %add3A_15 = arith.addf %add3A, %squeeze3A_14 : vector<8x2048xf32>
    %slice3A_16 = vector.extract_strided_slice %mul3A {offsets = [3, 0, 0], sizes = [1, 8, 2048], strides = [1, 1, 1]} : vector<16x8x2048xf32> to vector<1x8x2048xf32>
    %squeeze3A_17 = vector.shape_cast %slice3A_16 : vector<1x8x2048xf32> to vector<8x2048xf32>
    %add3A_18 = arith.addf %add3A_15, %squeeze3A_17 : vector<8x2048xf32>
    %slice3A_19 = vector.extract_strided_slice %mul3A {offsets = [4, 0, 0], sizes = [1, 8, 2048], strides = [1, 1, 1]} : vector<16x8x2048xf32> to vector<1x8x2048xf32>
    %squeeze3A_20 = vector.shape_cast %slice3A_19 : vector<1x8x2048xf32> to vector<8x2048xf32>
    %add3A_21 = arith.addf %add3A_18, %squeeze3A_20 : vector<8x2048xf32>
    %slice3A_22 = vector.extract_strided_slice %mul3A {offsets = [5, 0, 0], sizes = [1, 8, 2048], strides = [1, 1, 1]} : vector<16x8x2048xf32> to vector<1x8x2048xf32>
    %squeeze3A_23 = vector.shape_cast %slice3A_22 : vector<1x8x2048xf32> to vector<8x2048xf32>
    %add3A_24 = arith.addf %add3A_21, %squeeze3A_23 : vector<8x2048xf32>
    %slice3A_25 = vector.extract_strided_slice %mul3A {offsets = [6, 0, 0], sizes = [1, 8, 2048], strides = [1, 1, 1]} : vector<16x8x2048xf32> to vector<1x8x2048xf32>
    %squeeze3A_26 = vector.shape_cast %slice3A_25 : vector<1x8x2048xf32> to vector<8x2048xf32>
    %add3A_27 = arith.addf %add3A_24, %squeeze3A_26 : vector<8x2048xf32>
    %slice3A_28 = vector.extract_strided_slice %mul3A {offsets = [7, 0, 0], sizes = [1, 8, 2048], strides = [1, 1, 1]} : vector<16x8x2048xf32> to vector<1x8x2048xf32>
    %squeeze3A_29 = vector.shape_cast %slice3A_28 : vector<1x8x2048xf32> to vector<8x2048xf32>
    %add3A_30 = arith.addf %add3A_27, %squeeze3A_29 : vector<8x2048xf32>
    %slice3A_31 = vector.extract_strided_slice %mul3A {offsets = [8, 0, 0], sizes = [1, 8, 2048], strides = [1, 1, 1]} : vector<16x8x2048xf32> to vector<1x8x2048xf32>
    %squeeze3A_32 = vector.shape_cast %slice3A_31 : vector<1x8x2048xf32> to vector<8x2048xf32>
    %add3A_33 = arith.addf %add3A_30, %squeeze3A_32 : vector<8x2048xf32>
    %slice3A_34 = vector.extract_strided_slice %mul3A {offsets = [9, 0, 0], sizes = [1, 8, 2048], strides = [1, 1, 1]} : vector<16x8x2048xf32> to vector<1x8x2048xf32>
    %squeeze3A_35 = vector.shape_cast %slice3A_34 : vector<1x8x2048xf32> to vector<8x2048xf32>
    %add3A_36 = arith.addf %add3A_33, %squeeze3A_35 : vector<8x2048xf32>
    %slice3A_37 = vector.extract_strided_slice %mul3A {offsets = [10, 0, 0], sizes = [1, 8, 2048], strides = [1, 1, 1]} : vector<16x8x2048xf32> to vector<1x8x2048xf32>
    %squeeze3A_38 = vector.shape_cast %slice3A_37 : vector<1x8x2048xf32> to vector<8x2048xf32>
    %add3A_39 = arith.addf %add3A_36, %squeeze3A_38 : vector<8x2048xf32>
    %slice3A_40 = vector.extract_strided_slice %mul3A {offsets = [11, 0, 0], sizes = [1, 8, 2048], strides = [1, 1, 1]} : vector<16x8x2048xf32> to vector<1x8x2048xf32>
    %squeeze3A_41 = vector.shape_cast %slice3A_40 : vector<1x8x2048xf32> to vector<8x2048xf32>
    %add3A_42 = arith.addf %add3A_39, %squeeze3A_41 : vector<8x2048xf32>
    %slice3A_43 = vector.extract_strided_slice %mul3A {offsets = [12, 0, 0], sizes = [1, 8, 2048], strides = [1, 1, 1]} : vector<16x8x2048xf32> to vector<1x8x2048xf32>
    %squeeze3A_44 = vector.shape_cast %slice3A_43 : vector<1x8x2048xf32> to vector<8x2048xf32>
    %add3A_45 = arith.addf %add3A_42, %squeeze3A_44 : vector<8x2048xf32>
    %slice3A_46 = vector.extract_strided_slice %mul3A {offsets = [13, 0, 0], sizes = [1, 8, 2048], strides = [1, 1, 1]} : vector<16x8x2048xf32> to vector<1x8x2048xf32>
    %squeeze3A_47 = vector.shape_cast %slice3A_46 : vector<1x8x2048xf32> to vector<8x2048xf32>
    %add3A_48 = arith.addf %add3A_45, %squeeze3A_47 : vector<8x2048xf32>
    %slice3A_49 = vector.extract_strided_slice %mul3A {offsets = [14, 0, 0], sizes = [1, 8, 2048], strides = [1, 1, 1]} : vector<16x8x2048xf32> to vector<1x8x2048xf32>
    %squeeze3A_50 = vector.shape_cast %slice3A_49 : vector<1x8x2048xf32> to vector<8x2048xf32>
    %add3A_51 = arith.addf %add3A_48, %squeeze3A_50 : vector<8x2048xf32>
    %slice3A_52 = vector.extract_strided_slice %mul3A {offsets = [15, 0, 0], sizes = [1, 8, 2048], strides = [1, 1, 1]} : vector<16x8x2048xf32> to vector<1x8x2048xf32>
    %squeeze3A_53 = vector.shape_cast %slice3A_52 : vector<1x8x2048xf32> to vector<8x2048xf32>
    %add3A_54 = arith.addf %add3A_51, %squeeze3A_53 : vector<8x2048xf32>
    %slice3A_55 = vector.extract_strided_slice %add3A_54 {offsets = [0, 0], sizes = [4, 2048], strides = [1, 1]} : vector<8x2048xf32> to vector<4x2048xf32>
    %slice3A_56 = vector.extract_strided_slice %add3A_54 {offsets = [4, 0], sizes = [4, 2048], strides = [1, 1]} : vector<8x2048xf32> to vector<4x2048xf32>
    %add3A_57 = arith.addf %slice3A_55, %slice3A_56 : vector<4x2048xf32>
    %slice3A_58 = vector.extract_strided_slice %add3A_57 {offsets = [0, 0], sizes = [2, 2048], strides = [1, 1]} : vector<4x2048xf32> to vector<2x2048xf32>
    %slice3A_59 = vector.extract_strided_slice %add3A_57 {offsets = [2, 0], sizes = [2, 2048], strides = [1, 1]} : vector<4x2048xf32> to vector<2x2048xf32>
    %add3A_60 = arith.addf %slice3A_58, %slice3A_59 : vector<2x2048xf32>
    %slice3A_61 = vector.extract_strided_slice %add3A_60 {offsets = [0, 0], sizes = [1, 2048], strides = [1, 1]} : vector<2x2048xf32> to vector<1x2048xf32>
    %slice3A_62 = vector.extract_strided_slice %add3A_60 {offsets = [1, 0], sizes = [1, 2048], strides = [1, 1]} : vector<2x2048xf32> to vector<1x2048xf32>
    %add3A_63 = arith.addf %slice3A_61, %slice3A_62 : vector<1x2048xf32>
    %mul3A_64 = arith.mulf %get3A_10, %get3A_10 : vector<16x8x1024xf32>
    %slice3A_65 = vector.extract_strided_slice %mul3A_64 {offsets = [0, 0, 0], sizes = [1, 8, 1024], strides = [1, 1, 1]} : vector<16x8x1024xf32> to vector<1x8x1024xf32>
    %squeeze3A_66 = vector.shape_cast %slice3A_65 : vector<1x8x1024xf32> to vector<8x1024xf32>
    %slice3A_67 = vector.extract_strided_slice %mul3A_64 {offsets = [1, 0, 0], sizes = [1, 8, 1024], strides = [1, 1, 1]} : vector<16x8x1024xf32> to vector<1x8x1024xf32>
    %squeeze3A_68 = vector.shape_cast %slice3A_67 : vector<1x8x1024xf32> to vector<8x1024xf32>
    %add3A_69 = arith.addf %squeeze3A_66, %squeeze3A_68 : vector<8x1024xf32>
    %slice3A_70 = vector.extract_strided_slice %mul3A_64 {offsets = [2, 0, 0], sizes = [1, 8, 1024], strides = [1, 1, 1]} : vector<16x8x1024xf32> to vector<1x8x1024xf32>
    %squeeze3A_71 = vector.shape_cast %slice3A_70 : vector<1x8x1024xf32> to vector<8x1024xf32>
    %add3A_72 = arith.addf %add3A_69, %squeeze3A_71 : vector<8x1024xf32>
    %slice3A_73 = vector.extract_strided_slice %mul3A_64 {offsets = [3, 0, 0], sizes = [1, 8, 1024], strides = [1, 1, 1]} : vector<16x8x1024xf32> to vector<1x8x1024xf32>
    %squeeze3A_74 = vector.shape_cast %slice3A_73 : vector<1x8x1024xf32> to vector<8x1024xf32>
    %add3A_75 = arith.addf %add3A_72, %squeeze3A_74 : vector<8x1024xf32>
    %slice3A_76 = vector.extract_strided_slice %mul3A_64 {offsets = [4, 0, 0], sizes = [1, 8, 1024], strides = [1, 1, 1]} : vector<16x8x1024xf32> to vector<1x8x1024xf32>
    %squeeze3A_77 = vector.shape_cast %slice3A_76 : vector<1x8x1024xf32> to vector<8x1024xf32>
    %add3A_78 = arith.addf %add3A_75, %squeeze3A_77 : vector<8x1024xf32>
    %slice3A_79 = vector.extract_strided_slice %mul3A_64 {offsets = [5, 0, 0], sizes = [1, 8, 1024], strides = [1, 1, 1]} : vector<16x8x1024xf32> to vector<1x8x1024xf32>
    %squeeze3A_80 = vector.shape_cast %slice3A_79 : vector<1x8x1024xf32> to vector<8x1024xf32>
    %add3A_81 = arith.addf %add3A_78, %squeeze3A_80 : vector<8x1024xf32>
    %slice3A_82 = vector.extract_strided_slice %mul3A_64 {offsets = [6, 0, 0], sizes = [1, 8, 1024], strides = [1, 1, 1]} : vector<16x8x1024xf32> to vector<1x8x1024xf32>
    %squeeze3A_83 = vector.shape_cast %slice3A_82 : vector<1x8x1024xf32> to vector<8x1024xf32>
    %add3A_84 = arith.addf %add3A_81, %squeeze3A_83 : vector<8x1024xf32>
    %slice3A_85 = vector.extract_strided_slice %mul3A_64 {offsets = [7, 0, 0], sizes = [1, 8, 1024], strides = [1, 1, 1]} : vector<16x8x1024xf32> to vector<1x8x1024xf32>
    %squeeze3A_86 = vector.shape_cast %slice3A_85 : vector<1x8x1024xf32> to vector<8x1024xf32>
    %add3A_87 = arith.addf %add3A_84, %squeeze3A_86 : vector<8x1024xf32>
    %slice3A_88 = vector.extract_strided_slice %mul3A_64 {offsets = [8, 0, 0], sizes = [1, 8, 1024], strides = [1, 1, 1]} : vector<16x8x1024xf32> to vector<1x8x1024xf32>
    %squeeze3A_89 = vector.shape_cast %slice3A_88 : vector<1x8x1024xf32> to vector<8x1024xf32>
    %add3A_90 = arith.addf %add3A_87, %squeeze3A_89 : vector<8x1024xf32>
    %slice3A_91 = vector.extract_strided_slice %mul3A_64 {offsets = [9, 0, 0], sizes = [1, 8, 1024], strides = [1, 1, 1]} : vector<16x8x1024xf32> to vector<1x8x1024xf32>
    %squeeze3A_92 = vector.shape_cast %slice3A_91 : vector<1x8x1024xf32> to vector<8x1024xf32>
    %add3A_93 = arith.addf %add3A_90, %squeeze3A_92 : vector<8x1024xf32>
    %slice3A_94 = vector.extract_strided_slice %mul3A_64 {offsets = [10, 0, 0], sizes = [1, 8, 1024], strides = [1, 1, 1]} : vector<16x8x1024xf32> to vector<1x8x1024xf32>
    %squeeze3A_95 = vector.shape_cast %slice3A_94 : vector<1x8x1024xf32> to vector<8x1024xf32>
    %add3A_96 = arith.addf %add3A_93, %squeeze3A_95 : vector<8x1024xf32>
    %slice3A_97 = vector.extract_strided_slice %mul3A_64 {offsets = [11, 0, 0], sizes = [1, 8, 1024], strides = [1, 1, 1]} : vector<16x8x1024xf32> to vector<1x8x1024xf32>
    %squeeze3A_98 = vector.shape_cast %slice3A_97 : vector<1x8x1024xf32> to vector<8x1024xf32>
    %add3A_99 = arith.addf %add3A_96, %squeeze3A_98 : vector<8x1024xf32>
    %slice3A_100 = vector.extract_strided_slice %mul3A_64 {offsets = [12, 0, 0], sizes = [1, 8, 1024], strides = [1, 1, 1]} : vector<16x8x1024xf32> to vector<1x8x1024xf32>
    %squeeze3A_101 = vector.shape_cast %slice3A_100 : vector<1x8x1024xf32> to vector<8x1024xf32>
    %add3A_102 = arith.addf %add3A_99, %squeeze3A_101 : vector<8x1024xf32>
    %slice3A_103 = vector.extract_strided_slice %mul3A_64 {offsets = [13, 0, 0], sizes = [1, 8, 1024], strides = [1, 1, 1]} : vector<16x8x1024xf32> to vector<1x8x1024xf32>
    %squeeze3A_104 = vector.shape_cast %slice3A_103 : vector<1x8x1024xf32> to vector<8x1024xf32>
    %add3A_105 = arith.addf %add3A_102, %squeeze3A_104 : vector<8x1024xf32>
    %slice3A_106 = vector.extract_strided_slice %mul3A_64 {offsets = [14, 0, 0], sizes = [1, 8, 1024], strides = [1, 1, 1]} : vector<16x8x1024xf32> to vector<1x8x1024xf32>
    %squeeze3A_107 = vector.shape_cast %slice3A_106 : vector<1x8x1024xf32> to vector<8x1024xf32>
    %add3A_108 = arith.addf %add3A_105, %squeeze3A_107 : vector<8x1024xf32>
    %slice3A_109 = vector.extract_strided_slice %mul3A_64 {offsets = [15, 0, 0], sizes = [1, 8, 1024], strides = [1, 1, 1]} : vector<16x8x1024xf32> to vector<1x8x1024xf32>
    %squeeze3A_110 = vector.shape_cast %slice3A_109 : vector<1x8x1024xf32> to vector<8x1024xf32>
    %add3A_111 = arith.addf %add3A_108, %squeeze3A_110 : vector<8x1024xf32>
    %slice3A_112 = vector.extract_strided_slice %add3A_111 {offsets = [0, 0], sizes = [4, 1024], strides = [1, 1]} : vector<8x1024xf32> to vector<4x1024xf32>
    %slice3A_113 = vector.extract_strided_slice %add3A_111 {offsets = [4, 0], sizes = [4, 1024], strides = [1, 1]} : vector<8x1024xf32> to vector<4x1024xf32>
    %add3A_114 = arith.addf %slice3A_112, %slice3A_113 : vector<4x1024xf32>
    %slice3A_115 = vector.extract_strided_slice %add3A_114 {offsets = [0, 0], sizes = [2, 1024], strides = [1, 1]} : vector<4x1024xf32> to vector<2x1024xf32>
    %slice3A_116 = vector.extract_strided_slice %add3A_114 {offsets = [2, 0], sizes = [2, 1024], strides = [1, 1]} : vector<4x1024xf32> to vector<2x1024xf32>
    %add3A_117 = arith.addf %slice3A_115, %slice3A_116 : vector<2x1024xf32>
    %slice3A_118 = vector.extract_strided_slice %add3A_117 {offsets = [0, 0], sizes = [1, 1024], strides = [1, 1]} : vector<2x1024xf32> to vector<1x1024xf32>
    %slice3A_119 = vector.extract_strided_slice %add3A_117 {offsets = [1, 0], sizes = [1, 1024], strides = [1, 1]} : vector<2x1024xf32> to vector<1x1024xf32>
    %add3A_120 = arith.addf %slice3A_118, %slice3A_119 : vector<1x1024xf32>
    %transpose3A = tpu.transpose %add3A_120, [1, 0] : vector<1x1024xf32> -> vector<1024x1xf32>
    %get3A_121 = arith.constant 0 : index
    %get3A_122 = arith.constant 0 : index
    %get3A_123 = arith.constant 0 : index
    %get3A_124 = vector.load %arg3[%get3A_121, %get3A_122, %get3A_123] : memref<1x1024x128xf32, #tpu.memory_space<vmem>>, vector<1x1024x128xf32>
    %get3A_125 = vector.shape_cast %get3A_124 : vector<1x1024x128xf32> to vector<1024x128xf32>
    %convert_element_type3A = arith.truncf %get3A_125 : vector<1024x128xf32> to vector<1024x128xbf16>
    %get3A_126 = arith.constant 0 : index
    %get3A_127 = arith.constant 0 : index
    %get3A_128 = arith.constant 0 : index
    %get3A_129 = vector.load %arg4[%get3A_126, %get3A_127, %get3A_128] : memref<1x2048x128xf32, #tpu.memory_space<vmem>>, vector<1x2048x128xf32>
    %get3A_130 = vector.shape_cast %get3A_129 : vector<1x2048x128xf32> to vector<2048x128xf32>
    %convert_element_type3A_131 = arith.truncf %get3A_130 : vector<2048x128xf32> to vector<2048x128xbf16>
    %dot_general3A = arith.constant dense<0.000000e+00> : vector<1024x2048xf32>
    %dot_general3A_132 = tpu.matmul %convert_element_type3A, %convert_element_type3A_131, %dot_general3A {dimension_numbers = #tpu.dot_dimension_numbers<[1], [1], [0], [0], [0, 0, 1, 0], [], []>, transpose_lhs_hint = false} : vector<1024x128xbf16>, vector<2048x128xbf16>, vector<1024x2048xf32> -> vector<1024x2048xf32>
    %add3A_133 = vector.broadcast %transpose3A : vector<1024x1xf32> to vector<1024x2048xf32>
    %add3A_134 = vector.broadcast %add3A_63 : vector<1x2048xf32> to vector<1024x2048xf32>
    %add3A_135 = arith.addf %add3A_133, %add3A_134 : vector<1024x2048xf32>
    %mul3A_136 = arith.constant 2.000000e+00 : f32
    %mul3A_137 = vector.broadcast %mul3A_136 : f32 to vector<1024x2048xf32>
    %mul3A_138 = arith.mulf %mul3A_137, %dot_general3A_132 : vector<1024x2048xf32>
    %sub3A = arith.subf %add3A_135, %mul3A_138 : vector<1024x2048xf32>
    %iota3A = tpu.iota {dimensions = array<i32: 1>} : vector<1024x2048xi32>
    %reduce_min3A = arith.constant dense<0x7F800000> : vector<1024xf32>
    %reduce_min3A_139 = vector.multi_reduction <minimumf>, %sub3A, %reduce_min3A [1] : vector<1024x2048xf32> to vector<1024xf32>
    %broadcast_in_dim3A = vector.shape_cast %reduce_min3A_139 : vector<1024xf32> to vector<1024x1xf32>
    %eq3A = vector.broadcast %broadcast_in_dim3A : vector<1024x1xf32> to vector<1024x2048xf32>
    %eq3A_140 = arith.cmpf oeq, %sub3A, %eq3A : vector<1024x2048xf32>
    %jit3A = arith.constant 2048 : i32
    %broadcast_in_dim3A_141 = vector.broadcast %jit3A : i32 to vector<1024x2048xi32>
    %select_n3A = arith.select %eq3A_140, %iota3A, %broadcast_in_dim3A_141 : vector<1024x2048xi1>, vector<1024x2048xi32>
    %reduce_min3A_142 = arith.constant dense<2147483647> : vector<1024xi32>
    %reduce_min3A_143 = vector.multi_reduction <minsi>, %select_n3A, %reduce_min3A_142 [1] : vector<1024x2048xi32> to vector<1024xi32>
    %broadcast_in_dim3A_144 = vector.shape_cast %reduce_min3A_143 : vector<1024xi32> to vector<1024x1xi32>
    %eq3A_145 = vector.broadcast %broadcast_in_dim3A_144 : vector<1024x1xi32> to vector<1024x2048xi32>
    %eq3A_146 = arith.cmpi eq, %iota3A, %eq3A_145 : vector<1024x2048xi32>
    %jit3A_147 = arith.constant 0x7F800000 : f32
    %broadcast_in_dim3A_148 = vector.broadcast %jit3A_147 : f32 to vector<1024x2048xf32>
    %select_n3A_149 = arith.select %eq3A_146, %broadcast_in_dim3A_148, %sub3A : vector<1024x2048xi1>, vector<1024x2048xf32>
    %reduce_min3A_150 = arith.constant dense<0x7F800000> : vector<1024xf32>
    %reduce_min3A_151 = vector.multi_reduction <minimumf>, %select_n3A_149, %reduce_min3A_150 [1] : vector<1024x2048xf32> to vector<1024xf32>
    %broadcast_in_dim3A_152 = vector.shape_cast %reduce_min3A_151 : vector<1024xf32> to vector<1024x1xf32>
    %eq3A_153 = vector.broadcast %broadcast_in_dim3A_152 : vector<1024x1xf32> to vector<1024x2048xf32>
    %eq3A_154 = arith.cmpf oeq, %select_n3A_149, %eq3A_153 : vector<1024x2048xf32>
    %jit3A_155 = arith.constant 2048 : i32
    %broadcast_in_dim3A_156 = vector.broadcast %jit3A_155 : i32 to vector<1024x2048xi32>
    %select_n3A_157 = arith.select %eq3A_154, %iota3A, %broadcast_in_dim3A_156 : vector<1024x2048xi1>, vector<1024x2048xi32>
    %reduce_min3A_158 = arith.constant dense<2147483647> : vector<1024xi32>
    %reduce_min3A_159 = vector.multi_reduction <minsi>, %select_n3A_157, %reduce_min3A_158 [1] : vector<1024x2048xi32> to vector<1024xi32>
    %broadcast_in_dim3A_160 = vector.shape_cast %reduce_min3A_159 : vector<1024xi32> to vector<1024x1xi32>
    %eq3A_161 = vector.broadcast %broadcast_in_dim3A_160 : vector<1024x1xi32> to vector<1024x2048xi32>
    %eq3A_162 = arith.cmpi eq, %iota3A, %eq3A_161 : vector<1024x2048xi32>
    %jit3A_163 = arith.constant 0x7F800000 : f32
    %broadcast_in_dim3A_164 = vector.broadcast %jit3A_163 : f32 to vector<1024x2048xf32>
    %select_n3A_165 = arith.select %eq3A_162, %broadcast_in_dim3A_164, %select_n3A_149 : vector<1024x2048xi1>, vector<1024x2048xf32>
    %reduce_min3A_166 = arith.constant dense<0x7F800000> : vector<1024xf32>
    %reduce_min3A_167 = vector.multi_reduction <minimumf>, %select_n3A_165, %reduce_min3A_166 [1] : vector<1024x2048xf32> to vector<1024xf32>
    %broadcast_in_dim3A_168 = vector.shape_cast %reduce_min3A_167 : vector<1024xf32> to vector<1024x1xf32>
    %eq3A_169 = vector.broadcast %broadcast_in_dim3A_168 : vector<1024x1xf32> to vector<1024x2048xf32>
    %eq3A_170 = arith.cmpf oeq, %select_n3A_165, %eq3A_169 : vector<1024x2048xf32>
    %jit3A_171 = arith.constant 2048 : i32
    %broadcast_in_dim3A_172 = vector.broadcast %jit3A_171 : i32 to vector<1024x2048xi32>
    %select_n3A_173 = arith.select %eq3A_170, %iota3A, %broadcast_in_dim3A_172 : vector<1024x2048xi1>, vector<1024x2048xi32>
    %reduce_min3A_174 = arith.constant dense<2147483647> : vector<1024xi32>
    %reduce_min3A_175 = vector.multi_reduction <minsi>, %select_n3A_173, %reduce_min3A_174 [1] : vector<1024x2048xi32> to vector<1024xi32>
    %broadcast_in_dim3A_176 = vector.shape_cast %reduce_min3A_175 : vector<1024xi32> to vector<1024x1xi32>
    %eq3A_177 = vector.broadcast %broadcast_in_dim3A_176 : vector<1024x1xi32> to vector<1024x2048xi32>
    %eq3A_178 = arith.cmpi eq, %iota3A, %eq3A_177 : vector<1024x2048xi32>
    %jit3A_179 = arith.constant 0x7F800000 : f32
    %broadcast_in_dim3A_180 = vector.broadcast %jit3A_179 : f32 to vector<1024x2048xf32>
    %select_n3A_181 = arith.select %eq3A_178, %broadcast_in_dim3A_180, %select_n3A_165 : vector<1024x2048xi1>, vector<1024x2048xf32>
    %reduce_min3A_182 = arith.constant dense<0x7F800000> : vector<1024xf32>
    %reduce_min3A_183 = vector.multi_reduction <minimumf>, %select_n3A_181, %reduce_min3A_182 [1] : vector<1024x2048xf32> to vector<1024xf32>
    %broadcast_in_dim3A_184 = vector.shape_cast %reduce_min3A_183 : vector<1024xf32> to vector<1024x1xf32>
    %eq3A_185 = vector.broadcast %broadcast_in_dim3A_184 : vector<1024x1xf32> to vector<1024x2048xf32>
    %eq3A_186 = arith.cmpf oeq, %select_n3A_181, %eq3A_185 : vector<1024x2048xf32>
    %jit3A_187 = arith.constant 2048 : i32
    %broadcast_in_dim3A_188 = vector.broadcast %jit3A_187 : i32 to vector<1024x2048xi32>
    %select_n3A_189 = arith.select %eq3A_186, %iota3A, %broadcast_in_dim3A_188 : vector<1024x2048xi1>, vector<1024x2048xi32>
    %reduce_min3A_190 = arith.constant dense<2147483647> : vector<1024xi32>
    %reduce_min3A_191 = vector.multi_reduction <minsi>, %select_n3A_189, %reduce_min3A_190 [1] : vector<1024x2048xi32> to vector<1024xi32>
    %broadcast_in_dim3A_192 = vector.shape_cast %reduce_min3A_191 : vector<1024xi32> to vector<1024x1xi32>
    %eq3A_193 = vector.broadcast %broadcast_in_dim3A_192 : vector<1024x1xi32> to vector<1024x2048xi32>
    %eq3A_194 = arith.cmpi eq, %iota3A, %eq3A_193 : vector<1024x2048xi32>
    %jit3A_195 = arith.constant 0x7F800000 : f32
    %broadcast_in_dim3A_196 = vector.broadcast %jit3A_195 : f32 to vector<1024x2048xf32>
    %select_n3A_197 = arith.select %eq3A_194, %broadcast_in_dim3A_196, %select_n3A_181 : vector<1024x2048xi1>, vector<1024x2048xf32>
    %reduce_min3A_198 = arith.constant dense<0x7F800000> : vector<1024xf32>
    %reduce_min3A_199 = vector.multi_reduction <minimumf>, %select_n3A_197, %reduce_min3A_198 [1] : vector<1024x2048xf32> to vector<1024xf32>
    %broadcast_in_dim3A_200 = vector.shape_cast %reduce_min3A_199 : vector<1024xf32> to vector<1024x1xf32>
    %eq3A_201 = vector.broadcast %broadcast_in_dim3A_200 : vector<1024x1xf32> to vector<1024x2048xf32>
    %eq3A_202 = arith.cmpf oeq, %select_n3A_197, %eq3A_201 : vector<1024x2048xf32>
    %jit3A_203 = arith.constant 2048 : i32
    %broadcast_in_dim3A_204 = vector.broadcast %jit3A_203 : i32 to vector<1024x2048xi32>
    %select_n3A_205 = arith.select %eq3A_202, %iota3A, %broadcast_in_dim3A_204 : vector<1024x2048xi1>, vector<1024x2048xi32>
    %reduce_min3A_206 = arith.constant dense<2147483647> : vector<1024xi32>
    %reduce_min3A_207 = vector.multi_reduction <minsi>, %select_n3A_205, %reduce_min3A_206 [1] : vector<1024x2048xi32> to vector<1024xi32>
    %broadcast_in_dim3A_208 = vector.shape_cast %reduce_min3A_207 : vector<1024xi32> to vector<1024x1xi32>
    %eq3A_209 = vector.broadcast %broadcast_in_dim3A_208 : vector<1024x1xi32> to vector<1024x2048xi32>
    %eq3A_210 = arith.cmpi eq, %iota3A, %eq3A_209 : vector<1024x2048xi32>
    %jit3A_211 = arith.constant 0x7F800000 : f32
    %broadcast_in_dim3A_212 = vector.broadcast %jit3A_211 : f32 to vector<1024x2048xf32>
    %select_n3A_213 = arith.select %eq3A_210, %broadcast_in_dim3A_212, %select_n3A_197 : vector<1024x2048xi1>, vector<1024x2048xf32>
    %reduce_min3A_214 = arith.constant dense<0x7F800000> : vector<1024xf32>
    %reduce_min3A_215 = vector.multi_reduction <minimumf>, %select_n3A_213, %reduce_min3A_214 [1] : vector<1024x2048xf32> to vector<1024xf32>
    %broadcast_in_dim3A_216 = vector.shape_cast %reduce_min3A_215 : vector<1024xf32> to vector<1024x1xf32>
    %eq3A_217 = vector.broadcast %broadcast_in_dim3A_216 : vector<1024x1xf32> to vector<1024x2048xf32>
    %eq3A_218 = arith.cmpf oeq, %select_n3A_213, %eq3A_217 : vector<1024x2048xf32>
    %jit3A_219 = arith.constant 2048 : i32
    %broadcast_in_dim3A_220 = vector.broadcast %jit3A_219 : i32 to vector<1024x2048xi32>
    %select_n3A_221 = arith.select %eq3A_218, %iota3A, %broadcast_in_dim3A_220 : vector<1024x2048xi1>, vector<1024x2048xi32>
    %reduce_min3A_222 = arith.constant dense<2147483647> : vector<1024xi32>
    %reduce_min3A_223 = vector.multi_reduction <minsi>, %select_n3A_221, %reduce_min3A_222 [1] : vector<1024x2048xi32> to vector<1024xi32>
    %broadcast_in_dim3A_224 = vector.shape_cast %reduce_min3A_223 : vector<1024xi32> to vector<1024x1xi32>
    %eq3A_225 = vector.broadcast %broadcast_in_dim3A_224 : vector<1024x1xi32> to vector<1024x2048xi32>
    %eq3A_226 = arith.cmpi eq, %iota3A, %eq3A_225 : vector<1024x2048xi32>
    %jit3A_227 = arith.constant 0x7F800000 : f32
    %broadcast_in_dim3A_228 = vector.broadcast %jit3A_227 : f32 to vector<1024x2048xf32>
    %select_n3A_229 = arith.select %eq3A_226, %broadcast_in_dim3A_228, %select_n3A_213 : vector<1024x2048xi1>, vector<1024x2048xf32>
    %reduce_min3A_230 = arith.constant dense<0x7F800000> : vector<1024xf32>
    %reduce_min3A_231 = vector.multi_reduction <minimumf>, %select_n3A_229, %reduce_min3A_230 [1] : vector<1024x2048xf32> to vector<1024xf32>
    %broadcast_in_dim3A_232 = vector.shape_cast %reduce_min3A_231 : vector<1024xf32> to vector<1024x1xf32>
    %eq3A_233 = vector.broadcast %broadcast_in_dim3A_232 : vector<1024x1xf32> to vector<1024x2048xf32>
    %eq3A_234 = arith.cmpf oeq, %select_n3A_229, %eq3A_233 : vector<1024x2048xf32>
    %jit3A_235 = arith.constant 2048 : i32
    %broadcast_in_dim3A_236 = vector.broadcast %jit3A_235 : i32 to vector<1024x2048xi32>
    %select_n3A_237 = arith.select %eq3A_234, %iota3A, %broadcast_in_dim3A_236 : vector<1024x2048xi1>, vector<1024x2048xi32>
    %reduce_min3A_238 = arith.constant dense<2147483647> : vector<1024xi32>
    %reduce_min3A_239 = vector.multi_reduction <minsi>, %select_n3A_237, %reduce_min3A_238 [1] : vector<1024x2048xi32> to vector<1024xi32>
    %broadcast_in_dim3A_240 = vector.shape_cast %reduce_min3A_239 : vector<1024xi32> to vector<1024x1xi32>
    %eq3A_241 = vector.broadcast %broadcast_in_dim3A_240 : vector<1024x1xi32> to vector<1024x2048xi32>
    %eq3A_242 = arith.cmpi eq, %iota3A, %eq3A_241 : vector<1024x2048xi32>
    %jit3A_243 = arith.constant 0x7F800000 : f32
    %broadcast_in_dim3A_244 = vector.broadcast %jit3A_243 : f32 to vector<1024x2048xf32>
    %select_n3A_245 = arith.select %eq3A_242, %broadcast_in_dim3A_244, %select_n3A_229 : vector<1024x2048xi1>, vector<1024x2048xf32>
    %reduce_min3A_246 = arith.constant dense<0x7F800000> : vector<1024xf32>
    %reduce_min3A_247 = vector.multi_reduction <minimumf>, %select_n3A_245, %reduce_min3A_246 [1] : vector<1024x2048xf32> to vector<1024xf32>
    %broadcast_in_dim3A_248 = vector.shape_cast %reduce_min3A_247 : vector<1024xf32> to vector<1024x1xf32>
    %eq3A_249 = vector.broadcast %broadcast_in_dim3A_248 : vector<1024x1xf32> to vector<1024x2048xf32>
    %eq3A_250 = arith.cmpf oeq, %select_n3A_245, %eq3A_249 : vector<1024x2048xf32>
    %jit3A_251 = arith.constant 2048 : i32
    %broadcast_in_dim3A_252 = vector.broadcast %jit3A_251 : i32 to vector<1024x2048xi32>
    %select_n3A_253 = arith.select %eq3A_250, %iota3A, %broadcast_in_dim3A_252 : vector<1024x2048xi1>, vector<1024x2048xi32>
    %reduce_min3A_254 = arith.constant dense<2147483647> : vector<1024xi32>
    %reduce_min3A_255 = vector.multi_reduction <minsi>, %select_n3A_253, %reduce_min3A_254 [1] : vector<1024x2048xi32> to vector<1024xi32>
    %broadcast_in_dim3A_256 = vector.shape_cast %reduce_min3A_255 : vector<1024xi32> to vector<1024x1xi32>
    %concatenate3A = tpu.concatenate %broadcast_in_dim3A_144, %broadcast_in_dim3A_160, %broadcast_in_dim3A_176, %broadcast_in_dim3A_192, %broadcast_in_dim3A_208, %broadcast_in_dim3A_224, %broadcast_in_dim3A_240, %broadcast_in_dim3A_256 in 1 : vector<1024x1xi32>, vector<1024x1xi32>, vector<1024x1xi32>, vector<1024x1xi32>, vector<1024x1xi32>, vector<1024x1xi32>, vector<1024x1xi32>, vector<1024x1xi32> -> vector<1024x8xi32>
    %swap3A = arith.constant 0 : index
    %swap3A_257 = arith.constant 0 : index
    %swap3A_258 = arith.constant 0 : index
    %swap3A_259 = vector.load %arg7[%swap3A, %swap3A_257, %swap3A_258] : memref<1x1024x8xi32, #tpu.memory_space<vmem>>, vector<1x1024x8xi32>
    %swap3A_260 = vector.shape_cast %swap3A_259 : vector<1x1024x8xi32> to vector<1024x8xi32>
    %swap3A_261 = vector.shape_cast %concatenate3A : vector<1024x8xi32> to vector<1x1024x8xi32>
    tpu.vector_store %arg7[%swap3A, %swap3A_257, %swap3A_258], %swap3A_261 {strides = array<i32>} : memref<1x1024x8xi32, #tpu.memory_space<vmem>>, vector<1x1024x8xi32>,
    %get3A_262 = arith.constant 0 : index
    %get3A_263 = arith.constant 0 : index
    %get3A_264 = arith.constant 0 : index
    %get3A_265 = vector.load %arg5[%get3A_262, %get3A_263, %get3A_264] : memref<1x2048x256xf32, #tpu.memory_space<vmem>>, vector<1x2048x256xf32>
    %get3A_266 = vector.shape_cast %get3A_265 : vector<1x2048x256xf32> to vector<2048x256xf32>
    %convert_element_type3A_267 = arith.truncf %get3A_266 : vector<2048x256xf32> to vector<2048x256xbf16>
    %get3A_268 = arith.constant 0 : index
    %get3A_269 = arith.constant 0 : index
    %get3A_270 = vector.load %arg6[%get3A_268, %get3A_269] : memref<256x512xf32, #tpu.memory_space<vmem>>, vector<256x512xf32>
    %slice3A_271 = vector.extract_strided_slice %get3A_270 {offsets = [0, 0], sizes = [256, 256], strides = [1, 1]} : vector<256x512xf32> to vector<256x256xf32>
    %convert_element_type3A_272 = arith.truncf %slice3A_271 : vector<256x256xf32> to vector<256x256xbf16>
    %slice3A_273 = vector.extract_strided_slice %get3A_270 {offsets = [0, 256], sizes = [256, 256], strides = [1, 1]} : vector<256x512xf32> to vector<256x256xf32>
    %slice3A_274 = vector.extract_strided_slice %get3A_270 {offsets = [0, 0], sizes = [256, 256], strides = [1, 1]} : vector<256x512xf32> to vector<256x256xf32>
    %sub3A_275 = arith.subf %slice3A_273, %slice3A_274 : vector<256x256xf32>
    %convert_element_type3A_276 = arith.truncf %sub3A_275 : vector<256x256xf32> to vector<256x256xbf16>
    %dot_general3A_277 = arith.constant dense<0.000000e+00> : vector<2048x256xf32>
    %dot_general3A_278 = tpu.matmul %convert_element_type3A_267, %convert_element_type3A_272, %dot_general3A_277 {dimension_numbers = #tpu.dot_dimension_numbers<[1], [1], [0], [0], [0, 0, 1, 0], [], []>, transpose_lhs_hint = false} : vector<2048x256xbf16>, vector<256x256xbf16>, vector<2048x256xf32> -> vector<2048x256xf32>
    %swap3A_279 = arith.constant 0 : index
    %swap3A_280 = arith.constant 0 : index
    %swap3A_281 = arith.constant 0 : index
    %swap3A_282 = vector.load %arg8[%swap3A_279, %swap3A_280, %swap3A_281] : memref<1x2048x256xf32, #tpu.memory_space<vmem>>, vector<1x2048x256xf32>
    %swap3A_283 = vector.shape_cast %swap3A_282 : vector<1x2048x256xf32> to vector<2048x256xf32>
    %swap3A_284 = vector.shape_cast %dot_general3A_278 : vector<2048x256xf32> to vector<1x2048x256xf32>
    tpu.vector_store %arg8[%swap3A_279, %swap3A_280, %swap3A_281], %swap3A_284 {strides = array<i32>} : memref<1x2048x256xf32, #tpu.memory_space<vmem>>, vector<1x2048x256xf32>,
    %dot_general3A_285 = arith.constant dense<0.000000e+00> : vector<2048x256xf32>
    %dot_general3A_286 = tpu.matmul %convert_element_type3A_267, %convert_element_type3A_276, %dot_general3A_285 {dimension_numbers = #tpu.dot_dimension_numbers<[1], [1], [0], [0], [0, 0, 1, 0], [], []>, transpose_lhs_hint = false} : vector<2048x256xbf16>, vector<256x256xbf16>, vector<2048x256xf32> -> vector<2048x256xf32>
    %swap3A_287 = arith.constant 0 : index
    %swap3A_288 = arith.constant 0 : index
    %swap3A_289 = arith.constant 0 : index
    %swap3A_290 = vector.load %arg9[%swap3A_287, %swap3A_288, %swap3A_289] : memref<1x2048x256xf32, #tpu.memory_space<vmem>>, vector<1x2048x256xf32>
    %swap3A_291 = vector.shape_cast %swap3A_290 : vector<1x2048x256xf32> to vector<2048x256xf32>
    %swap3A_292 = vector.shape_cast %dot_general3A_286 : vector<2048x256xf32> to vector<1x2048x256xf32>
    tpu.vector_store %arg9[%swap3A_287, %swap3A_288, %swap3A_289], %swap3A_292 {strides = array<i32>} : memref<1x2048x256xf32, #tpu.memory_space<vmem>>, vector<1x2048x256xf32>,
    return
  }
  func.func @transform_0(%arg0: i32) -> (i32, i32, i32, i32) {
    %c0_i32 = arith.constant 0 : i32
    %c0_i32_0 = arith.constant 0 : i32
    %c0_i32_1 = arith.constant 0 : i32
    %c0_i32_2 = arith.constant 0 : i32
    return %arg0, %c0_i32, %c0_i32_0, %c0_i32_1 : i32, i32, i32, i32
  }
  func.func @transform_1(%arg0: i32) -> (i32, i32, i32, i32) {
    %c0_i32 = arith.constant 0 : i32
    %c0_i32_0 = arith.constant 0 : i32
    %c0_i32_1 = arith.constant 0 : i32
    %c0_i32_2 = arith.constant 0 : i32
    return %arg0, %c0_i32, %c0_i32_0, %c0_i32_1 : i32, i32, i32, i32
  }
  func.func @transform_2(%arg0: i32) -> (i32, i32, i32) {
    %c0_i32 = arith.constant 0 : i32
    %c0_i32_0 = arith.constant 0 : i32
    %c0_i32_1 = arith.constant 0 : i32
    return %arg0, %c0_i32, %c0_i32_0 : i32, i32, i32
  }
  func.func @transform_3(%arg0: i32) -> (i32, i32, i32) {
    %c0_i32 = arith.constant 0 : i32
    %c0_i32_0 = arith.constant 0 : i32
    %c0_i32_1 = arith.constant 0 : i32
    return %arg0, %c0_i32, %c0_i32_0 : i32, i32, i32
  }
  func.func @transform_4(%arg0: i32) -> (i32, i32, i32) {
    %c0_i32 = arith.constant 0 : i32
    %c0_i32_0 = arith.constant 0 : i32
    %c0_i32_1 = arith.constant 0 : i32
    return %arg0, %c0_i32, %c0_i32_0 : i32, i32, i32
  }
  func.func @transform_5(%arg0: i32) -> (i32, i32) {
    %c0_i32 = arith.constant 0 : i32
    %c0_i32_0 = arith.constant 0 : i32
    %c0_i32_1 = arith.constant 0 : i32
    return %c0_i32, %c0_i32_0 : i32, i32
  }
  func.func @transform_6(%arg0: i32) -> (i32, i32, i32) {
    %c0_i32 = arith.constant 0 : i32
    %c0_i32_0 = arith.constant 0 : i32
    %c0_i32_1 = arith.constant 0 : i32
    return %arg0, %c0_i32, %c0_i32_0 : i32, i32, i32
  }
  func.func @transform_7(%arg0: i32) -> (i32, i32, i32) {
    %c0_i32 = arith.constant 0 : i32
    %c0_i32_0 = arith.constant 0 : i32
    %c0_i32_1 = arith.constant 0 : i32
    return %arg0, %c0_i32, %c0_i32_0 : i32, i32, i32
  }
  func.func @transform_8(%arg0: i32) -> (i32, i32, i32) {
    %c0_i32 = arith.constant 0 : i32
    %c0_i32_0 = arith.constant 0 : i32
    %c0_i32_1 = arith.constant 0 : i32
    return %arg0, %c0_i32, %c0_i32_0 : i32, i32, i32
  }
}

module attributes {stable_mosaic.version = 14 : i64} {
  func.func @_pool_stats_body(%arg0: i32, %arg1: memref<1x8x1024x256xf32, #tpu.memory_space<vmem>>, %arg2: memref<1x1024x256xf32, #tpu.memory_space<vmem>>, %arg3: memref<1x256xf32, #tpu.memory_space<vmem>>, %arg4: memref<1x2x256xf32, #tpu.memory_space<vmem>>, %arg5: memref<1x1024x256xf32, #tpu.memory_space<vmem>>, %arg6: memref<1x1024x256xf32, #tpu.memory_space<vmem>>) attributes {dimension_semantics = [#tpu.dimension_semantics<arbitrary>], iteration_bounds = array<i64: 4>, scalar_prefetch = 0 : i64, scratch_operands = 0 : i64, tpu.core_type = #tpu.core_type<tc>, window_params = [{transform_indices = @transform_0, window_bounds = array<i64: 1, 8, 1024, 256>}, {transform_indices = @transform_1, window_bounds = array<i64: 1, 1024, 256>}, {pipeline_mode = #tpu.pipeline_mode<synchronous>, transform_indices = @transform_2, window_bounds = array<i64: 1, 256>}, {transform_indices = @transform_3, window_bounds = array<i64: 1, 2, 256>}, {transform_indices = @transform_4, window_bounds = array<i64: 1, 1024, 256>}, {transform_indices = @transform_5, window_bounds = array<i64: 1, 1024, 256>}]} {
    %get3A = arith.constant 0 : index
    %get3A_0 = arith.constant 0 : index
    %get3A_1 = arith.constant 0 : index
    %get3A_2 = arith.constant 0 : index
    %get3A_3 = vector.load %arg1[%get3A, %get3A_0, %get3A_1, %get3A_2] : memref<1x8x1024x256xf32, #tpu.memory_space<vmem>>, vector<1x8x1024x256xf32>
    %get3A_4 = vector.shape_cast %get3A_3 : vector<1x8x1024x256xf32> to vector<8x1024x256xf32>
    %get3A_5 = arith.constant 0 : index
    %get3A_6 = arith.constant 0 : index
    %get3A_7 = arith.constant 0 : index
    %get3A_8 = vector.load %arg2[%get3A_5, %get3A_6, %get3A_7] : memref<1x1024x256xf32, #tpu.memory_space<vmem>>, vector<1x1024x256xf32>
    %get3A_9 = vector.shape_cast %get3A_8 : vector<1x1024x256xf32> to vector<1024x256xf32>
    %get3A_10 = arith.constant 0 : index
    %get3A_11 = arith.constant 0 : index
    %get3A_12 = vector.load %arg3[%get3A_10, %get3A_11] : memref<1x256xf32, #tpu.memory_space<vmem>>, vector<1x256xf32>
    %add3A = vector.broadcast %get3A_12 : vector<1x256xf32> to vector<1024x256xf32>
    %add3A_13 = arith.addf %get3A_9, %add3A : vector<1024x256xf32>
    %slice3A = vector.extract_strided_slice %get3A_4 {offsets = [0, 0, 0], sizes = [1, 1024, 256], strides = [1, 1, 1]} : vector<8x1024x256xf32> to vector<1x1024x256xf32>
    %squeeze3A = vector.shape_cast %slice3A : vector<1x1024x256xf32> to vector<1024x256xf32>
    %add3A_14 = arith.addf %squeeze3A, %add3A_13 : vector<1024x256xf32>
    %mul3A = arith.mulf %add3A_14, %add3A_14 : vector<1024x256xf32>
    %slice3A_15 = vector.extract_strided_slice %get3A_4 {offsets = [1, 0, 0], sizes = [1, 1024, 256], strides = [1, 1, 1]} : vector<8x1024x256xf32> to vector<1x1024x256xf32>
    %squeeze3A_16 = vector.shape_cast %slice3A_15 : vector<1x1024x256xf32> to vector<1024x256xf32>
    %add3A_17 = arith.addf %squeeze3A_16, %add3A_13 : vector<1024x256xf32>
    %max3A = arith.maximumf %add3A_14, %add3A_17 : vector<1024x256xf32>
    %min3A = arith.minimumf %add3A_14, %add3A_17 : vector<1024x256xf32>
    %add3A_18 = arith.addf %add3A_14, %add3A_17 : vector<1024x256xf32>
    %mul3A_19 = arith.mulf %add3A_17, %add3A_17 : vector<1024x256xf32>
    %add3A_20 = arith.addf %mul3A, %mul3A_19 : vector<1024x256xf32>
    %slice3A_21 = vector.extract_strided_slice %get3A_4 {offsets = [2, 0, 0], sizes = [1, 1024, 256], strides = [1, 1, 1]} : vector<8x1024x256xf32> to vector<1x1024x256xf32>
    %squeeze3A_22 = vector.shape_cast %slice3A_21 : vector<1x1024x256xf32> to vector<1024x256xf32>
    %add3A_23 = arith.addf %squeeze3A_22, %add3A_13 : vector<1024x256xf32>
    %max3A_24 = arith.maximumf %max3A, %add3A_23 : vector<1024x256xf32>
    %min3A_25 = arith.minimumf %min3A, %add3A_23 : vector<1024x256xf32>
    %add3A_26 = arith.addf %add3A_18, %add3A_23 : vector<1024x256xf32>
    %mul3A_27 = arith.mulf %add3A_23, %add3A_23 : vector<1024x256xf32>
    %add3A_28 = arith.addf %add3A_20, %mul3A_27 : vector<1024x256xf32>
    %slice3A_29 = vector.extract_strided_slice %get3A_4 {offsets = [3, 0, 0], sizes = [1, 1024, 256], strides = [1, 1, 1]} : vector<8x1024x256xf32> to vector<1x1024x256xf32>
    %squeeze3A_30 = vector.shape_cast %slice3A_29 : vector<1x1024x256xf32> to vector<1024x256xf32>
    %add3A_31 = arith.addf %squeeze3A_30, %add3A_13 : vector<1024x256xf32>
    %max3A_32 = arith.maximumf %max3A_24, %add3A_31 : vector<1024x256xf32>
    %min3A_33 = arith.minimumf %min3A_25, %add3A_31 : vector<1024x256xf32>
    %add3A_34 = arith.addf %add3A_26, %add3A_31 : vector<1024x256xf32>
    %mul3A_35 = arith.mulf %add3A_31, %add3A_31 : vector<1024x256xf32>
    %add3A_36 = arith.addf %add3A_28, %mul3A_35 : vector<1024x256xf32>
    %slice3A_37 = vector.extract_strided_slice %get3A_4 {offsets = [4, 0, 0], sizes = [1, 1024, 256], strides = [1, 1, 1]} : vector<8x1024x256xf32> to vector<1x1024x256xf32>
    %squeeze3A_38 = vector.shape_cast %slice3A_37 : vector<1x1024x256xf32> to vector<1024x256xf32>
    %add3A_39 = arith.addf %squeeze3A_38, %add3A_13 : vector<1024x256xf32>
    %max3A_40 = arith.maximumf %max3A_32, %add3A_39 : vector<1024x256xf32>
    %min3A_41 = arith.minimumf %min3A_33, %add3A_39 : vector<1024x256xf32>
    %add3A_42 = arith.addf %add3A_34, %add3A_39 : vector<1024x256xf32>
    %mul3A_43 = arith.mulf %add3A_39, %add3A_39 : vector<1024x256xf32>
    %add3A_44 = arith.addf %add3A_36, %mul3A_43 : vector<1024x256xf32>
    %slice3A_45 = vector.extract_strided_slice %get3A_4 {offsets = [5, 0, 0], sizes = [1, 1024, 256], strides = [1, 1, 1]} : vector<8x1024x256xf32> to vector<1x1024x256xf32>
    %squeeze3A_46 = vector.shape_cast %slice3A_45 : vector<1x1024x256xf32> to vector<1024x256xf32>
    %add3A_47 = arith.addf %squeeze3A_46, %add3A_13 : vector<1024x256xf32>
    %max3A_48 = arith.maximumf %max3A_40, %add3A_47 : vector<1024x256xf32>
    %min3A_49 = arith.minimumf %min3A_41, %add3A_47 : vector<1024x256xf32>
    %add3A_50 = arith.addf %add3A_42, %add3A_47 : vector<1024x256xf32>
    %mul3A_51 = arith.mulf %add3A_47, %add3A_47 : vector<1024x256xf32>
    %add3A_52 = arith.addf %add3A_44, %mul3A_51 : vector<1024x256xf32>
    %slice3A_53 = vector.extract_strided_slice %get3A_4 {offsets = [6, 0, 0], sizes = [1, 1024, 256], strides = [1, 1, 1]} : vector<8x1024x256xf32> to vector<1x1024x256xf32>
    %squeeze3A_54 = vector.shape_cast %slice3A_53 : vector<1x1024x256xf32> to vector<1024x256xf32>
    %add3A_55 = arith.addf %squeeze3A_54, %add3A_13 : vector<1024x256xf32>
    %max3A_56 = arith.maximumf %max3A_48, %add3A_55 : vector<1024x256xf32>
    %min3A_57 = arith.minimumf %min3A_49, %add3A_55 : vector<1024x256xf32>
    %add3A_58 = arith.addf %add3A_50, %add3A_55 : vector<1024x256xf32>
    %mul3A_59 = arith.mulf %add3A_55, %add3A_55 : vector<1024x256xf32>
    %add3A_60 = arith.addf %add3A_52, %mul3A_59 : vector<1024x256xf32>
    %slice3A_61 = vector.extract_strided_slice %get3A_4 {offsets = [7, 0, 0], sizes = [1, 1024, 256], strides = [1, 1, 1]} : vector<8x1024x256xf32> to vector<1x1024x256xf32>
    %squeeze3A_62 = vector.shape_cast %slice3A_61 : vector<1x1024x256xf32> to vector<1024x256xf32>
    %add3A_63 = arith.addf %squeeze3A_62, %add3A_13 : vector<1024x256xf32>
    %max3A_64 = arith.maximumf %max3A_56, %add3A_63 : vector<1024x256xf32>
    %min3A_65 = arith.minimumf %min3A_57, %add3A_63 : vector<1024x256xf32>
    %add3A_66 = arith.addf %add3A_58, %add3A_63 : vector<1024x256xf32>
    %mul3A_67 = arith.mulf %add3A_63, %add3A_63 : vector<1024x256xf32>
    %add3A_68 = arith.addf %add3A_60, %mul3A_67 : vector<1024x256xf32>
    %swap3A = arith.constant 0 : index
    %swap3A_69 = arith.constant 0 : index
    %swap3A_70 = arith.constant 0 : index
    %swap3A_71 = vector.load %arg5[%swap3A, %swap3A_69, %swap3A_70] : memref<1x1024x256xf32, #tpu.memory_space<vmem>>, vector<1x1024x256xf32>
    %swap3A_72 = vector.shape_cast %swap3A_71 : vector<1x1024x256xf32> to vector<1024x256xf32>
    %swap3A_73 = vector.shape_cast %max3A_64 : vector<1024x256xf32> to vector<1x1024x256xf32>
    tpu.vector_store %arg5[%swap3A, %swap3A_69, %swap3A_70], %swap3A_73 {strides = array<i32>} : memref<1x1024x256xf32, #tpu.memory_space<vmem>>, vector<1x1024x256xf32>,
    %swap3A_74 = arith.constant 0 : index
    %swap3A_75 = arith.constant 0 : index
    %swap3A_76 = arith.constant 0 : index
    %swap3A_77 = vector.load %arg6[%swap3A_74, %swap3A_75, %swap3A_76] : memref<1x1024x256xf32, #tpu.memory_space<vmem>>, vector<1x1024x256xf32>
    %swap3A_78 = vector.shape_cast %swap3A_77 : vector<1x1024x256xf32> to vector<1024x256xf32>
    %swap3A_79 = vector.shape_cast %min3A_65 : vector<1024x256xf32> to vector<1x1024x256xf32>
    tpu.vector_store %arg6[%swap3A_74, %swap3A_75, %swap3A_76], %swap3A_79 {strides = array<i32>} : memref<1x1024x256xf32, #tpu.memory_space<vmem>>, vector<1x1024x256xf32>,
    %reduce_sum3A = arith.constant dense<0.000000e+00> : vector<256xf32>
    %reduce_sum3A_80 = vector.multi_reduction <add>, %add3A_66, %reduce_sum3A [0] : vector<1024x256xf32> to vector<256xf32>
    %broadcast_in_dim3A = vector.shape_cast %reduce_sum3A_80 : vector<256xf32> to vector<1x256xf32>
    %reduce_sum3A_81 = arith.constant dense<0.000000e+00> : vector<256xf32>
    %reduce_sum3A_82 = vector.multi_reduction <add>, %add3A_68, %reduce_sum3A_81 [0] : vector<1024x256xf32> to vector<256xf32>
    %broadcast_in_dim3A_83 = vector.shape_cast %reduce_sum3A_82 : vector<256xf32> to vector<1x256xf32>
    %concatenate3A = tpu.concatenate %broadcast_in_dim3A, %broadcast_in_dim3A_83 in 0 : vector<1x256xf32>, vector<1x256xf32> -> vector<2x256xf32>
    %swap3A_84 = arith.constant 0 : index
    %swap3A_85 = arith.constant 0 : index
    %swap3A_86 = arith.constant 0 : index
    %swap3A_87 = vector.load %arg4[%swap3A_84, %swap3A_85, %swap3A_86] : memref<1x2x256xf32, #tpu.memory_space<vmem>>, vector<1x2x256xf32>
    %swap3A_88 = vector.shape_cast %swap3A_87 : vector<1x2x256xf32> to vector<2x256xf32>
    %swap3A_89 = vector.shape_cast %concatenate3A : vector<2x256xf32> to vector<1x2x256xf32>
    tpu.vector_store %arg4[%swap3A_84, %swap3A_85, %swap3A_86], %swap3A_89 {strides = array<i32>} : memref<1x2x256xf32, #tpu.memory_space<vmem>>, vector<1x2x256xf32>,
    return
  }
  func.func @transform_0(%arg0: i32) -> (i32, i32, i32, i32) {
    %c0_i32 = arith.constant 0 : i32
    %c0_i32_0 = arith.constant 0 : i32
    %c0_i32_1 = arith.constant 0 : i32
    %c0_i32_2 = arith.constant 0 : i32
    return %arg0, %c0_i32, %c0_i32_0, %c0_i32_1 : i32, i32, i32, i32
  }
  func.func @transform_1(%arg0: i32) -> (i32, i32, i32) {
    %c0_i32 = arith.constant 0 : i32
    %c0_i32_0 = arith.constant 0 : i32
    %c0_i32_1 = arith.constant 0 : i32
    return %arg0, %c0_i32, %c0_i32_0 : i32, i32, i32
  }
  func.func @transform_2(%arg0: i32) -> (i32, i32) {
    %c0_i32 = arith.constant 0 : i32
    %c0_i32_0 = arith.constant 0 : i32
    %c0_i32_1 = arith.constant 0 : i32
    return %c0_i32, %c0_i32_0 : i32, i32
  }
  func.func @transform_3(%arg0: i32) -> (i32, i32, i32) {
    %c0_i32 = arith.constant 0 : i32
    %c0_i32_0 = arith.constant 0 : i32
    %c0_i32_1 = arith.constant 0 : i32
    return %arg0, %c0_i32, %c0_i32_0 : i32, i32, i32
  }
  func.func @transform_4(%arg0: i32) -> (i32, i32, i32) {
    %c0_i32 = arith.constant 0 : i32
    %c0_i32_0 = arith.constant 0 : i32
    %c0_i32_1 = arith.constant 0 : i32
    return %arg0, %c0_i32, %c0_i32_0 : i32, i32, i32
  }
  func.func @transform_5(%arg0: i32) -> (i32, i32, i32) {
    %c0_i32 = arith.constant 0 : i32
    %c0_i32_0 = arith.constant 0 : i32
    %c0_i32_1 = arith.constant 0 : i32
    return %arg0, %c0_i32, %c0_i32_0 : i32, i32, i32
  }
}

module attributes {stable_mosaic.version = 14 : i64} {
  func.func @_finalize_body(%arg0: i32, %arg1: memref<4x2x256xf32, #tpu.memory_space<vmem>>, %arg2: memref<1x1024x256xf32, #tpu.memory_space<vmem>>, %arg3: memref<1x1024x256xf32, #tpu.memory_space<vmem>>, %arg4: memref<1x256xf32, #tpu.memory_space<vmem>>, %arg5: memref<1x256xf32, #tpu.memory_space<vmem>>, %arg6: memref<1x256x1024xf32, #tpu.memory_space<vmem>>) attributes {dimension_semantics = [#tpu.dimension_semantics<arbitrary>], iteration_bounds = array<i64: 4>, scalar_prefetch = 0 : i64, scratch_operands = 0 : i64, tpu.core_type = #tpu.core_type<tc>, window_params = [{pipeline_mode = #tpu.pipeline_mode<synchronous>, transform_indices = @transform_0, window_bounds = array<i64: 4, 2, 256>}, {transform_indices = @transform_1, window_bounds = array<i64: 1, 1024, 256>}, {transform_indices = @transform_2, window_bounds = array<i64: 1, 1024, 256>}, {pipeline_mode = #tpu.pipeline_mode<synchronous>, transform_indices = @transform_3, window_bounds = array<i64: 1, 256>}, {pipeline_mode = #tpu.pipeline_mode<synchronous>, transform_indices = @transform_4, window_bounds = array<i64: 1, 256>}, {transform_indices = @transform_5, window_bounds = array<i64: 1, 256, 1024>}]} {
    %get3A = arith.constant 0 : index
    %get3A_0 = arith.constant 0 : index
    %get3A_1 = arith.constant 0 : index
    %get3A_2 = vector.load %arg1[%get3A, %get3A_0, %get3A_1] : memref<4x2x256xf32, #tpu.memory_space<vmem>>, vector<4x2x256xf32>
    %slice3A = vector.extract_strided_slice %get3A_2 {offsets = [0, 0, 0], sizes = [4, 1, 256], strides = [1, 1, 1]} : vector<4x2x256xf32> to vector<4x1x256xf32>
    %squeeze3A = vector.shape_cast %slice3A : vector<4x1x256xf32> to vector<4x256xf32>
    %reduce_sum3A = arith.constant dense<0.000000e+00> : vector<256xf32>
    %reduce_sum3A_3 = vector.multi_reduction <add>, %squeeze3A, %reduce_sum3A [0] : vector<4x256xf32> to vector<256xf32>
    %broadcast_in_dim3A = vector.shape_cast %reduce_sum3A_3 : vector<256xf32> to vector<1x256xf32>
    %slice3A_4 = vector.extract_strided_slice %get3A_2 {offsets = [0, 1, 0], sizes = [4, 1, 256], strides = [1, 1, 1]} : vector<4x2x256xf32> to vector<4x1x256xf32>
    %squeeze3A_5 = vector.shape_cast %slice3A_4 : vector<4x1x256xf32> to vector<4x256xf32>
    %reduce_sum3A_6 = arith.constant dense<0.000000e+00> : vector<256xf32>
    %reduce_sum3A_7 = vector.multi_reduction <add>, %squeeze3A_5, %reduce_sum3A_6 [0] : vector<4x256xf32> to vector<256xf32>
    %broadcast_in_dim3A_8 = vector.shape_cast %reduce_sum3A_7 : vector<256xf32> to vector<1x256xf32>
    %div3A = arith.constant 3.276800e+04 : f32
    %div3A_9 = vector.broadcast %div3A : f32 to vector<1x256xf32>
    %div3A_10 = arith.divf %broadcast_in_dim3A, %div3A_9 : vector<1x256xf32>
    %div3A_11 = arith.constant 3.276800e+04 : f32
    %div3A_12 = vector.broadcast %div3A_11 : f32 to vector<1x256xf32>
    %div3A_13 = arith.divf %broadcast_in_dim3A_8, %div3A_12 : vector<1x256xf32>
    %mul3A = arith.mulf %div3A_10, %div3A_10 : vector<1x256xf32>
    %sub3A = arith.subf %div3A_13, %mul3A : vector<1x256xf32>
    %add3A = arith.constant 9.99999974E-6 : f32
    %add3A_14 = vector.broadcast %add3A : f32 to vector<1x256xf32>
    %add3A_15 = arith.addf %sub3A, %add3A_14 : vector<1x256xf32>
    %sqrt3A = math.sqrt %add3A_15 : vector<1x256xf32>
    %get3A_16 = arith.constant 0 : index
    %get3A_17 = arith.constant 0 : index
    %get3A_18 = vector.load %arg4[%get3A_16, %get3A_17] : memref<1x256xf32, #tpu.memory_space<vmem>>, vector<1x256xf32>
    %get3A_19 = arith.constant 0 : index
    %get3A_20 = arith.constant 0 : index
    %get3A_21 = vector.load %arg5[%get3A_19, %get3A_20] : memref<1x256xf32, #tpu.memory_space<vmem>>, vector<1x256xf32>
    %ge3A = arith.constant 0.000000e+00 : f32
    %ge3A_22 = vector.broadcast %ge3A : f32 to vector<1x256xf32>
    %ge3A_23 = arith.cmpf oge, %get3A_18, %ge3A_22 : vector<1x256xf32>
    %get3A_24 = arith.constant 0 : index
    %get3A_25 = arith.constant 0 : index
    %get3A_26 = arith.constant 0 : index
    %get3A_27 = vector.load %arg2[%get3A_24, %get3A_25, %get3A_26] : memref<1x1024x256xf32, #tpu.memory_space<vmem>>, vector<1x1024x256xf32>
    %get3A_28 = vector.shape_cast %get3A_27 : vector<1x1024x256xf32> to vector<1024x256xf32>
    %get3A_29 = arith.constant 0 : index
    %get3A_30 = arith.constant 0 : index
    %get3A_31 = arith.constant 0 : index
    %get3A_32 = vector.load %arg3[%get3A_29, %get3A_30, %get3A_31] : memref<1x1024x256xf32, #tpu.memory_space<vmem>>, vector<1x1024x256xf32>
    %get3A_33 = vector.shape_cast %get3A_32 : vector<1x1024x256xf32> to vector<1024x256xf32>
    %broadcast_in_dim3A_34 = vector.shape_cast %ge3A_23 : vector<1x256xi1> to vector<1x256xi1>
    %broadcast_in_dim3A_35 = vector.broadcast %broadcast_in_dim3A_34 : vector<1x256xi1> to vector<1024x256xi1>
    %select_n3A = arith.select %broadcast_in_dim3A_35, %get3A_28, %get3A_33 : vector<1024x256xi1>, vector<1024x256xf32>
    %sub3A_36 = vector.broadcast %div3A_10 : vector<1x256xf32> to vector<1024x256xf32>
    %sub3A_37 = arith.subf %select_n3A, %sub3A_36 : vector<1024x256xf32>
    %div3A_38 = vector.broadcast %sqrt3A : vector<1x256xf32> to vector<1024x256xf32>
    %div3A_39 = arith.divf %sub3A_37, %div3A_38 : vector<1024x256xf32>
    %mul3A_40 = vector.broadcast %get3A_18 : vector<1x256xf32> to vector<1024x256xf32>
    %mul3A_41 = arith.mulf %div3A_39, %mul3A_40 : vector<1024x256xf32>
    %add3A_42 = vector.broadcast %get3A_21 : vector<1x256xf32> to vector<1024x256xf32>
    %add3A_43 = arith.addf %mul3A_41, %add3A_42 : vector<1024x256xf32>
    %max3A = arith.constant 0.000000e+00 : f32
    %max3A_44 = vector.broadcast %max3A : f32 to vector<1024x256xf32>
    %max3A_45 = arith.maximumf %add3A_43, %max3A_44 : vector<1024x256xf32>
    %transpose3A = tpu.transpose %max3A_45, [1, 0] : vector<1024x256xf32> -> vector<256x1024xf32>
    %swap3A = arith.constant 0 : index
    %swap3A_46 = arith.constant 0 : index
    %swap3A_47 = arith.constant 0 : index
    %swap3A_48 = vector.load %arg6[%swap3A, %swap3A_46, %swap3A_47] : memref<1x256x1024xf32, #tpu.memory_space<vmem>>, vector<1x256x1024xf32>
    %swap3A_49 = vector.shape_cast %swap3A_48 : vector<1x256x1024xf32> to vector<256x1024xf32>
    %swap3A_50 = vector.shape_cast %transpose3A : vector<256x1024xf32> to vector<1x256x1024xf32>
    tpu.vector_store %arg6[%swap3A, %swap3A_46, %swap3A_47], %swap3A_50 {strides = array<i32>} : memref<1x256x1024xf32, #tpu.memory_space<vmem>>, vector<1x256x1024xf32>,
    return
  }
  func.func @transform_0(%arg0: i32) -> (i32, i32, i32) {
    %c0_i32 = arith.constant 0 : i32
    %c0_i32_0 = arith.constant 0 : i32
    %c0_i32_1 = arith.constant 0 : i32
    %c0_i32_2 = arith.constant 0 : i32
    return %c0_i32, %c0_i32_0, %c0_i32_1 : i32, i32, i32
  }
  func.func @transform_1(%arg0: i32) -> (i32, i32, i32) {
    %c0_i32 = arith.constant 0 : i32
    %c0_i32_0 = arith.constant 0 : i32
    %c0_i32_1 = arith.constant 0 : i32
    return %arg0, %c0_i32, %c0_i32_0 : i32, i32, i32
  }
  func.func @transform_2(%arg0: i32) -> (i32, i32, i32) {
    %c0_i32 = arith.constant 0 : i32
    %c0_i32_0 = arith.constant 0 : i32
    %c0_i32_1 = arith.constant 0 : i32
    return %arg0, %c0_i32, %c0_i32_0 : i32, i32, i32
  }
  func.func @transform_3(%arg0: i32) -> (i32, i32) {
    %c0_i32 = arith.constant 0 : i32
    %c0_i32_0 = arith.constant 0 : i32
    %c0_i32_1 = arith.constant 0 : i32
    return %c0_i32, %c0_i32_0 : i32, i32
  }
  func.func @transform_4(%arg0: i32) -> (i32, i32) {
    %c0_i32 = arith.constant 0 : i32
    %c0_i32_0 = arith.constant 0 : i32
    %c0_i32_1 = arith.constant 0 : i32
    return %c0_i32, %c0_i32_0 : i32, i32
  }
  func.func @transform_5(%arg0: i32) -> (i32, i32, i32) {
    %c0_i32 = arith.constant 0 : i32
    %c0_i32_0 = arith.constant 0 : i32
    %c0_i32_1 = arith.constant 0 : i32
    return %arg0, %c0_i32, %c0_i32_0 : i32, i32, i32
  }
}

</mosaic_0001>

<sc_bundles>
// kernel: kernel.12.cloned.1.call-start
scs
__scs_entry_jumppad:
0x0: {  	(pc) =	sbr.rel $0x88, $3  }
0x1: {  	(tag) =	ssettag $0x0;
	lr =	simm.s32 $0x1  }
0x2: {  	[smem:$0x3F9A] =	sst lr;
	_ =	strace $0xD0000000  }
0x3: {  	_ = 	snop  }
0x4: {  	_ = 	snop  }
0x5: {  	_ = 	snop  }
0x6: {  	_ = 	snop  }
0x7: {  	_ = 	snop  }
__scs_overlays_trampoline_lowered:
0x8: {  	[smem:$0x3FA9] =	sst s0  }
0x9: {  	[smem:$0x3FAA] =	sst s1  }
0xa: {  	[smem:$0x3FAB] =	sst s2  }
0xb: {  	[smem:$0x3FAC] =	sst s3  }
0xc: {  	[smem:$0x3FAD] =	sst s4  }
0xd: {  	[smem:$0x3FAE] =	sst s5  }
0xe: {  	[smem:$0x3FAF] =	sst s6  }
0xf: {  	[smem:$0x3FB0] =	sst s7  }
0x10: {  	[smem:$0x3FB1] =	sst s8  }
0x11: {  	[smem:$0x3FB2] =	sst s9;
	s0 =	simm.s32 @!p0 $0x0  }
0x12: {  	s1 =	sld [smem:$0x3F98];
	s0 =	simm.s32 @p0 $0x1  }
0x13: {  	[smem:$0x3FB3] =	sst s0;
	s0 =	simm.s32 @!p1 $0x0  }
0x14: {  	s2 =	sld [smem:$0x3F97];
	s0 =	simm.s32 @p1 $0x1  }
0x15: {  	[smem:$0x3FB4] =	sst s0;
	s0 =	simm.s32 @!p2 $0x0  }
0x16: {  	s3 =	sld [smem:$0x3FDB];
	s0 =	simm.s32 @p2 $0x1  }
0x17: {  	s4 =	simm.s32 $0x1BF5;
	[smem:$0x3FB6] =	sst s0  }
0x18: {  	s0 =	sld [smem:$0x3F99];
	_ =	swait.ge [sflag:s4], $0x0  }
0x19: {  	s7 =	sld [smem:$0x3F9A]  }
0x1a: {  	s8 =	sadd.s32 $0xFFFFE003, lr  }
0x1b: {  	s9 =	sadd.s32 $0xFFFFFEF7, lr;
	s5 =	simm.s32 $0xFFFFFFFF;
	p2 =	slt.u32 s8, $0xFFFFF086  }
0x1c: {  	p1 =	slt.u32 s9, $0xF7A;
	s5 =	simm.s32 @!p2 $0x0  }
0x1d: {  	s5 =	simm.s32 @p1 $0x1;
	p0 =	seq.s32 s7, s2  }
0x1e: {  	s7 =	smul.u32 @!p0 $0xF7A, s2;
	p2 =	seq.s32 @!p0 s5, $0x0  }
0x1f: {  	s9 =	smul.u32 $0xF7A, s1;
	s8 =	simm.s32 @!p0 $0x1BF5;
	p2 =	por !p2, p0  }
0x20: {  	[sflag:s8] =	ssyncset.s32 @!p0 $0xFFFFF086;
	s6 =	sadd.s32 @!p0 s3, s7;
	s7 =	simm.s32 @!p0 $0x108  }
0x21: {  	s3 =	sadd.s32 s3, s9;
	s6 =	sadd.s32 @!p0 $0x88, s6;
	s7 =	simm.s32 @p2 $0x1082  }
0x22: {  	[simem:s7], [sflag:s8] =	dma.local @!p0 [hbm:s6], $0xF7A  }
0x23: {  	s9 =	sor.u32 $0xD0000000, s2;
	s6 =	simm.s32 $0x108;
	_ =	swait.ge @!p0 [sflag:s8], $0x0  }
0x24: {  	s3 =	sadd.s32 $0x88, s3;
	s6 =	simm.s32 @!p1 $0x1082;
	[sflag:s4] =	ssyncset.s32 $0xFFFFF086  }
0x25: {  	[simem:s6], [sflag:s4] =	dma.local [hbm:s3], $0xF7A  }
0x26: {  	[smem:$0x3F9A] =	sst s1;
	(tag) =	ssettag s2;
	_ =	strace s9  }
0x27: {  	s1 =	sld [smem:$0x3FAA]  }
0x28: {  	s2 =	sld [smem:$0x3FAB]  }
0x29: {  	s4 =	sld [smem:$0x3FAD]  }
0x2a: {  	p0 =	seq.s32 s5, $0x0;
	s5 =	sld [smem:$0x3FAE]  }
0x2b: {  	s6 =	sld [smem:$0x3FAF]  }
0x2c: {  	s7 =	sld [smem:$0x3FB0]  }
0x2d: {  	s3 =	simm.s32 $0x108;
	s8 =	sld [smem:$0x3FB1]  }
0x2e: {  	s3 =	simm.s32 @!p0 $0x1082;
	s9 =	sld [smem:$0x3FB2]  }
0x2f: {  	lr =	sadd.s32 s0, s3;
	s0 =	sld [smem:$0x3FA9]  }
0x30: {  	s3 =	sld [smem:$0x3FAC]  }
0x31: {  	[smem:$0x3FB5] =	sst s10  }
0x32: {  	s10 =	sld [smem:$0x3FB3];
	_ =	sdelay $0x3  }
0x33: {  	p0 =	seq.s32 s10, $0x1;
	s10 =	sld [smem:$0x3FB5];
	_ =	sdelay $0x3  }
0x34: {  	[smem:$0x3FB5] =	sst s10  }
0x35: {  	s10 =	sld [smem:$0x3FB4];
	_ =	sdelay $0x3  }
0x36: {  	p1 =	seq.s32 s10, $0x1;
	s10 =	sld [smem:$0x3FB5];
	_ =	sdelay $0x3  }
0x37: {  	[smem:$0x3FB5] =	sst s10  }
0x38: {  	s10 =	sld [smem:$0x3FB6]  }
0x39: {  	_ = 	snop;
	(pc) =	sbr.ind lr, $3  }
0x3a: {  	_ = 	snop  }
0x3b: {  	_ = 	snop  }
0x3c: {  	p2 =	seq.s32 s10, $0x1;
	s10 =	sld [smem:$0x3FB5]  }
0x3d: {  	_ =	shalt  }
0x3e: {  	_ =	shalt  }
0x3f: {  	_ =	shalt  }
0x40: {  	_ =	shalt  }
0x41: {  	_ =	shalt  }
0x42: {  	_ =	shalt  }
0x43: {  	_ =	shalt  }
0x44: {  	_ =	shalt  }
0x45: {  	_ =	shalt  }
0x46: {  	_ =	shalt  }
0x47: {  	_ =	shalt  }
0x48: {  	_ =	shalt  }
0x49: {  	_ =	shalt  }
0x4a: {  	_ =	shalt  }
0x4b: {  	_ =	shalt  }
0x4c: {  	_ =	shalt  }
0x4d: {  	_ =	shalt  }
0x4e: {  	_ =	shalt  }
0x4f: {  	_ =	shalt  }
0x50: {  	_ =	shalt  }
0x51: {  	_ =	shalt  }
0x52: {  	_ =	shalt  }
0x53: {  	_ =	shalt  }
0x54: {  	_ =	shalt  }
0x55: {  	_ =	shalt  }
0x56: {  	_ =	shalt  }
0x57: {  	_ =	shalt  }
0x58: {  	_ =	shalt  }
0x59: {  	_ =	shalt  }
0x5a: {  	_ =	shalt  }
0x5b: {  	_ =	shalt  }
0x5c: {  	_ =	shalt  }
0x5d: {  	_ =	shalt  }
0x5e: {  	_ =	shalt  }
0x5f: {  	_ =	shalt  }
0x60: {  	_ =	shalt  }
0x61: {  	_ =	shalt  }
0x62: {  	_ =	shalt  }
0x63: {  	_ =	shalt  }
0x64: {  	_ =	shalt  }
0x65: {  	_ =	shalt  }
0x66: {  	_ =	shalt  }
0x67: {  	_ =	shalt  }
0x68: {  	_ =	shalt  }
0x69: {  	_ =	shalt  }
0x6a: {  	_ =	shalt  }
0x6b: {  	_ =	shalt  }
0x6c: {  	_ =	shalt  }
0x6d: {  	_ =	shalt  }
0x6e: {  	_ =	shalt  }
0x6f: {  	_ =	shalt  }
0x70: {  	_ =	shalt  }
0x71: {  	_ =	shalt  }
0x72: {  	_ =	shalt  }
0x73: {  	_ =	shalt  }
0x74: {  	_ =	shalt  }
0x75: {  	_ =	shalt  }
0x76: {  	_ =	shalt  }
0x77: {  	_ =	shalt  }
0x78: {  	_ =	shalt  }
0x79: {  	_ =	shalt  }
0x7a: {  	_ =	shalt  }
0x7b: {  	_ =	shalt  }
0x7c: {  	_ =	shalt  }
0x7d: {  	_ =	shalt  }
0x7e: {  	_ =	shalt  }
0x7f: {  	_ =	shalt  }
0x80: {  	_ =	shalt  }
0x81: {  	_ =	shalt  }
0x82: {  	_ =	shalt  }
0x83: {  	_ =	shalt  }
0x84: {  	_ =	shalt  }
0x85: {  	_ =	shalt  }
0x86: {  	_ =	shalt  }
0x87: {  	_ =	shalt  }
.Lfunc_end0:
.L_simem_size_0:
called_computation.1_lowered:
.L_overlay_start_0:
0x88: {  	s2 =	sld [smem:$0x3FD9]  }
0x89: {  	s3 =	sld [smem:$0x3FFE];
	_ =	sdelay $0x1  }
0x8a: {  	s1 =	srdreg.scid  }
0x8b: {  	s0 =	sand.u32 $0x1, s1  }
0x8c: {  	s17 =	sshll.u32 s0, $0xA;
	s2 =	sadd.s32 s3, s2  }
0x8d: {  	s2 =	sadd.s32 s2, s17  }
0x8e: {  	[smem:$0x3FC1] =	sst s2  }
0x8f: {  	_ = 	snop  }
0x90: {  	(tm) =	ssettm $0x1  }
0x91: {  	s18 =	sld [smem:$0x3FFB];
	_ =	sdelay $0x3  }
0x92: {  	_ =	strace s18  }
0x93: {  	s2 =	sld [smem:$0x3FFC];
	_ =	sdelay $0x3  }
0x94: {  	_ =	strace s2  }
0x95: {  	s2 =	sld [smem:$0x3FFD];
	_ =	sdelay $0x3  }
0x96: {  	_ =	strace s2  }
0x97: {  	_ =	strace $0x8FFFFFFF  }
0x98: {  	s19 =	sld [smem:$0x3FDB];
	_ =	sdelay $0x1  }
0x99: {  	s20 =	simm.s32 $_scs_section_size  }
0x9a: {  	s4 =	simm.s32 $_size__tile_overlayer_lowered;
	s5 =	simm.s32 $_tile_overlayer_lowered  }
0x9b: {  	s6 =	simm.s32 $0x1BFF;
	s21 =	sshll.u32 s5, $0x1;
	s3 =	sadd.s32 s20, s19  }
0x9c: {  	s22 =	simm.s32 $0x0;
	s4 =	sshll.u32 s4, $0x1;
	s5 =	sadd.s32 s21, s3  }
0x9d: {  	[timem:s22], [sflag:s6] =	dma.local [hbm:s5], s4  }
0x9e: {  	_ =	swait.ge [sflag:s6], s4  }
0x9f: {  	s4 =	ssub.s32 $0x0, s4;
	[sflag:s6] =	ssyncset.done $0x0  }
0xa0: {  	[sflag:s6] =	ssyncadd.s32 s4;
	_ =	sdelay $0x1  }
0xa1: {  	s23 =	simm.s32 $0x1B8B  }
0xa2: {  	_ =	swait.ge [sflag:s23], $0x1  }
0xa3: {  	[sflag:s23] =	ssyncset.done $0x0  }
0xa4: {  	[sflag:s23] =	ssyncadd.s32 $0xFFFFFFFF  }
0xa5: {  	s4 =	sld [smem:$0x0]  }
0xa6: {  	s5 =	sand.u32 $0xFFFFFFFE, s1  }
0xa7: {  	p0 =	sne.s32 s1, s5  }
0xa8: {  	s5 =	sshll.u32 @p0 s5, $0xE  }
0xa9: {  	s5 =	sadd.s32 @p0 $0x11B8D, s5;
	s6 =	sshll.u32 @p0 s4, $0x11  }
0xaa: {  	s5 =	sor.u32 @p0 s6, s5  }
0xab: {  	[sflag:s5] =	ssyncadd.remote.s32 @p0 $0x1;
	_ =	sdelay $0x1  }
0xac: {  	s5 =	simm.s32 @p0 $0x1B8D  }
0xad: {  	_ =	swait.eq @p0 [sflag:s5], $0x1  }
0xae: {  	[sflag:s5] =	ssyncadd.s32 @p0 $0xFFFFFFFF  }
0xaf: {  	s6 =	sshll.u32 @!p0 s1, $0xE  }
0xb0: {  	s6 =	sor.u32 @!p0 $0x4000, s6;
	s5 =	simm.s32 @!p0 $0x1B8D  }
0xb1: {  	s4 =	sshll.u32 @!p0 s4, $0x11;
	s6 =	sadd.s32 @!p0 $0x11B8D, s6;
	_ =	swait.eq @!p0 [sflag:s5], $0x1  }
0xb2: {  	s4 =	sor.u32 @!p0 s4, s6;
	[sflag:s5] =	ssyncadd.s32 @!p0 $0xFFFFFFFF  }
0xb3: {  	s25 =	simm.s32 $0x1B8E;
	s24 =	sld [smem:$0x3FFE];
	[sflag:s4] =	ssyncadd.remote.s32 @!p0 $0x1  }
0xb4: {  	s26 =	simm.s32 $execute0_lowered;
	[smem:$0x3FD2] =	sst s25  }
0xb5: {  	s5 =	sshll.u32 s26, $0x1;
	_ =	strace $0x8000004C;
	[dreg:$0x1] =	wrdreg $0xFFFFFFFF  }
0xb6: {  	s28 =	simm.s32 $_size_execute0_lowered;
	s3 =	sadd.s32 s3, s5;
	[dreg:$0x0] =	wrdreg $0x0  }
0xb7: {  	s5 =	sshll.u32 s28, $0x1;
	[dreg:$0x2] =	wrdreg s3  }
0xb8: {  	[dreg:$0x3] =	wrdreg s5  }
0xb9: {  	[dreg:$0x4] =	wrdreg $0xC0  }
0xba: {  	_ =	task [dreg:s22], $0x5FFFF  }
0xbb: {  	[dreg:$0x1] =	wrdreg $0xFFFFFFFF  }
0xbc: {  	[dreg:$0x0] =	wrdreg $0x60  }
0xbd: {  	[dreg:$0x2] =	wrdreg s24  }
0xbe: {  	[dreg:$0x3] =	wrdreg $0x9  }
0xbf: {  	_ =	task.clear_ibuf [dreg:s22], $0x4FFFF;
	_ =	strace $0x9000004C  }
0xc0: {  	s29 =	simm.s32 $0x9;
	_ =	strace $0x8000004E  }
0xc1: {  	_ =	swait.ge [sflag:s29], $0x1  }
0xc2: {  	[sflag:s29] =	ssyncadd.s32 $0xFFFFFFFF  }
0xc3: {  	_ =	strace $0x9000004E  }
0xc4: {  	_ =	sfence  }
0xc5: {  	s30 =	sld [smem:$0x0];
	_ =	sdelay $0x2  }
0xc6: {  	s31 =	sshll.u32 s1, $0xD;
	s1 =	sshrl.u32 s1, $0x2  }
0xc7: {  	s4 =	sand.u32 $0x4000, s31;
	s1 =	sadd.s32 s1, s30  }
0xc8: {  	s0 =	sor.u32 s4, s0;
	s1 =	sshll.u32 s1, $0x11  }
0xc9: {  	s0 =	sor.u32 s1, s0  }
0xca: {  	s0 =	sadd.s32 $0x8F2B, s0  }
0xcb: {  	[sflag:s0] =	ssyncadd.remote.s32 $0x1  }
0xcc: {  	_ =	sfence.sel $0xFFFF  }
0xcd: {  	[dreg:$0x0] =	wrdreg $0xFFFFFFFF;
	(pc) =	sbr.abs _section_cstart, $3  }
0xce: {  	[dreg:$0x1] =	wrdreg $0xFFFFFFFF  }
0xcf: {  	_ =	task.clear_ibuf [dreg:s22], $0x2FFFF;
	_ =	strace $0x9FFFFFFF  }
0xd0: {  	(tm) =	ssettm $0x7FFFFFFF  }
0xd1: {  	_ =	shalt  }
tec
execute0_lowered:
.L_overlay_start_1:
0x0: {  	(tag) =	ssettag $0x1  }
0x1: {  	s0 =	rddreg [dreg:$0x0];
	s2 =	simm.s32 $0x0;
	s3 =	srdreg.scid  }
0x2: {  	s1 =	stileid.u32;
	s28 =	simm.s32 $0x6080;
	s29 =	simm.s32 $0x6880  }
0x3: {  	s30 =	simm.s32 $0x7080;
	s31 =	simm.s32 $0x7880;
	[smem:$0x7FF] =	sst s2  }
0x4: {  	s4 =	sand.u32 $0x1, s3;
	s5 =	sshll.u32 s1, $0xB;
	s3 =	sadd.s32 $0x82A00, s0  }
0x5: {  	s11 =	sadd.s32 $0x2A00, s0;
	s0 =	sadd.s32 $0xC2A00, s0;
	s6 =	sshll.u32 s4, $0xA  }
0x6: {  	_ =	strace $0x8000004D;
	s4 =	ssub.s32 $0x2, s4;
	s10 =	sor.u32 s6, s5  }
0x7: {  	s14 =	sshrl.u32 s4, $0x1;
	s5 =	sshrl.u32 s10, $0x3;
	s6 =	sshll.u32 s10, $0x5  }
0x8: {  	s7 =	sor.u32 $0x80, s10;
	s13 =	sor.u32 $0x100, s10;
	s20 =	sor.u32 $0x200, s10  }
0x9: {  	s23 =	sor.u32 $0x280, s10;
	s5 =	sadd.s32 s11, s5;
	s26 =	sadd.s32 s0, s6  }
0xa: {  	s1 =	sshrl.u32 s7, $0x3;
	s9 =	sshll.u32 s7, $0x5;
	s15 =	sshrl.u32 s13, $0x3  }
0xb: {  	s6 =	sshll.u32 s13, $0x5;
	s13 =	ssub.s32 s4, s14;
	s21 =	sshrl.u32 s20, $0x3  }
0xc: {  	s22 =	sshll.u32 s20, $0x5;
	s24 =	sshrl.u32 s23, $0x3;
	[dreg:$0x2] =	wrdreg s5  }
0xd: {  	s14 =	sor.u32 $0x380, s10;
	s20 =	simm.s32 $0x2880;
	[dreg:$0x3] =	wrdreg s26  }
0xe: {  	s8 =	sadd.s32 s11, s1;
	s12 =	sadd.s32 s0, s9;
	s5 =	sadd.s32 s11, s15  }
0xf: {  	s16 =	sadd.s32 s0, s6;
	s6 =	sadd.s32 s0, s22;
	s9 =	sshll.u32 s23, $0x5  }
0x10: {  	s7 =	sadd.s32 s11, s24;
	s26 =	sshrl.u32 s14, $0x3;
	s14 =	sshll.u32 s14, $0x5  }
0x11: {  	s13 =	smax.u32 s13, $0x1;
	s15 =	simm.s32 $0x80;
	[dreg:$0x4] =	wrdreg s8  }
0x12: {  	s22 =	simm.s32 $0x3880;
	s23 =	simm.s32 $0x4080;
	[dreg:$0x5] =	wrdreg s12  }
0x13: {  	s24 =	simm.s32 $0x4880;
	s8 =	sor.u32 $0x180, s10;
	[dreg:$0x6] =	wrdreg s5  }
0x14: {  	[dreg:$0x7] =	wrdreg s16;
	s5 =	sadd.s32 s11, s21;
	s12 =	sor.u32 $0x300, s10  }
0x15: {  	s16 =	simm.s32 $0x880;
	s21 =	simm.s32 $0x3080;
	s17 =	sshrl.u32 s8, $0x3  }
0x16: {  	s19 =	sshll.u32 s8, $0x5;
	s8 =	sadd.s32 s0, s9;
	s25 =	sshrl.u32 s12, $0x3  }
0x17: {  	s12 =	sshll.u32 s12, $0x5;
	s18 =	sadd.s32 s11, s17;
	s4 =	sadd.s32 s0, s19  }
0x18: {  	s9 =	sadd.s32 s11, s25;
	s10 =	sadd.s32 s0, s12;
	s11 =	sadd.s32 s11, s26  }
0x19: {  	v2 =	vlaneseq.u32;
	s12 =	sadd.s32 s0, s14;
	s14 =	simm.s32 $0x2;
	s17 =	simm.s32 $0x1080  }
0x1a: {  	vm0 =	vmmov $0xffff;
	v1 =	vshrl.u32 v2, $0x3;
	s19 =	simm.s32 $0x2080;
	s25 =	simm.s32 $0x5080;
	s26 =	simm.s32 $0x5880  }
0x1b: {  	v0 =	vand.u32 $0x7, v2;
	v2 =	vor.u32 $0x8, v2;
	v1 =	vmul.u32 $0x8, v1;
	s0 =	simm.s32 $0x1;
	[dreg:$0x8] =	wrdreg s18;
	s18 =	simm.s32 $0x1880  }
.LBB2_1:
0x1c: {  	s1 =	rddreg [dreg:$0x2]  }
0x1d: {  	[tilespmem:s2], [sflag:$0x2] =	stream.linear.gather [hbm4b:s1+s2], $0x80, $0x38;
	[tilespmem:$0x8080] =	vst v63  }
0x1e: {  	_ =	swait.ge [sflag:s14], $0x80  }
0x1f: {  	[sflag:s14] =	ssyncset.done $0x0  }
0x20: {  	[sflag:s14] =	ssyncadd.s32 $0xFFFFFF80  }
0x21: {  	v3 =	vld [tilespmem:$0x0];
	_ =	sdelay $0x4  }
0x22: {  	v4 =	vshll.u32 v3, $0x1  }
0x23: {  	v3 =	vand.u32 $0x7, v3;
	v4 =	vand.u32 $0xFFFFFFF0, v4  }
0x24: {  	v3 =	vor.u32 v3, v4  }
0x25: {  	v4 =	vperm.xlane v3, v0;
	_ =	sdelay $0x1  }
0x26: {  	v3 =	vperm.xlane v3, v2;
	v4 =	vadd.s32 v1, v4;
	_ =	sdelay $0x1  }
0x27: {  	v3 =	vadd.s32 v1, v3;
	_ =	sdelay $0x2  }
0x28: {  	[tilespmem:s15], [sflag:$0x1] =	stream.indirect_vreg.gather [hbm4b:s3+s2], $0x80, v4, vm0, $0xb8;
	[tilespmem:$0x8080] =	vst v63  }
0x29: {  	_ = 	snop  }
0x2a: {  	[tilespmem:s16], [sflag:$0x1] =	stream.indirect_vreg.gather [hbm4b:s3+s2], $0x80, v3, vm0, $0xb8;
	[tilespmem:$0x8080] =	vst v63  }
0x2b: {  	v3 =	vld [tilespmem:$0x10];
	_ =	sdelay $0x4  }
0x2c: {  	v57 =	vshll.u32 v3, $0x1  }
0x2d: {  	v3 =	vand.u32 $0x7, v3;
	v4 =	vand.u32 $0xFFFFFFF0, v57  }
0x2e: {  	v3 =	vor.u32 v3, v4  }
0x2f: {  	v4 =	vperm.xlane v3, v0;
	_ =	sdelay $0x1  }
0x30: {  	v3 =	vperm.xlane v3, v2;
	v4 =	vadd.s32 v1, v4;
	_ =	sdelay $0x1  }
0x31: {  	v3 =	vadd.s32 v1, v3;
	_ =	sdelay $0x2  }
0x32: {  	[tilespmem:s17], [sflag:$0x1] =	stream.indirect_vreg.gather [hbm4b:s3+s2], $0x80, v4, vm0, $0xb8;
	[tilespmem:$0x8080] =	vst v63  }
0x33: {  	_ = 	snop  }
0x34: {  	[tilespmem:s18], [sflag:$0x1] =	stream.indirect_vreg.gather [hbm4b:s3+s2], $0x80, v3, vm0, $0xb8;
	[tilespmem:$0x8080] =	vst v63  }
0x35: {  	v3 =	vld [tilespmem:$0x20];
	_ =	sdelay $0x4  }
0x36: {  	v58 =	vshll.u32 v3, $0x1  }
0x37: {  	v3 =	vand.u32 $0x7, v3;
	v4 =	vand.u32 $0xFFFFFFF0, v58  }
0x38: {  	v3 =	vor.u32 v3, v4  }
0x39: {  	v4 =	vperm.xlane v3, v0;
	_ =	sdelay $0x1  }
0x3a: {  	v3 =	vperm.xlane v3, v2;
	v4 =	vadd.s32 v1, v4;
	_ =	sdelay $0x1  }
0x3b: {  	v3 =	vadd.s32 v1, v3;
	_ =	sdelay $0x2  }
0x3c: {  	[tilespmem:s19], [sflag:$0x1] =	stream.indirect_vreg.gather [hbm4b:s3+s2], $0x80, v4, vm0, $0xb8;
	[tilespmem:$0x8080] =	vst v63  }
0x3d: {  	_ = 	snop  }
0x3e: {  	[tilespmem:s20], [sflag:$0x1] =	stream.indirect_vreg.gather [hbm4b:s3+s2], $0x80, v3, vm0, $0xb8;
	[tilespmem:$0x8080] =	vst v63  }
0x3f: {  	v3 =	vld [tilespmem:$0x30];
	_ =	sdelay $0x4  }
0x40: {  	v59 =	vshll.u32 v3, $0x1  }
0x41: {  	v3 =	vand.u32 $0x7, v3;
	v4 =	vand.u32 $0xFFFFFFF0, v59  }
0x42: {  	v3 =	vor.u32 v3, v4  }
0x43: {  	v4 =	vperm.xlane v3, v0;
	_ =	sdelay $0x1  }
0x44: {  	v3 =	vperm.xlane v3, v2;
	v4 =	vadd.s32 v1, v4;
	_ =	sdelay $0x1  }
0x45: {  	v3 =	vadd.s32 v1, v3;
	_ =	sdelay $0x2  }
0x46: {  	[tilespmem:s21], [sflag:$0x1] =	stream.indirect_vreg.gather [hbm4b:s3+s2], $0x80, v4, vm0, $0xb8;
	[tilespmem:$0x8080] =	vst v63  }
0x47: {  	_ = 	snop  }
0x48: {  	[tilespmem:s22], [sflag:$0x1] =	stream.indirect_vreg.gather [hbm4b:s3+s2], $0x80, v3, vm0, $0xb8;
	[tilespmem:$0x8080] =	vst v63  }
0x49: {  	v3 =	vld [tilespmem:$0x40];
	_ =	sdelay $0x4  }
0x4a: {  	v60 =	vshll.u32 v3, $0x1  }
0x4b: {  	v3 =	vand.u32 $0x7, v3;
	v4 =	vand.u32 $0xFFFFFFF0, v60  }
0x4c: {  	v3 =	vor.u32 v3, v4  }
0x4d: {  	v4 =	vperm.xlane v3, v0;
	_ =	sdelay $0x1  }
0x4e: {  	v3 =	vperm.xlane v3, v2;
	v4 =	vadd.s32 v1, v4;
	_ =	sdelay $0x1  }
0x4f: {  	v3 =	vadd.s32 v1, v3;
	_ =	sdelay $0x2  }
0x50: {  	[tilespmem:s23], [sflag:$0x1] =	stream.indirect_vreg.gather [hbm4b:s3+s2], $0x80, v4, vm0, $0xb8;
	[tilespmem:$0x8080] =	vst v63  }
0x51: {  	_ = 	snop  }
0x52: {  	[tilespmem:s24], [sflag:$0x1] =	stream.indirect_vreg.gather [hbm4b:s3+s2], $0x80, v3, vm0, $0xb8;
	[tilespmem:$0x8080] =	vst v63  }
0x53: {  	v3 =	vld [tilespmem:$0x50];
	_ =	sdelay $0x4  }
0x54: {  	v61 =	vshll.u32 v3, $0x1  }
0x55: {  	v3 =	vand.u32 $0x7, v3;
	v4 =	vand.u32 $0xFFFFFFF0, v61  }
0x56: {  	v3 =	vor.u32 v3, v4  }
0x57: {  	v4 =	vperm.xlane v3, v0;
	_ =	sdelay $0x1  }
0x58: {  	v3 =	vperm.xlane v3, v2;
	v4 =	vadd.s32 v1, v4;
	_ =	sdelay $0x1  }
0x59: {  	v3 =	vadd.s32 v1, v3;
	_ =	sdelay $0x2  }
0x5a: {  	[tilespmem:s25], [sflag:$0x1] =	stream.indirect_vreg.gather [hbm4b:s3+s2], $0x80, v4, vm0, $0xb8;
	[tilespmem:$0x8080] =	vst v63  }
0x5b: {  	_ = 	snop  }
0x5c: {  	[tilespmem:s26], [sflag:$0x1] =	stream.indirect_vreg.gather [hbm4b:s3+s2], $0x80, v3, vm0, $0xb8;
	[tilespmem:$0x8080] =	vst v63  }
0x5d: {  	v3 =	vld [tilespmem:$0x60];
	_ =	sdelay $0x4  }
0x5e: {  	v62 =	vshll.u32 v3, $0x1  }
0x5f: {  	v3 =	vand.u32 $0x7, v3;
	v4 =	vand.u32 $0xFFFFFFF0, v62  }
0x60: {  	v3 =	vor.u32 v3, v4  }
0x61: {  	v4 =	vperm.xlane v3, v0;
	_ =	sdelay $0x1  }
0x62: {  	v3 =	vperm.xlane v3, v2;
	v4 =	vadd.s32 v1, v4;
	_ =	sdelay $0x1  }
0x63: {  	v3 =	vadd.s32 v1, v3;
	_ =	sdelay $0x2  }
0x64: {  	[tilespmem:s28], [sflag:$0x1] =	stream.indirect_vreg.gather [hbm4b:s3+s2], $0x80, v4, vm0, $0xb8;
	[tilespmem:$0x8080] =	vst v63  }
0x65: {  	_ = 	snop  }
0x66: {  	[tilespmem:s29], [sflag:$0x1] =	stream.indirect_vreg.gather [hbm4b:s3+s2], $0x80, v3, vm0, $0xb8;
	[tilespmem:$0x8080] =	vst v63  }
0x67: {  	v3 =	vld [tilespmem:$0x70];
	_ =	sdelay $0x4  }
0x68: {  	v63 =	vshll.u32 v3, $0x1  }
0x69: {  	v3 =	vand.u32 $0x7, v3;
	v4 =	vand.u32 $0xFFFFFFF0, v63  }
0x6a: {  	v3 =	vor.u32 v3, v4  }
0x6b: {  	v4 =	vperm.xlane v3, v0;
	_ =	sdelay $0x1  }
0x6c: {  	v3 =	vperm.xlane v3, v2;
	v4 =	vadd.s32 v1, v4;
	_ =	sdelay $0x1  }
0x6d: {  	v3 =	vadd.s32 v1, v3;
	_ =	sdelay $0x2  }
0x6e: {  	[tilespmem:s30], [sflag:$0x1] =	stream.indirect_vreg.gather [hbm4b:s3+s2], $0x80, v4, vm0, $0xb8;
	[tilespmem:$0x8080] =	vst v63  }
0x6f: {  	_ = 	snop  }
0x70: {  	[tilespmem:s31], [sflag:$0x1] =	stream.indirect_vreg.gather [hbm4b:s3+s2], $0x80, v3, vm0, $0xb8;
	[tilespmem:$0x8080] =	vst v63  }
0x71: {  	_ =	swait.ge [sflag:s0], $0x8000  }
0x72: {  	[sflag:s0] =	ssyncset.done $0x0  }
0x73: {  	s1 =	rddreg [dreg:$0x3];
	[sflag:s0] =	ssyncadd.s32 $0xFFFF8000  }
0x74: {  	[hbm4b:s1+s2] =	stream.linear.scatter [tilespmem:s15], [sflag:$0x2], $0x8000, $0x38;
	[tilespmem:$0x8080] =	vst v63  }
0x75: {  	_ =	swait.ge [sflag:s14], $0x8000  }
0x76: {  	[sflag:s14] =	ssyncset.done $0x0  }
0x77: {  	s1 =	rddreg [dreg:$0x4];
	[sflag:s14] =	ssyncadd.s32 $0xFFFF8000  }
0x78: {  	[tilespmem:s2], [sflag:$0x2] =	stream.linear.gather [hbm4b:s1+s2], $0x80, $0x38;
	[tilespmem:$0x8080] =	vst v63  }
0x79: {  	_ =	swait.ge [sflag:s14], $0x80  }
0x7a: {  	[sflag:s14] =	ssyncset.done $0x0  }
0x7b: {  	[sflag:s14] =	ssyncadd.s32 $0xFFFFFF80  }
0x7c: {  	v3 =	vld [tilespmem:$0x0];
	_ =	sdelay $0x4  }
0x7d: {  	v8 =	vshll.u32 v3, $0x1  }
0x7e: {  	v3 =	vand.u32 $0x7, v3;
	v4 =	vand.u32 $0xFFFFFFF0, v8  }
0x7f: {  	v3 =	vor.u32 v3, v4  }
0x80: {  	v4 =	vperm.xlane v3, v0;
	_ =	sdelay $0x1  }
0x81: {  	v3 =	vperm.xlane v3, v2;
	v4 =	vadd.s32 v1, v4;
	_ =	sdelay $0x1  }
0x82: {  	v3 =	vadd.s32 v1, v3;
	_ =	sdelay $0x2  }
0x83: {  	[tilespmem:s15], [sflag:$0x1] =	stream.indirect_vreg.gather [hbm4b:s3+s2], $0x80, v4, vm0, $0xb8;
	[tilespmem:$0x8080] =	vst v63  }
0x84: {  	_ = 	snop  }
0x85: {  	[tilespmem:s16], [sflag:$0x1] =	stream.indirect_vreg.gather [hbm4b:s3+s2], $0x80, v3, vm0, $0xb8;
	[tilespmem:$0x8080] =	vst v63  }
0x86: {  	v3 =	vld [tilespmem:$0x10];
	_ =	sdelay $0x4  }
0x87: {  	v9 =	vshll.u32 v3, $0x1  }
0x88: {  	v3 =	vand.u32 $0x7, v3;
	v4 =	vand.u32 $0xFFFFFFF0, v9  }
0x89: {  	v3 =	vor.u32 v3, v4  }
0x8a: {  	v4 =	vperm.xlane v3, v0;
	_ =	sdelay $0x1  }
0x8b: {  	v3 =	vperm.xlane v3, v2;
	v4 =	vadd.s32 v1, v4;
	_ =	sdelay $0x1  }
0x8c: {  	v3 =	vadd.s32 v1, v3;
	_ =	sdelay $0x2  }
0x8d: {  	[tilespmem:s17], [sflag:$0x1] =	stream.indirect_vreg.gather [hbm4b:s3+s2], $0x80, v4, vm0, $0xb8;
	[tilespmem:$0x8080] =	vst v63  }
0x8e: {  	_ = 	snop  }
0x8f: {  	[tilespmem:s18], [sflag:$0x1] =	stream.indirect_vreg.gather [hbm4b:s3+s2], $0x80, v3, vm0, $0xb8;
	[tilespmem:$0x8080] =	vst v63  }
0x90: {  	v3 =	vld [tilespmem:$0x20];
	_ =	sdelay $0x4  }
0x91: {  	v10 =	vshll.u32 v3, $0x1  }
0x92: {  	v3 =	vand.u32 $0x7, v3;
	v4 =	vand.u32 $0xFFFFFFF0, v10  }
0x93: {  	v3 =	vor.u32 v3, v4  }
0x94: {  	v4 =	vperm.xlane v3, v0;
	_ =	sdelay $0x1  }
0x95: {  	v3 =	vperm.xlane v3, v2;
	v4 =	vadd.s32 v1, v4;
	_ =	sdelay $0x1  }
0x96: {  	v3 =	vadd.s32 v1, v3;
	_ =	sdelay $0x2  }
0x97: {  	[tilespmem:s19], [sflag:$0x1] =	stream.indirect_vreg.gather [hbm4b:s3+s2], $0x80, v4, vm0, $0xb8;
	[tilespmem:$0x8080] =	vst v63  }
0x98: {  	_ = 	snop  }
0x99: {  	[tilespmem:s20], [sflag:$0x1] =	stream.indirect_vreg.gather [hbm4b:s3+s2], $0x80, v3, vm0, $0xb8;
	[tilespmem:$0x8080] =	vst v63  }
0x9a: {  	v3 =	vld [tilespmem:$0x30];
	_ =	sdelay $0x4  }
0x9b: {  	v11 =	vshll.u32 v3, $0x1  }
0x9c: {  	v3 =	vand.u32 $0x7, v3;
	v4 =	vand.u32 $0xFFFFFFF0, v11  }
0x9d: {  	v3 =	vor.u32 v3, v4  }
0x9e: {  	v4 =	vperm.xlane v3, v0;
	_ =	sdelay $0x1  }
0x9f: {  	v3 =	vperm.xlane v3, v2;
	v4 =	vadd.s32 v1, v4;
	_ =	sdelay $0x1  }
0xa0: {  	v3 =	vadd.s32 v1, v3;
	_ =	sdelay $0x2  }
0xa1: {  	[tilespmem:s21], [sflag:$0x1] =	stream.indirect_vreg.gather [hbm4b:s3+s2], $0x80, v4, vm0, $0xb8;
	[tilespmem:$0x8080] =	vst v63  }
0xa2: {  	_ = 	snop  }
0xa3: {  	[tilespmem:s22], [sflag:$0x1] =	stream.indirect_vreg.gather [hbm4b:s3+s2], $0x80, v3, vm0, $0xb8;
	[tilespmem:$0x8080] =	vst v63  }
0xa4: {  	v3 =	vld [tilespmem:$0x40];
	_ =	sdelay $0x4  }
0xa5: {  	v12 =	vshll.u32 v3, $0x1  }
0xa6: {  	v3 =	vand.u32 $0x7, v3;
	v4 =	vand.u32 $0xFFFFFFF0, v12  }
0xa7: {  	v3 =	vor.u32 v3, v4  }
0xa8: {  	v4 =	vperm.xlane v3, v0;
	_ =	sdelay $0x1  }
0xa9: {  	v3 =	vperm.xlane v3, v2;
	v4 =	vadd.s32 v1, v4;
	_ =	sdelay $0x1  }
0xaa: {  	v3 =	vadd.s32 v1, v3;
	_ =	sdelay $0x2  }
0xab: {  	[tilespmem:s23], [sflag:$0x1] =	stream.indirect_vreg.gather [hbm4b:s3+s2], $0x80, v4, vm0, $0xb8;
	[tilespmem:$0x8080] =	vst v63  }
0xac: {  	_ = 	snop  }
0xad: {  	[tilespmem:s24], [sflag:$0x1] =	stream.indirect_vreg.gather [hbm4b:s3+s2], $0x80, v3, vm0, $0xb8;
	[tilespmem:$0x8080] =	vst v63  }
0xae: {  	v3 =	vld [tilespmem:$0x50];
	_ =	sdelay $0x4  }
0xaf: {  	v13 =	vshll.u32 v3, $0x1  }
0xb0: {  	v3 =	vand.u32 $0x7, v3;
	v4 =	vand.u32 $0xFFFFFFF0, v13  }
0xb1: {  	v3 =	vor.u32 v3, v4  }
0xb2: {  	v4 =	vperm.xlane v3, v0;
	_ =	sdelay $0x1  }
0xb3: {  	v3 =	vperm.xlane v3, v2;
	v4 =	vadd.s32 v1, v4;
	_ =	sdelay $0x1  }
0xb4: {  	v3 =	vadd.s32 v1, v3;
	_ =	sdelay $0x2  }
0xb5: {  	[tilespmem:s25], [sflag:$0x1] =	stream.indirect_vreg.gather [hbm4b:s3+s2], $0x80, v4, vm0, $0xb8;
	[tilespmem:$0x8080] =	vst v63  }
0xb6: {  	_ = 	snop  }
0xb7: {  	[tilespmem:s26], [sflag:$0x1] =	stream.indirect_vreg.gather [hbm4b:s3+s2], $0x80, v3, vm0, $0xb8;
	[tilespmem:$0x8080] =	vst v63  }
0xb8: {  	v3 =	vld [tilespmem:$0x60];
	_ =	sdelay $0x4  }
0xb9: {  	v14 =	vshll.u32 v3, $0x1  }
0xba: {  	v3 =	vand.u32 $0x7, v3;
	v4 =	vand.u32 $0xFFFFFFF0, v14  }
0xbb: {  	v3 =	vor.u32 v3, v4  }
0xbc: {  	v4 =	vperm.xlane v3, v0;
	_ =	sdelay $0x1  }
0xbd: {  	v3 =	vperm.xlane v3, v2;
	v4 =	vadd.s32 v1, v4;
	_ =	sdelay $0x1  }
0xbe: {  	v3 =	vadd.s32 v1, v3;
	_ =	sdelay $0x2  }
0xbf: {  	[tilespmem:s28], [sflag:$0x1] =	stream.indirect_vreg.gather [hbm4b:s3+s2], $0x80, v4, vm0, $0xb8;
	[tilespmem:$0x8080] =	vst v63  }
0xc0: {  	_ = 	snop  }
0xc1: {  	[tilespmem:s29], [sflag:$0x1] =	stream.indirect_vreg.gather [hbm4b:s3+s2], $0x80, v3, vm0, $0xb8;
	[tilespmem:$0x8080] =	vst v63  }
0xc2: {  	v3 =	vld [tilespmem:$0x70];
	_ =	sdelay $0x4  }
0xc3: {  	v15 =	vshll.u32 v3, $0x1  }
0xc4: {  	v3 =	vand.u32 $0x7, v3;
	v4 =	vand.u32 $0xFFFFFFF0, v15  }
0xc5: {  	v3 =	vor.u32 v3, v4  }
0xc6: {  	v4 =	vperm.xlane v3, v0;
	_ =	sdelay $0x1  }
0xc7: {  	v3 =	vperm.xlane v3, v2;
	v4 =	vadd.s32 v1, v4;
	_ =	sdelay $0x1  }
0xc8: {  	v3 =	vadd.s32 v1, v3;
	_ =	sdelay $0x2  }
0xc9: {  	[tilespmem:s30], [sflag:$0x1] =	stream.indirect_vreg.gather [hbm4b:s3+s2], $0x80, v4, vm0, $0xb8;
	[tilespmem:$0x8080] =	vst v63  }
0xca: {  	_ = 	snop  }
0xcb: {  	[tilespmem:s31], [sflag:$0x1] =	stream.indirect_vreg.gather [hbm4b:s3+s2], $0x80, v3, vm0, $0xb8;
	[tilespmem:$0x8080] =	vst v63  }
0xcc: {  	_ =	swait.ge [sflag:s0], $0x8000  }
0xcd: {  	[sflag:s0] =	ssyncset.done $0x0  }
0xce: {  	s1 =	rddreg [dreg:$0x5];
	[sflag:s0] =	ssyncadd.s32 $0xFFFF8000  }
0xcf: {  	[hbm4b:s1+s2] =	stream.linear.scatter [tilespmem:s15], [sflag:$0x2], $0x8000, $0x38;
	[tilespmem:$0x8080] =	vst v63  }
0xd0: {  	_ =	swait.ge [sflag:s14], $0x8000  }
0xd1: {  	[sflag:s14] =	ssyncset.done $0x0  }
0xd2: {  	s1 =	rddreg [dreg:$0x6];
	[sflag:s14] =	ssyncadd.s32 $0xFFFF8000  }
0xd3: {  	[tilespmem:s2], [sflag:$0x2] =	stream.linear.gather [hbm4b:s1+s2], $0x80, $0x38;
	[tilespmem:$0x8080] =	vst v63  }
0xd4: {  	_ =	swait.ge [sflag:s14], $0x80  }
0xd5: {  	[sflag:s14] =	ssyncset.done $0x0  }
0xd6: {  	[sflag:s14] =	ssyncadd.s32 $0xFFFFFF80  }
0xd7: {  	v3 =	vld [tilespmem:$0x0];
	_ =	sdelay $0x4  }
0xd8: {  	v16 =	vshll.u32 v3, $0x1  }
0xd9: {  	v3 =	vand.u32 $0x7, v3;
	v4 =	vand.u32 $0xFFFFFFF0, v16  }
0xda: {  	v3 =	vor.u32 v3, v4  }
0xdb: {  	v4 =	vperm.xlane v3, v0;
	_ =	sdelay $0x1  }
0xdc: {  	v3 =	vperm.xlane v3, v2;
	v4 =	vadd.s32 v1, v4;
	_ =	sdelay $0x1  }
0xdd: {  	v3 =	vadd.s32 v1, v3;
	_ =	sdelay $0x2  }
0xde: {  	[tilespmem:s15], [sflag:$0x1] =	stream.indirect_vreg.gather [hbm4b:s3+s2], $0x80, v4, vm0, $0xb8;
	[tilespmem:$0x8080] =	vst v63  }
0xdf: {  	_ = 	snop  }
0xe0: {  	[tilespmem:s16], [sflag:$0x1] =	stream.indirect_vreg.gather [hbm4b:s3+s2], $0x80, v3, vm0, $0xb8;
	[tilespmem:$0x8080] =	vst v63  }
0xe1: {  	v3 =	vld [tilespmem:$0x10];
	_ =	sdelay $0x4  }
0xe2: {  	v17 =	vshll.u32 v3, $0x1  }
0xe3: {  	v3 =	vand.u32 $0x7, v3;
	v4 =	vand.u32 $0xFFFFFFF0, v17  }
0xe4: {  	v3 =	vor.u32 v3, v4  }
0xe5: {  	v4 =	vperm.xlane v3, v0;
	_ =	sdelay $0x1  }
0xe6: {  	v3 =	vperm.xlane v3, v2;
	v4 =	vadd.s32 v1, v4;
	_ =	sdelay $0x1  }
0xe7: {  	v3 =	vadd.s32 v1, v3;
	_ =	sdelay $0x2  }
0xe8: {  	[tilespmem:s17], [sflag:$0x1] =	stream.indirect_vreg.gather [hbm4b:s3+s2], $0x80, v4, vm0, $0xb8;
	[tilespmem:$0x8080] =	vst v63  }
0xe9: {  	_ = 	snop  }
0xea: {  	[tilespmem:s18], [sflag:$0x1] =	stream.indirect_vreg.gather [hbm4b:s3+s2], $0x80, v3, vm0, $0xb8;
	[tilespmem:$0x8080] =	vst v63  }
0xeb: {  	v3 =	vld [tilespmem:$0x20];
	_ =	sdelay $0x4  }
0xec: {  	v18 =	vshll.u32 v3, $0x1  }
0xed: {  	v3 =	vand.u32 $0x7, v3;
	v4 =	vand.u32 $0xFFFFFFF0, v18  }
0xee: {  	v3 =	vor.u32 v3, v4  }
0xef: {  	v4 =	vperm.xlane v3, v0;
	_ =	sdelay $0x1  }
0xf0: {  	v3 =	vperm.xlane v3, v2;
	v4 =	vadd.s32 v1, v4;
	_ =	sdelay $0x1  }
0xf1: {  	v3 =	vadd.s32 v1, v3;
	_ =	sdelay $0x2  }
0xf2: {  	[tilespmem:s19], [sflag:$0x1] =	stream.indirect_vreg.gather [hbm4b:s3+s2], $0x80, v4, vm0, $0xb8;
	[tilespmem:$0x8080] =	vst v63  }
0xf3: {  	_ = 	snop  }
0xf4: {  	[tilespmem:s20], [sflag:$0x1] =	stream.indirect_vreg.gather [hbm4b:s3+s2], $0x80, v3, vm0, $0xb8;
	[tilespmem:$0x8080] =	vst v63  }
0xf5: {  	v3 =	vld [tilespmem:$0x30];
	_ =	sdelay $0x4  }
0xf6: {  	v19 =	vshll.u32 v3, $0x1  }
0xf7: {  	v3 =	vand.u32 $0x7, v3;
	v4 =	vand.u32 $0xFFFFFFF0, v19  }
0xf8: {  	v3 =	vor.u32 v3, v4  }
0xf9: {  	v4 =	vperm.xlane v3, v0;
	_ =	sdelay $0x1  }
0xfa: {  	v3 =	vperm.xlane v3, v2;
	v4 =	vadd.s32 v1, v4;
	_ =	sdelay $0x1  }
0xfb: {  	v3 =	vadd.s32 v1, v3;
	_ =	sdelay $0x2  }
0xfc: {  	[tilespmem:s21], [sflag:$0x1] =	stream.indirect_vreg.gather [hbm4b:s3+s2], $0x80, v4, vm0, $0xb8;
	[tilespmem:$0x8080] =	vst v63  }
0xfd: {  	_ = 	snop  }
0xfe: {  	[tilespmem:s22], [sflag:$0x1] =	stream.indirect_vreg.gather [hbm4b:s3+s2], $0x80, v3, vm0, $0xb8;
	[tilespmem:$0x8080] =	vst v63  }
0xff: {  	v3 =	vld [tilespmem:$0x40];
	_ =	sdelay $0x4  }
0x100: {  	v20 =	vshll.u32 v3, $0x1  }
0x101: {  	v3 =	vand.u32 $0x7, v3;
	v4 =	vand.u32 $0xFFFFFFF0, v20  }
0x102: {  	v3 =	vor.u32 v3, v4  }
0x103: {  	v4 =	vperm.xlane v3, v0;
	_ =	sdelay $0x1  }
0x104: {  	v3 =	vperm.xlane v3, v2;
	v4 =	vadd.s32 v1, v4;
	_ =	sdelay $0x1  }
0x105: {  	v3 =	vadd.s32 v1, v3;
	_ =	sdelay $0x2  }
0x106: {  	[tilespmem:s23], [sflag:$0x1] =	stream.indirect_vreg.gather [hbm4b:s3+s2], $0x80, v4, vm0, $0xb8;
	[tilespmem:$0x8080] =	vst v63  }
0x107: {  	_ = 	snop  }
0x108: {  	[tilespmem:s24], [sflag:$0x1] =	stream.indirect_vreg.gather [hbm4b:s3+s2], $0x80, v3, vm0, $0xb8;
	[tilespmem:$0x8080] =	vst v63  }
0x109: {  	v3 =	vld [tilespmem:$0x50];
	_ =	sdelay $0x4  }
0x10a: {  	v21 =	vshll.u32 v3, $0x1  }
0x10b: {  	v3 =	vand.u32 $0x7, v3;
	v4 =	vand.u32 $0xFFFFFFF0, v21  }
0x10c: {  	v3 =	vor.u32 v3, v4  }
0x10d: {  	v4 =	vperm.xlane v3, v0;
	_ =	sdelay $0x1  }
0x10e: {  	v3 =	vperm.xlane v3, v2;
	v4 =	vadd.s32 v1, v4;
	_ =	sdelay $0x1  }
0x10f: {  	v3 =	vadd.s32 v1, v3;
	_ =	sdelay $0x2  }
0x110: {  	[tilespmem:s25], [sflag:$0x1] =	stream.indirect_vreg.gather [hbm4b:s3+s2], $0x80, v4, vm0, $0xb8;
	[tilespmem:$0x8080] =	vst v63  }
0x111: {  	_ = 	snop  }
0x112: {  	[tilespmem:s26], [sflag:$0x1] =	stream.indirect_vreg.gather [hbm4b:s3+s2], $0x80, v3, vm0, $0xb8;
	[tilespmem:$0x8080] =	vst v63  }
0x113: {  	v3 =	vld [tilespmem:$0x60];
	_ =	sdelay $0x4  }
0x114: {  	v22 =	vshll.u32 v3, $0x1  }
0x115: {  	v3 =	vand.u32 $0x7, v3;
	v4 =	vand.u32 $0xFFFFFFF0, v22  }
0x116: {  	v3 =	vor.u32 v3, v4  }
0x117: {  	v4 =	vperm.xlane v3, v0;
	_ =	sdelay $0x1  }
0x118: {  	v3 =	vperm.xlane v3, v2;
	v4 =	vadd.s32 v1, v4;
	_ =	sdelay $0x1  }
0x119: {  	v3 =	vadd.s32 v1, v3;
	_ =	sdelay $0x2  }
0x11a: {  	[tilespmem:s28], [sflag:$0x1] =	stream.indirect_vreg.gather [hbm4b:s3+s2], $0x80, v4, vm0, $0xb8;
	[tilespmem:$0x8080] =	vst v63  }
0x11b: {  	_ = 	snop  }
0x11c: {  	[tilespmem:s29], [sflag:$0x1] =	stream.indirect_vreg.gather [hbm4b:s3+s2], $0x80, v3, vm0, $0xb8;
	[tilespmem:$0x8080] =	vst v63  }
0x11d: {  	v3 =	vld [tilespmem:$0x70];
	_ =	sdelay $0x4  }
0x11e: {  	v23 =	vshll.u32 v3, $0x1  }
0x11f: {  	v3 =	vand.u32 $0x7, v3;
	v4 =	vand.u32 $0xFFFFFFF0, v23  }
0x120: {  	v3 =	vor.u32 v3, v4  }
0x121: {  	v4 =	vperm.xlane v3, v0;
	_ =	sdelay $0x1  }
0x122: {  	v3 =	vperm.xlane v3, v2;
	v4 =	vadd.s32 v1, v4;
	_ =	sdelay $0x1  }
0x123: {  	v3 =	vadd.s32 v1, v3;
	_ =	sdelay $0x2  }
0x124: {  	[tilespmem:s30], [sflag:$0x1] =	stream.indirect_vreg.gather [hbm4b:s3+s2], $0x80, v4, vm0, $0xb8;
	[tilespmem:$0x8080] =	vst v63  }
0x125: {  	_ = 	snop  }
0x126: {  	[tilespmem:s31], [sflag:$0x1] =	stream.indirect_vreg.gather [hbm4b:s3+s2], $0x80, v3, vm0, $0xb8;
	[tilespmem:$0x8080] =	vst v63  }
0x127: {  	_ =	swait.ge [sflag:s0], $0x8000  }
0x128: {  	[sflag:s0] =	ssyncset.done $0x0  }
0x129: {  	s1 =	rddreg [dreg:$0x7];
	[sflag:s0] =	ssyncadd.s32 $0xFFFF8000  }
0x12a: {  	[hbm4b:s1+s2] =	stream.linear.scatter [tilespmem:s15], [sflag:$0x2], $0x8000, $0x38;
	[tilespmem:$0x8080] =	vst v63  }
0x12b: {  	_ =	swait.ge [sflag:s14], $0x8000  }
0x12c: {  	[sflag:s14] =	ssyncset.done $0x0  }
0x12d: {  	s1 =	rddreg [dreg:$0x8];
	[sflag:s14] =	ssyncadd.s32 $0xFFFF8000  }
0x12e: {  	[tilespmem:s2], [sflag:$0x2] =	stream.linear.gather [hbm4b:s1+s2], $0x80, $0x38;
	[tilespmem:$0x8080] =	vst v63  }
0x12f: {  	_ =	swait.ge [sflag:s14], $0x80  }
0x130: {  	[sflag:s14] =	ssyncset.done $0x0  }
0x131: {  	[sflag:s14] =	ssyncadd.s32 $0xFFFFFF80  }
0x132: {  	v3 =	vld [tilespmem:$0x0];
	_ =	sdelay $0x4  }
0x133: {  	v24 =	vshll.u32 v3, $0x1  }
0x134: {  	v3 =	vand.u32 $0x7, v3;
	v4 =	vand.u32 $0xFFFFFFF0, v24  }
0x135: {  	v3 =	vor.u32 v3, v4  }
0x136: {  	v4 =	vperm.xlane v3, v0;
	_ =	sdelay $0x1  }
0x137: {  	v3 =	vperm.xlane v3, v2;
	v4 =	vadd.s32 v1, v4;
	_ =	sdelay $0x1  }
0x138: {  	v3 =	vadd.s32 v1, v3;
	_ =	sdelay $0x2  }
0x139: {  	[tilespmem:s15], [sflag:$0x1] =	stream.indirect_vreg.gather [hbm4b:s3+s2], $0x80, v4, vm0, $0xb8;
	[tilespmem:$0x8080] =	vst v63  }
0x13a: {  	_ = 	snop  }
0x13b: {  	[tilespmem:s16], [sflag:$0x1] =	stream.indirect_vreg.gather [hbm4b:s3+s2], $0x80, v3, vm0, $0xb8;
	[tilespmem:$0x8080] =	vst v63  }
0x13c: {  	v3 =	vld [tilespmem:$0x10];
	_ =	sdelay $0x4  }
0x13d: {  	v25 =	vshll.u32 v3, $0x1  }
0x13e: {  	v3 =	vand.u32 $0x7, v3;
	v4 =	vand.u32 $0xFFFFFFF0, v25  }
0x13f: {  	v3 =	vor.u32 v3, v4  }
0x140: {  	v4 =	vperm.xlane v3, v0;
	_ =	sdelay $0x1  }
0x141: {  	v3 =	vperm.xlane v3, v2;
	v4 =	vadd.s32 v1, v4;
	_ =	sdelay $0x1  }
0x142: {  	v3 =	vadd.s32 v1, v3;
	_ =	sdelay $0x2  }
0x143: {  	[tilespmem:s17], [sflag:$0x1] =	stream.indirect_vreg.gather [hbm4b:s3+s2], $0x80, v4, vm0, $0xb8;
	[tilespmem:$0x8080] =	vst v63  }
0x144: {  	_ = 	snop  }
0x145: {  	[tilespmem:s18], [sflag:$0x1] =	stream.indirect_vreg.gather [hbm4b:s3+s2], $0x80, v3, vm0, $0xb8;
	[tilespmem:$0x8080] =	vst v63  }
0x146: {  	v3 =	vld [tilespmem:$0x20];
	_ =	sdelay $0x4  }
0x147: {  	v26 =	vshll.u32 v3, $0x1  }
0x148: {  	v3 =	vand.u32 $0x7, v3;
	v4 =	vand.u32 $0xFFFFFFF0, v26  }
0x149: {  	v3 =	vor.u32 v3, v4  }
0x14a: {  	v4 =	vperm.xlane v3, v0;
	_ =	sdelay $0x1  }
0x14b: {  	v3 =	vperm.xlane v3, v2;
	v4 =	vadd.s32 v1, v4;
	_ =	sdelay $0x1  }
0x14c: {  	v3 =	vadd.s32 v1, v3;
	_ =	sdelay $0x2  }
0x14d: {  	[tilespmem:s19], [sflag:$0x1] =	stream.indirect_vreg.gather [hbm4b:s3+s2], $0x80, v4, vm0, $0xb8;
	[tilespmem:$0x8080] =	vst v63  }
0x14e: {  	_ = 	snop  }
0x14f: {  	[tilespmem:s20], [sflag:$0x1] =	stream.indirect_vreg.gather [hbm4b:s3+s2], $0x80, v3, vm0, $0xb8;
	[tilespmem:$0x8080] =	vst v63  }
0x150: {  	v3 =	vld [tilespmem:$0x30];
	_ =	sdelay $0x4  }
0x151: {  	v27 =	vshll.u32 v3, $0x1  }
0x152: {  	v3 =	vand.u32 $0x7, v3;
	v4 =	vand.u32 $0xFFFFFFF0, v27  }
0x153: {  	v3 =	vor.u32 v3, v4  }
0x154: {  	v4 =	vperm.xlane v3, v0;
	_ =	sdelay $0x1  }
0x155: {  	v3 =	vperm.xlane v3, v2;
	v4 =	vadd.s32 v1, v4;
	_ =	sdelay $0x1  }
0x156: {  	v3 =	vadd.s32 v1, v3;
	_ =	sdelay $0x2  }
0x157: {  	[tilespmem:s21], [sflag:$0x1] =	stream.indirect_vreg.gather [hbm4b:s3+s2], $0x80, v4, vm0, $0xb8;
	[tilespmem:$0x8080] =	vst v63  }
0x158: {  	_ = 	snop  }
0x159: {  	[tilespmem:s22], [sflag:$0x1] =	stream.indirect_vreg.gather [hbm4b:s3+s2], $0x80, v3, vm0, $0xb8;
	[tilespmem:$0x8080] =	vst v63  }
0x15a: {  	v3 =	vld [tilespmem:$0x40];
	_ =	sdelay $0x4  }
0x15b: {  	v28 =	vshll.u32 v3, $0x1  }
0x15c: {  	v3 =	vand.u32 $0x7, v3;
	v4 =	vand.u32 $0xFFFFFFF0, v28  }
0x15d: {  	v3 =	vor.u32 v3, v4  }
0x15e: {  	v4 =	vperm.xlane v3, v0;
	_ =	sdelay $0x1  }
0x15f: {  	v3 =	vperm.xlane v3, v2;
	v4 =	vadd.s32 v1, v4;
	_ =	sdelay $0x1  }
0x160: {  	v3 =	vadd.s32 v1, v3;
	_ =	sdelay $0x2  }
0x161: {  	[tilespmem:s23], [sflag:$0x1] =	stream.indirect_vreg.gather [hbm4b:s3+s2], $0x80, v4, vm0, $0xb8;
	[tilespmem:$0x8080] =	vst v63  }
0x162: {  	_ = 	snop  }
0x163: {  	[tilespmem:s24], [sflag:$0x1] =	stream.indirect_vreg.gather [hbm4b:s3+s2], $0x80, v3, vm0, $0xb8;
	[tilespmem:$0x8080] =	vst v63  }
0x164: {  	v3 =	vld [tilespmem:$0x50];
	_ =	sdelay $0x4  }
0x165: {  	v29 =	vshll.u32 v3, $0x1  }
0x166: {  	v3 =	vand.u32 $0x7, v3;
	v4 =	vand.u32 $0xFFFFFFF0, v29  }
0x167: {  	v3 =	vor.u32 v3, v4  }
0x168: {  	v4 =	vperm.xlane v3, v0;
	_ =	sdelay $0x1  }
0x169: {  	v3 =	vperm.xlane v3, v2;
	v4 =	vadd.s32 v1, v4;
	_ =	sdelay $0x1  }
0x16a: {  	v3 =	vadd.s32 v1, v3;
	_ =	sdelay $0x2  }
0x16b: {  	[tilespmem:s25], [sflag:$0x1] =	stream.indirect_vreg.gather [hbm4b:s3+s2], $0x80, v4, vm0, $0xb8;
	[tilespmem:$0x8080] =	vst v63  }
0x16c: {  	_ = 	snop  }
0x16d: {  	[tilespmem:s26], [sflag:$0x1] =	stream.indirect_vreg.gather [hbm4b:s3+s2], $0x80, v3, vm0, $0xb8;
	[tilespmem:$0x8080] =	vst v63  }
0x16e: {  	v3 =	vld [tilespmem:$0x60];
	_ =	sdelay $0x4  }
0x16f: {  	v30 =	vshll.u32 v3, $0x1  }
0x170: {  	v3 =	vand.u32 $0x7, v3;
	v4 =	vand.u32 $0xFFFFFFF0, v30  }
0x171: {  	v3 =	vor.u32 v3, v4  }
0x172: {  	v4 =	vperm.xlane v3, v0;
	_ =	sdelay $0x1  }
0x173: {  	v3 =	vperm.xlane v3, v2;
	v4 =	vadd.s32 v1, v4;
	_ =	sdelay $0x1  }
0x174: {  	v3 =	vadd.s32 v1, v3;
	_ =	sdelay $0x2  }
0x175: {  	[tilespmem:s28], [sflag:$0x1] =	stream.indirect_vreg.gather [hbm4b:s3+s2], $0x80, v4, vm0, $0xb8;
	[tilespmem:$0x8080] =	vst v63  }
0x176: {  	_ = 	snop  }
0x177: {  	[tilespmem:s29], [sflag:$0x1] =	stream.indirect_vreg.gather [hbm4b:s3+s2], $0x80, v3, vm0, $0xb8;
	[tilespmem:$0x8080] =	vst v63  }
0x178: {  	v3 =	vld [tilespmem:$0x70];
	_ =	sdelay $0x4  }
0x179: {  	v31 =	vshll.u32 v3, $0x1  }
0x17a: {  	v3 =	vand.u32 $0x7, v3;
	v4 =	vand.u32 $0xFFFFFFF0, v31  }
0x17b: {  	v3 =	vor.u32 v3, v4  }
0x17c: {  	v4 =	vperm.xlane v3, v0;
	_ =	sdelay $0x1  }
0x17d: {  	v3 =	vperm.xlane v3, v2;
	v4 =	vadd.s32 v1, v4;
	_ =	sdelay $0x1  }
0x17e: {  	v3 =	vadd.s32 v1, v3;
	_ =	sdelay $0x2  }
0x17f: {  	[tilespmem:s30], [sflag:$0x1] =	stream.indirect_vreg.gather [hbm4b:s3+s2], $0x80, v4, vm0, $0xb8;
	[tilespmem:$0x8080] =	vst v63  }
0x180: {  	_ = 	snop  }
0x181: {  	[tilespmem:s31], [sflag:$0x1] =	stream.indirect_vreg.gather [hbm4b:s3+s2], $0x80, v3, vm0, $0xb8;
	[tilespmem:$0x8080] =	vst v63  }
0x182: {  	_ =	swait.ge [sflag:s0], $0x8000  }
0x183: {  	[sflag:s0] =	ssyncset.done $0x0  }
0x184: {  	[sflag:s0] =	ssyncadd.s32 $0xFFFF8000  }
0x185: {  	[hbm4b:s4+s2] =	stream.linear.scatter [tilespmem:s15], [sflag:$0x2], $0x8000, $0x38;
	[tilespmem:$0x8080] =	vst v63  }
0x186: {  	_ =	swait.ge [sflag:s14], $0x8000  }
0x187: {  	[sflag:s14] =	ssyncset.done $0x0  }
0x188: {  	[sflag:s14] =	ssyncadd.s32 $0xFFFF8000  }
0x189: {  	[tilespmem:s2], [sflag:$0x2] =	stream.linear.gather [hbm4b:s5+s2], $0x80, $0x38;
	[tilespmem:$0x8080] =	vst v63  }
0x18a: {  	_ =	swait.ge [sflag:s14], $0x80  }
0x18b: {  	[sflag:s14] =	ssyncset.done $0x0  }
0x18c: {  	[sflag:s14] =	ssyncadd.s32 $0xFFFFFF80  }
0x18d: {  	v3 =	vld [tilespmem:$0x0];
	_ =	sdelay $0x4  }
0x18e: {  	v32 =	vshll.u32 v3, $0x1  }
0x18f: {  	v3 =	vand.u32 $0x7, v3;
	v4 =	vand.u32 $0xFFFFFFF0, v32  }
0x190: {  	v3 =	vor.u32 v3, v4  }
0x191: {  	v4 =	vperm.xlane v3, v0;
	_ =	sdelay $0x1  }
0x192: {  	v3 =	vperm.xlane v3, v2;
	v4 =	vadd.s32 v1, v4;
	_ =	sdelay $0x1  }
0x193: {  	v3 =	vadd.s32 v1, v3;
	_ =	sdelay $0x2  }
0x194: {  	[tilespmem:s15], [sflag:$0x1] =	stream.indirect_vreg.gather [hbm4b:s3+s2], $0x80, v4, vm0, $0xb8;
	[tilespmem:$0x8080] =	vst v63  }
0x195: {  	_ = 	snop  }
0x196: {  	[tilespmem:s16], [sflag:$0x1] =	stream.indirect_vreg.gather [hbm4b:s3+s2], $0x80, v3, vm0, $0xb8;
	[tilespmem:$0x8080] =	vst v63  }
0x197: {  	v3 =	vld [tilespmem:$0x10];
	_ =	sdelay $0x4  }
0x198: {  	v33 =	vshll.u32 v3, $0x1  }
0x199: {  	v3 =	vand.u32 $0x7, v3;
	v4 =	vand.u32 $0xFFFFFFF0, v33  }
0x19a: {  	v3 =	vor.u32 v3, v4  }
0x19b: {  	v4 =	vperm.xlane v3, v0;
	_ =	sdelay $0x1  }
0x19c: {  	v3 =	vperm.xlane v3, v2;
	v4 =	vadd.s32 v1, v4;
	_ =	sdelay $0x1  }
0x19d: {  	v3 =	vadd.s32 v1, v3;
	_ =	sdelay $0x2  }
0x19e: {  	[tilespmem:s17], [sflag:$0x1] =	stream.indirect_vreg.gather [hbm4b:s3+s2], $0x80, v4, vm0, $0xb8;
	[tilespmem:$0x8080] =	vst v63  }
0x19f: {  	_ = 	snop  }
0x1a0: {  	[tilespmem:s18], [sflag:$0x1] =	stream.indirect_vreg.gather [hbm4b:s3+s2], $0x80, v3, vm0, $0xb8;
	[tilespmem:$0x8080] =	vst v63  }
0x1a1: {  	v3 =	vld [tilespmem:$0x20];
	_ =	sdelay $0x4  }
0x1a2: {  	v34 =	vshll.u32 v3, $0x1  }
0x1a3: {  	v3 =	vand.u32 $0x7, v3;
	v4 =	vand.u32 $0xFFFFFFF0, v34  }
0x1a4: {  	v3 =	vor.u32 v3, v4  }
0x1a5: {  	v4 =	vperm.xlane v3, v0;
	_ =	sdelay $0x1  }
0x1a6: {  	v3 =	vperm.xlane v3, v2;
	v4 =	vadd.s32 v1, v4;
	_ =	sdelay $0x1  }
0x1a7: {  	v3 =	vadd.s32 v1, v3;
	_ =	sdelay $0x2  }
0x1a8: {  	[tilespmem:s19], [sflag:$0x1] =	stream.indirect_vreg.gather [hbm4b:s3+s2], $0x80, v4, vm0, $0xb8;
	[tilespmem:$0x8080] =	vst v63  }
0x1a9: {  	_ = 	snop  }
0x1aa: {  	[tilespmem:s20], [sflag:$0x1] =	stream.indirect_vreg.gather [hbm4b:s3+s2], $0x80, v3, vm0, $0xb8;
	[tilespmem:$0x8080] =	vst v63  }
0x1ab: {  	v3 =	vld [tilespmem:$0x30];
	_ =	sdelay $0x4  }
0x1ac: {  	v35 =	vshll.u32 v3, $0x1  }
0x1ad: {  	v3 =	vand.u32 $0x7, v3;
	v4 =	vand.u32 $0xFFFFFFF0, v35  }
0x1ae: {  	v3 =	vor.u32 v3, v4  }
0x1af: {  	v4 =	vperm.xlane v3, v0;
	_ =	sdelay $0x1  }
0x1b0: {  	v3 =	vperm.xlane v3, v2;
	v4 =	vadd.s32 v1, v4;
	_ =	sdelay $0x1  }
0x1b1: {  	v3 =	vadd.s32 v1, v3;
	_ =	sdelay $0x2  }
0x1b2: {  	[tilespmem:s21], [sflag:$0x1] =	stream.indirect_vreg.gather [hbm4b:s3+s2], $0x80, v4, vm0, $0xb8;
	[tilespmem:$0x8080] =	vst v63  }
0x1b3: {  	_ = 	snop  }
0x1b4: {  	[tilespmem:s22], [sflag:$0x1] =	stream.indirect_vreg.gather [hbm4b:s3+s2], $0x80, v3, vm0, $0xb8;
	[tilespmem:$0x8080] =	vst v63  }
0x1b5: {  	v3 =	vld [tilespmem:$0x40];
	_ =	sdelay $0x4  }
0x1b6: {  	v36 =	vshll.u32 v3, $0x1  }
0x1b7: {  	v3 =	vand.u32 $0x7, v3;
	v4 =	vand.u32 $0xFFFFFFF0, v36  }
0x1b8: {  	v3 =	vor.u32 v3, v4  }
0x1b9: {  	v4 =	vperm.xlane v3, v0;
	_ =	sdelay $0x1  }
0x1ba: {  	v3 =	vperm.xlane v3, v2;
	v4 =	vadd.s32 v1, v4;
	_ =	sdelay $0x1  }
0x1bb: {  	v3 =	vadd.s32 v1, v3;
	_ =	sdelay $0x2  }
0x1bc: {  	[tilespmem:s23], [sflag:$0x1] =	stream.indirect_vreg.gather [hbm4b:s3+s2], $0x80, v4, vm0, $0xb8;
	[tilespmem:$0x8080] =	vst v63  }
0x1bd: {  	_ = 	snop  }
0x1be: {  	[tilespmem:s24], [sflag:$0x1] =	stream.indirect_vreg.gather [hbm4b:s3+s2], $0x80, v3, vm0, $0xb8;
	[tilespmem:$0x8080] =	vst v63  }
0x1bf: {  	v3 =	vld [tilespmem:$0x50];
	_ =	sdelay $0x4  }
0x1c0: {  	v37 =	vshll.u32 v3, $0x1  }
0x1c1: {  	v3 =	vand.u32 $0x7, v3;
	v4 =	vand.u32 $0xFFFFFFF0, v37  }
0x1c2: {  	v3 =	vor.u32 v3, v4  }
0x1c3: {  	v4 =	vperm.xlane v3, v0;
	_ =	sdelay $0x1  }
0x1c4: {  	v3 =	vperm.xlane v3, v2;
	v4 =	vadd.s32 v1, v4;
	_ =	sdelay $0x1  }
0x1c5: {  	v3 =	vadd.s32 v1, v3;
	_ =	sdelay $0x2  }
0x1c6: {  	[tilespmem:s25], [sflag:$0x1] =	stream.indirect_vreg.gather [hbm4b:s3+s2], $0x80, v4, vm0, $0xb8;
	[tilespmem:$0x8080] =	vst v63  }
0x1c7: {  	_ = 	snop  }
0x1c8: {  	[tilespmem:s26], [sflag:$0x1] =	stream.indirect_vreg.gather [hbm4b:s3+s2], $0x80, v3, vm0, $0xb8;
	[tilespmem:$0x8080] =	vst v63  }
0x1c9: {  	v3 =	vld [tilespmem:$0x60];
	_ =	sdelay $0x4  }
0x1ca: {  	v38 =	vshll.u32 v3, $0x1  }
0x1cb: {  	v3 =	vand.u32 $0x7, v3;
	v4 =	vand.u32 $0xFFFFFFF0, v38  }
0x1cc: {  	v3 =	vor.u32 v3, v4  }
0x1cd: {  	v4 =	vperm.xlane v3, v0;
	_ =	sdelay $0x1  }
0x1ce: {  	v3 =	vperm.xlane v3, v2;
	v4 =	vadd.s32 v1, v4;
	_ =	sdelay $0x1  }
0x1cf: {  	v3 =	vadd.s32 v1, v3;
	_ =	sdelay $0x2  }
0x1d0: {  	[tilespmem:s28], [sflag:$0x1] =	stream.indirect_vreg.gather [hbm4b:s3+s2], $0x80, v4, vm0, $0xb8;
	[tilespmem:$0x8080] =	vst v63  }
0x1d1: {  	_ = 	snop  }
0x1d2: {  	[tilespmem:s29], [sflag:$0x1] =	stream.indirect_vreg.gather [hbm4b:s3+s2], $0x80, v3, vm0, $0xb8;
	[tilespmem:$0x8080] =	vst v63  }
0x1d3: {  	v3 =	vld [tilespmem:$0x70];
	_ =	sdelay $0x4  }
0x1d4: {  	v39 =	vshll.u32 v3, $0x1  }
0x1d5: {  	v3 =	vand.u32 $0x7, v3;
	v4 =	vand.u32 $0xFFFFFFF0, v39  }
0x1d6: {  	v3 =	vor.u32 v3, v4  }
0x1d7: {  	v4 =	vperm.xlane v3, v0;
	_ =	sdelay $0x1  }
0x1d8: {  	v3 =	vperm.xlane v3, v2;
	v4 =	vadd.s32 v1, v4;
	_ =	sdelay $0x1  }
0x1d9: {  	v3 =	vadd.s32 v1, v3;
	_ =	sdelay $0x2  }
0x1da: {  	[tilespmem:s30], [sflag:$0x1] =	stream.indirect_vreg.gather [hbm4b:s3+s2], $0x80, v4, vm0, $0xb8;
	[tilespmem:$0x8080] =	vst v63  }
0x1db: {  	_ = 	snop  }
0x1dc: {  	[tilespmem:s31], [sflag:$0x1] =	stream.indirect_vreg.gather [hbm4b:s3+s2], $0x80, v3, vm0, $0xb8;
	[tilespmem:$0x8080] =	vst v63  }
0x1dd: {  	_ =	swait.ge [sflag:s0], $0x8000  }
0x1de: {  	[sflag:s0] =	ssyncset.done $0x0  }
0x1df: {  	[sflag:s0] =	ssyncadd.s32 $0xFFFF8000  }
0x1e0: {  	[hbm4b:s6+s2] =	stream.linear.scatter [tilespmem:s15], [sflag:$0x2], $0x8000, $0x38;
	[tilespmem:$0x8080] =	vst v63  }
0x1e1: {  	_ =	swait.ge [sflag:s14], $0x8000  }
0x1e2: {  	[sflag:s14] =	ssyncset.done $0x0  }
0x1e3: {  	[sflag:s14] =	ssyncadd.s32 $0xFFFF8000  }
0x1e4: {  	[tilespmem:s2], [sflag:$0x2] =	stream.linear.gather [hbm4b:s7+s2], $0x80, $0x38;
	[tilespmem:$0x8080] =	vst v63  }
0x1e5: {  	_ =	swait.ge [sflag:s14], $0x80  }
0x1e6: {  	[sflag:s14] =	ssyncset.done $0x0  }
0x1e7: {  	[sflag:s14] =	ssyncadd.s32 $0xFFFFFF80  }
0x1e8: {  	v3 =	vld [tilespmem:$0x0];
	_ =	sdelay $0x4  }
0x1e9: {  	v40 =	vshll.u32 v3, $0x1  }
0x1ea: {  	v3 =	vand.u32 $0x7, v3;
	v4 =	vand.u32 $0xFFFFFFF0, v40  }
0x1eb: {  	v3 =	vor.u32 v3, v4  }
0x1ec: {  	v4 =	vperm.xlane v3, v0;
	_ =	sdelay $0x1  }
0x1ed: {  	v3 =	vperm.xlane v3, v2;
	v4 =	vadd.s32 v1, v4;
	_ =	sdelay $0x1  }
0x1ee: {  	v3 =	vadd.s32 v1, v3;
	_ =	sdelay $0x2  }
0x1ef: {  	[tilespmem:s15], [sflag:$0x1] =	stream.indirect_vreg.gather [hbm4b:s3+s2], $0x80, v4, vm0, $0xb8;
	[tilespmem:$0x8080] =	vst v63  }
0x1f0: {  	_ = 	snop  }
0x1f1: {  	[tilespmem:s16], [sflag:$0x1] =	stream.indirect_vreg.gather [hbm4b:s3+s2], $0x80, v3, vm0, $0xb8;
	[tilespmem:$0x8080] =	vst v63  }
0x1f2: {  	v3 =	vld [tilespmem:$0x10];
	_ =	sdelay $0x4  }
0x1f3: {  	v41 =	vshll.u32 v3, $0x1  }
0x1f4: {  	v3 =	vand.u32 $0x7, v3;
	v4 =	vand.u32 $0xFFFFFFF0, v41  }
0x1f5: {  	v3 =	vor.u32 v3, v4  }
0x1f6: {  	v4 =	vperm.xlane v3, v0;
	_ =	sdelay $0x1  }
0x1f7: {  	v3 =	vperm.xlane v3, v2;
	v4 =	vadd.s32 v1, v4;
	_ =	sdelay $0x1  }
0x1f8: {  	v3 =	vadd.s32 v1, v3;
	_ =	sdelay $0x2  }
0x1f9: {  	[tilespmem:s17], [sflag:$0x1] =	stream.indirect_vreg.gather [hbm4b:s3+s2], $0x80, v4, vm0, $0xb8;
	[tilespmem:$0x8080] =	vst v63  }
0x1fa: {  	_ = 	snop  }
0x1fb: {  	[tilespmem:s18], [sflag:$0x1] =	stream.indirect_vreg.gather [hbm4b:s3+s2], $0x80, v3, vm0, $0xb8;
	[tilespmem:$0x8080] =	vst v63  }
0x1fc: {  	v3 =	vld [tilespmem:$0x20];
	_ =	sdelay $0x4  }
0x1fd: {  	v42 =	vshll.u32 v3, $0x1  }
0x1fe: {  	v3 =	vand.u32 $0x7, v3;
	v4 =	vand.u32 $0xFFFFFFF0, v42  }
0x1ff: {  	v3 =	vor.u32 v3, v4  }
0x200: {  	v4 =	vperm.xlane v3, v0;
	_ =	sdelay $0x1  }
0x201: {  	v3 =	vperm.xlane v3, v2;
	v4 =	vadd.s32 v1, v4;
	_ =	sdelay $0x1  }
0x202: {  	v3 =	vadd.s32 v1, v3;
	_ =	sdelay $0x2  }
0x203: {  	[tilespmem:s19], [sflag:$0x1] =	stream.indirect_vreg.gather [hbm4b:s3+s2], $0x80, v4, vm0, $0xb8;
	[tilespmem:$0x8080] =	vst v63  }
0x204: {  	_ = 	snop  }
0x205: {  	[tilespmem:s20], [sflag:$0x1] =	stream.indirect_vreg.gather [hbm4b:s3+s2], $0x80, v3, vm0, $0xb8;
	[tilespmem:$0x8080] =	vst v63  }
0x206: {  	v3 =	vld [tilespmem:$0x30];
	_ =	sdelay $0x4  }
0x207: {  	v43 =	vshll.u32 v3, $0x1  }
0x208: {  	v3 =	vand.u32 $0x7, v3;
	v4 =	vand.u32 $0xFFFFFFF0, v43  }
0x209: {  	v3 =	vor.u32 v3, v4  }
0x20a: {  	v4 =	vperm.xlane v3, v0;
	_ =	sdelay $0x1  }
0x20b: {  	v3 =	vperm.xlane v3, v2;
	v4 =	vadd.s32 v1, v4;
	_ =	sdelay $0x1  }
0x20c: {  	v3 =	vadd.s32 v1, v3;
	_ =	sdelay $0x2  }
0x20d: {  	[tilespmem:s21], [sflag:$0x1] =	stream.indirect_vreg.gather [hbm4b:s3+s2], $0x80, v4, vm0, $0xb8;
	[tilespmem:$0x8080] =	vst v63  }
0x20e: {  	_ = 	snop  }
0x20f: {  	[tilespmem:s22], [sflag:$0x1] =	stream.indirect_vreg.gather [hbm4b:s3+s2], $0x80, v3, vm0, $0xb8;
	[tilespmem:$0x8080] =	vst v63  }
0x210: {  	v3 =	vld [tilespmem:$0x40];
	_ =	sdelay $0x4  }
0x211: {  	v44 =	vshll.u32 v3, $0x1  }
0x212: {  	v3 =	vand.u32 $0x7, v3;
	v4 =	vand.u32 $0xFFFFFFF0, v44  }
0x213: {  	v3 =	vor.u32 v3, v4  }
0x214: {  	v4 =	vperm.xlane v3, v0;
	_ =	sdelay $0x1  }
0x215: {  	v3 =	vperm.xlane v3, v2;
	v4 =	vadd.s32 v1, v4;
	_ =	sdelay $0x1  }
0x216: {  	v3 =	vadd.s32 v1, v3;
	_ =	sdelay $0x2  }
0x217: {  	[tilespmem:s23], [sflag:$0x1] =	stream.indirect_vreg.gather [hbm4b:s3+s2], $0x80, v4, vm0, $0xb8;
	[tilespmem:$0x8080] =	vst v63  }
0x218: {  	_ = 	snop  }
0x219: {  	[tilespmem:s24], [sflag:$0x1] =	stream.indirect_vreg.gather [hbm4b:s3+s2], $0x80, v3, vm0, $0xb8;
	[tilespmem:$0x8080] =	vst v63  }
0x21a: {  	v3 =	vld [tilespmem:$0x50];
	_ =	sdelay $0x4  }
0x21b: {  	v45 =	vshll.u32 v3, $0x1  }
0x21c: {  	v3 =	vand.u32 $0x7, v3;
	v4 =	vand.u32 $0xFFFFFFF0, v45  }
0x21d: {  	v3 =	vor.u32 v3, v4  }
0x21e: {  	v4 =	vperm.xlane v3, v0;
	_ =	sdelay $0x1  }
0x21f: {  	v3 =	vperm.xlane v3, v2;
	v4 =	vadd.s32 v1, v4;
	_ =	sdelay $0x1  }
0x220: {  	v3 =	vadd.s32 v1, v3;
	_ =	sdelay $0x2  }
0x221: {  	[tilespmem:s25], [sflag:$0x1] =	stream.indirect_vreg.gather [hbm4b:s3+s2], $0x80, v4, vm0, $0xb8;
	[tilespmem:$0x8080] =	vst v63  }
0x222: {  	_ = 	snop  }
0x223: {  	[tilespmem:s26], [sflag:$0x1] =	stream.indirect_vreg.gather [hbm4b:s3+s2], $0x80, v3, vm0, $0xb8;
	[tilespmem:$0x8080] =	vst v63  }
0x224: {  	v3 =	vld [tilespmem:$0x60];
	_ =	sdelay $0x4  }
0x225: {  	v46 =	vshll.u32 v3, $0x1  }
0x226: {  	v3 =	vand.u32 $0x7, v3;
	v4 =	vand.u32 $0xFFFFFFF0, v46  }
0x227: {  	v3 =	vor.u32 v3, v4  }
0x228: {  	v4 =	vperm.xlane v3, v0;
	_ =	sdelay $0x1  }
0x229: {  	v3 =	vperm.xlane v3, v2;
	v4 =	vadd.s32 v1, v4;
	_ =	sdelay $0x1  }
0x22a: {  	v3 =	vadd.s32 v1, v3;
	_ =	sdelay $0x2  }
0x22b: {  	[tilespmem:s28], [sflag:$0x1] =	stream.indirect_vreg.gather [hbm4b:s3+s2], $0x80, v4, vm0, $0xb8;
	[tilespmem:$0x8080] =	vst v63  }
0x22c: {  	_ = 	snop  }
0x22d: {  	[tilespmem:s29], [sflag:$0x1] =	stream.indirect_vreg.gather [hbm4b:s3+s2], $0x80, v3, vm0, $0xb8;
	[tilespmem:$0x8080] =	vst v63  }
0x22e: {  	v3 =	vld [tilespmem:$0x70];
	_ =	sdelay $0x4  }
0x22f: {  	v47 =	vshll.u32 v3, $0x1  }
0x230: {  	v3 =	vand.u32 $0x7, v3;
	v4 =	vand.u32 $0xFFFFFFF0, v47  }
0x231: {  	v3 =	vor.u32 v3, v4  }
0x232: {  	v4 =	vperm.xlane v3, v0;
	_ =	sdelay $0x1  }
0x233: {  	v3 =	vperm.xlane v3, v2;
	v4 =	vadd.s32 v1, v4;
	_ =	sdelay $0x1  }
0x234: {  	v3 =	vadd.s32 v1, v3;
	_ =	sdelay $0x2  }
0x235: {  	[tilespmem:s30], [sflag:$0x1] =	stream.indirect_vreg.gather [hbm4b:s3+s2], $0x80, v4, vm0, $0xb8;
	[tilespmem:$0x8080] =	vst v63  }
0x236: {  	_ = 	snop  }
0x237: {  	[tilespmem:s31], [sflag:$0x1] =	stream.indirect_vreg.gather [hbm4b:s3+s2], $0x80, v3, vm0, $0xb8;
	[tilespmem:$0x8080] =	vst v63  }
0x238: {  	_ =	swait.ge [sflag:s0], $0x8000  }
0x239: {  	[sflag:s0] =	ssyncset.done $0x0  }
0x23a: {  	[sflag:s0] =	ssyncadd.s32 $0xFFFF8000  }
0x23b: {  	[hbm4b:s8+s2] =	stream.linear.scatter [tilespmem:s15], [sflag:$0x2], $0x8000, $0x38;
	[tilespmem:$0x8080] =	vst v63  }
0x23c: {  	_ =	swait.ge [sflag:s14], $0x8000  }
0x23d: {  	[sflag:s14] =	ssyncset.done $0x0  }
0x23e: {  	[sflag:s14] =	ssyncadd.s32 $0xFFFF8000  }
0x23f: {  	[tilespmem:s2], [sflag:$0x2] =	stream.linear.gather [hbm4b:s9+s2], $0x80, $0x38;
	[tilespmem:$0x8080] =	vst v63  }
0x240: {  	_ =	swait.ge [sflag:s14], $0x80  }
0x241: {  	[sflag:s14] =	ssyncset.done $0x0  }
0x242: {  	[sflag:s14] =	ssyncadd.s32 $0xFFFFFF80  }
0x243: {  	v3 =	vld [tilespmem:$0x0];
	_ =	sdelay $0x4  }
0x244: {  	v48 =	vshll.u32 v3, $0x1  }
0x245: {  	v3 =	vand.u32 $0x7, v3;
	v4 =	vand.u32 $0xFFFFFFF0, v48  }
0x246: {  	v3 =	vor.u32 v3, v4  }
0x247: {  	v4 =	vperm.xlane v3, v0;
	_ =	sdelay $0x1  }
0x248: {  	v3 =	vperm.xlane v3, v2;
	v4 =	vadd.s32 v1, v4;
	_ =	sdelay $0x1  }
0x249: {  	v3 =	vadd.s32 v1, v3;
	_ =	sdelay $0x2  }
0x24a: {  	[tilespmem:s15], [sflag:$0x1] =	stream.indirect_vreg.gather [hbm4b:s3+s2], $0x80, v4, vm0, $0xb8;
	[tilespmem:$0x8080] =	vst v63  }
0x24b: {  	_ = 	snop  }
0x24c: {  	[tilespmem:s16], [sflag:$0x1] =	stream.indirect_vreg.gather [hbm4b:s3+s2], $0x80, v3, vm0, $0xb8;
	[tilespmem:$0x8080] =	vst v63  }
0x24d: {  	v3 =	vld [tilespmem:$0x10];
	_ =	sdelay $0x4  }
0x24e: {  	v49 =	vshll.u32 v3, $0x1  }
0x24f: {  	v3 =	vand.u32 $0x7, v3;
	v4 =	vand.u32 $0xFFFFFFF0, v49  }
0x250: {  	v3 =	vor.u32 v3, v4  }
0x251: {  	v4 =	vperm.xlane v3, v0;
	_ =	sdelay $0x1  }
0x252: {  	v3 =	vperm.xlane v3, v2;
	v4 =	vadd.s32 v1, v4;
	_ =	sdelay $0x1  }
0x253: {  	v3 =	vadd.s32 v1, v3;
	_ =	sdelay $0x2  }
0x254: {  	[tilespmem:s17], [sflag:$0x1] =	stream.indirect_vreg.gather [hbm4b:s3+s2], $0x80, v4, vm0, $0xb8;
	[tilespmem:$0x8080] =	vst v63  }
0x255: {  	_ = 	snop  }
0x256: {  	[tilespmem:s18], [sflag:$0x1] =	stream.indirect_vreg.gather [hbm4b:s3+s2], $0x80, v3, vm0, $0xb8;
	[tilespmem:$0x8080] =	vst v63  }
0x257: {  	v3 =	vld [tilespmem:$0x20];
	_ =	sdelay $0x4  }
0x258: {  	v50 =	vshll.u32 v3, $0x1  }
0x259: {  	v3 =	vand.u32 $0x7, v3;
	v4 =	vand.u32 $0xFFFFFFF0, v50  }
0x25a: {  	v3 =	vor.u32 v3, v4  }
0x25b: {  	v4 =	vperm.xlane v3, v0;
	_ =	sdelay $0x1  }
0x25c: {  	v3 =	vperm.xlane v3, v2;
	v4 =	vadd.s32 v1, v4;
	_ =	sdelay $0x1  }
0x25d: {  	v3 =	vadd.s32 v1, v3;
	_ =	sdelay $0x2  }
0x25e: {  	[tilespmem:s19], [sflag:$0x1] =	stream.indirect_vreg.gather [hbm4b:s3+s2], $0x80, v4, vm0, $0xb8;
	[tilespmem:$0x8080] =	vst v63  }
0x25f: {  	_ = 	snop  }
0x260: {  	[tilespmem:s20], [sflag:$0x1] =	stream.indirect_vreg.gather [hbm4b:s3+s2], $0x80, v3, vm0, $0xb8;
	[tilespmem:$0x8080] =	vst v63  }
0x261: {  	v3 =	vld [tilespmem:$0x30];
	_ =	sdelay $0x4  }
0x262: {  	v51 =	vshll.u32 v3, $0x1  }
0x263: {  	v3 =	vand.u32 $0x7, v3;
	v4 =	vand.u32 $0xFFFFFFF0, v51  }
0x264: {  	v3 =	vor.u32 v3, v4  }
0x265: {  	v4 =	vperm.xlane v3, v0;
	_ =	sdelay $0x1  }
0x266: {  	v3 =	vperm.xlane v3, v2;
	v4 =	vadd.s32 v1, v4;
	_ =	sdelay $0x1  }
0x267: {  	v3 =	vadd.s32 v1, v3;
	_ =	sdelay $0x2  }
0x268: {  	[tilespmem:s21], [sflag:$0x1] =	stream.indirect_vreg.gather [hbm4b:s3+s2], $0x80, v4, vm0, $0xb8;
	[tilespmem:$0x8080] =	vst v63  }
0x269: {  	_ = 	snop  }
0x26a: {  	[tilespmem:s22], [sflag:$0x1] =	stream.indirect_vreg.gather [hbm4b:s3+s2], $0x80, v3, vm0, $0xb8;
	[tilespmem:$0x8080] =	vst v63  }
0x26b: {  	v3 =	vld [tilespmem:$0x40];
	_ =	sdelay $0x4  }
0x26c: {  	v52 =	vshll.u32 v3, $0x1  }
0x26d: {  	v3 =	vand.u32 $0x7, v3;
	v4 =	vand.u32 $0xFFFFFFF0, v52  }
0x26e: {  	v3 =	vor.u32 v3, v4  }
0x26f: {  	v4 =	vperm.xlane v3, v0;
	_ =	sdelay $0x1  }
0x270: {  	v3 =	vperm.xlane v3, v2;
	v4 =	vadd.s32 v1, v4;
	_ =	sdelay $0x1  }
0x271: {  	v3 =	vadd.s32 v1, v3;
	_ =	sdelay $0x2  }
0x272: {  	[tilespmem:s23], [sflag:$0x1] =	stream.indirect_vreg.gather [hbm4b:s3+s2], $0x80, v4, vm0, $0xb8;
	[tilespmem:$0x8080] =	vst v63  }
0x273: {  	_ = 	snop  }
0x274: {  	[tilespmem:s24], [sflag:$0x1] =	stream.indirect_vreg.gather [hbm4b:s3+s2], $0x80, v3, vm0, $0xb8;
	[tilespmem:$0x8080] =	vst v63  }
0x275: {  	v3 =	vld [tilespmem:$0x50];
	_ =	sdelay $0x4  }
0x276: {  	v53 =	vshll.u32 v3, $0x1  }
0x277: {  	v3 =	vand.u32 $0x7, v3;
	v4 =	vand.u32 $0xFFFFFFF0, v53  }
0x278: {  	v3 =	vor.u32 v3, v4  }
0x279: {  	v4 =	vperm.xlane v3, v0;
	_ =	sdelay $0x1  }
0x27a: {  	v3 =	vperm.xlane v3, v2;
	v4 =	vadd.s32 v1, v4;
	_ =	sdelay $0x1  }
0x27b: {  	v3 =	vadd.s32 v1, v3;
	_ =	sdelay $0x2  }
0x27c: {  	[tilespmem:s25], [sflag:$0x1] =	stream.indirect_vreg.gather [hbm4b:s3+s2], $0x80, v4, vm0, $0xb8;
	[tilespmem:$0x8080] =	vst v63  }
0x27d: {  	_ = 	snop  }
0x27e: {  	[tilespmem:s26], [sflag:$0x1] =	stream.indirect_vreg.gather [hbm4b:s3+s2], $0x80, v3, vm0, $0xb8;
	[tilespmem:$0x8080] =	vst v63  }
0x27f: {  	v3 =	vld [tilespmem:$0x60];
	_ =	sdelay $0x4  }
0x280: {  	v54 =	vshll.u32 v3, $0x1  }
0x281: {  	v3 =	vand.u32 $0x7, v3;
	v4 =	vand.u32 $0xFFFFFFF0, v54  }
0x282: {  	v3 =	vor.u32 v3, v4  }
0x283: {  	v4 =	vperm.xlane v3, v0;
	_ =	sdelay $0x1  }
0x284: {  	v3 =	vperm.xlane v3, v2;
	v4 =	vadd.s32 v1, v4;
	_ =	sdelay $0x1  }
0x285: {  	v3 =	vadd.s32 v1, v3;
	_ =	sdelay $0x2  }
0x286: {  	[tilespmem:s28], [sflag:$0x1] =	stream.indirect_vreg.gather [hbm4b:s3+s2], $0x80, v4, vm0, $0xb8;
	[tilespmem:$0x8080] =	vst v63  }
0x287: {  	_ = 	snop  }
0x288: {  	[tilespmem:s29], [sflag:$0x1] =	stream.indirect_vreg.gather [hbm4b:s3+s2], $0x80, v3, vm0, $0xb8;
	[tilespmem:$0x8080] =	vst v63  }
0x289: {  	v3 =	vld [tilespmem:$0x70];
	_ =	sdelay $0x4  }
0x28a: {  	v55 =	vshll.u32 v3, $0x1  }
0x28b: {  	v3 =	vand.u32 $0x7, v3;
	v4 =	vand.u32 $0xFFFFFFF0, v55  }
0x28c: {  	v3 =	vor.u32 v3, v4  }
0x28d: {  	v4 =	vperm.xlane v3, v0;
	_ =	sdelay $0x1  }
0x28e: {  	v3 =	vperm.xlane v3, v2;
	v4 =	vadd.s32 v1, v4;
	_ =	sdelay $0x1  }
0x28f: {  	v3 =	vadd.s32 v1, v3;
	_ =	sdelay $0x2  }
0x290: {  	[tilespmem:s30], [sflag:$0x1] =	stream.indirect_vreg.gather [hbm4b:s3+s2], $0x80, v4, vm0, $0xb8;
	[tilespmem:$0x8080] =	vst v63  }
0x291: {  	_ = 	snop  }
0x292: {  	[tilespmem:s31], [sflag:$0x1] =	stream.indirect_vreg.gather [hbm4b:s3+s2], $0x80, v3, vm0, $0xb8;
	[tilespmem:$0x8080] =	vst v63  }
0x293: {  	_ =	swait.ge [sflag:s0], $0x8000  }
0x294: {  	[sflag:s0] =	ssyncset.done $0x0  }
0x295: {  	[sflag:s0] =	ssyncadd.s32 $0xFFFF8000  }
0x296: {  	[hbm4b:s10+s2] =	stream.linear.scatter [tilespmem:s15], [sflag:$0x2], $0x8000, $0x38;
	[tilespmem:$0x8080] =	vst v63  }
0x297: {  	_ =	swait.ge [sflag:s14], $0x8000  }
0x298: {  	[sflag:s14] =	ssyncset.done $0x0  }
0x299: {  	[sflag:s14] =	ssyncadd.s32 $0xFFFF8000  }
0x29a: {  	[tilespmem:s2], [sflag:$0x2] =	stream.linear.gather [hbm4b:s11+s2], $0x80, $0x38;
	[tilespmem:$0x8080] =	vst v63  }
0x29b: {  	_ =	swait.ge [sflag:s14], $0x80  }
0x29c: {  	[sflag:s14] =	ssyncset.done $0x0  }
0x29d: {  	[sflag:s14] =	ssyncadd.s32 $0xFFFFFF80  }
0x29e: {  	v3 =	vld [tilespmem:$0x0];
	_ =	sdelay $0x4  }
0x29f: {  	v56 =	vshll.u32 v3, $0x1  }
0x2a0: {  	v3 =	vand.u32 $0x7, v3;
	v4 =	vand.u32 $0xFFFFFFF0, v56  }
0x2a1: {  	v3 =	vor.u32 v3, v4  }
0x2a2: {  	v4 =	vperm.xlane v3, v0;
	_ =	sdelay $0x1  }
0x2a3: {  	v3 =	vperm.xlane v3, v2;
	v4 =	vadd.s32 v1, v4;
	_ =	sdelay $0x1  }
0x2a4: {  	v3 =	vadd.s32 v1, v3;
	_ =	sdelay $0x2  }
0x2a5: {  	[tilespmem:s15], [sflag:$0x1] =	stream.indirect_vreg.gather [hbm4b:s3+s2], $0x80, v4, vm0, $0xb8;
	[tilespmem:$0x8080] =	vst v63  }
0x2a6: {  	_ = 	snop  }
0x2a7: {  	[tilespmem:s16], [sflag:$0x1] =	stream.indirect_vreg.gather [hbm4b:s3+s2], $0x80, v3, vm0, $0xb8;
	[tilespmem:$0x8080] =	vst v63  }
0x2a8: {  	v3 =	vld [tilespmem:$0x10];
	_ =	sdelay $0x4  }
0x2a9: {  	v57 =	vshll.u32 v3, $0x1  }
0x2aa: {  	v3 =	vand.u32 $0x7, v3;
	v4 =	vand.u32 $0xFFFFFFF0, v57  }
0x2ab: {  	v3 =	vor.u32 v3, v4  }
0x2ac: {  	v4 =	vperm.xlane v3, v0;
	_ =	sdelay $0x1  }
0x2ad: {  	v3 =	vperm.xlane v3, v2;
	v4 =	vadd.s32 v1, v4;
	_ =	sdelay $0x1  }
0x2ae: {  	v3 =	vadd.s32 v1, v3;
	_ =	sdelay $0x2  }
0x2af: {  	[tilespmem:s17], [sflag:$0x1] =	stream.indirect_vreg.gather [hbm4b:s3+s2], $0x80, v4, vm0, $0xb8;
	[tilespmem:$0x8080] =	vst v63  }
0x2b0: {  	_ = 	snop  }
0x2b1: {  	[tilespmem:s18], [sflag:$0x1] =	stream.indirect_vreg.gather [hbm4b:s3+s2], $0x80, v3, vm0, $0xb8;
	[tilespmem:$0x8080] =	vst v63  }
0x2b2: {  	v3 =	vld [tilespmem:$0x20];
	_ =	sdelay $0x4  }
0x2b3: {  	v58 =	vshll.u32 v3, $0x1  }
0x2b4: {  	v3 =	vand.u32 $0x7, v3;
	v4 =	vand.u32 $0xFFFFFFF0, v58  }
0x2b5: {  	v3 =	vor.u32 v3, v4  }
0x2b6: {  	v4 =	vperm.xlane v3, v0;
	_ =	sdelay $0x1  }
0x2b7: {  	v3 =	vperm.xlane v3, v2;
	v4 =	vadd.s32 v1, v4;
	_ =	sdelay $0x1  }
0x2b8: {  	v3 =	vadd.s32 v1, v3;
	_ =	sdelay $0x2  }
0x2b9: {  	[tilespmem:s19], [sflag:$0x1] =	stream.indirect_vreg.gather [hbm4b:s3+s2], $0x80, v4, vm0, $0xb8;
	[tilespmem:$0x8080] =	vst v63  }
0x2ba: {  	_ = 	snop  }
0x2bb: {  	[tilespmem:s20], [sflag:$0x1] =	stream.indirect_vreg.gather [hbm4b:s3+s2], $0x80, v3, vm0, $0xb8;
	[tilespmem:$0x8080] =	vst v63  }
0x2bc: {  	v3 =	vld [tilespmem:$0x30];
	_ =	sdelay $0x4  }
0x2bd: {  	v59 =	vshll.u32 v3, $0x1  }
0x2be: {  	v3 =	vand.u32 $0x7, v3;
	v4 =	vand.u32 $0xFFFFFFF0, v59  }
0x2bf: {  	v3 =	vor.u32 v3, v4  }
0x2c0: {  	v4 =	vperm.xlane v3, v0;
	_ =	sdelay $0x1  }
0x2c1: {  	v3 =	vperm.xlane v3, v2;
	v4 =	vadd.s32 v1, v4;
	_ =	sdelay $0x1  }
0x2c2: {  	v3 =	vadd.s32 v1, v3;
	_ =	sdelay $0x2  }
0x2c3: {  	[tilespmem:s21], [sflag:$0x1] =	stream.indirect_vreg.gather [hbm4b:s3+s2], $0x80, v4, vm0, $0xb8;
	[tilespmem:$0x8080] =	vst v63  }
0x2c4: {  	_ = 	snop  }
0x2c5: {  	[tilespmem:s22], [sflag:$0x1] =	stream.indirect_vreg.gather [hbm4b:s3+s2], $0x80, v3, vm0, $0xb8;
	[tilespmem:$0x8080] =	vst v63  }
0x2c6: {  	v3 =	vld [tilespmem:$0x40];
	_ =	sdelay $0x4  }
0x2c7: {  	v60 =	vshll.u32 v3, $0x1  }
0x2c8: {  	v3 =	vand.u32 $0x7, v3;
	v4 =	vand.u32 $0xFFFFFFF0, v60  }
0x2c9: {  	v3 =	vor.u32 v3, v4  }
0x2ca: {  	v4 =	vperm.xlane v3, v0;
	_ =	sdelay $0x1  }
0x2cb: {  	v3 =	vperm.xlane v3, v2;
	v4 =	vadd.s32 v1, v4;
	_ =	sdelay $0x1  }
0x2cc: {  	v3 =	vadd.s32 v1, v3;
	_ =	sdelay $0x2  }
0x2cd: {  	[tilespmem:s23], [sflag:$0x1] =	stream.indirect_vreg.gather [hbm4b:s3+s2], $0x80, v4, vm0, $0xb8;
	[tilespmem:$0x8080] =	vst v63  }
0x2ce: {  	_ = 	snop  }
0x2cf: {  	[tilespmem:s24], [sflag:$0x1] =	stream.indirect_vreg.gather [hbm4b:s3+s2], $0x80, v3, vm0, $0xb8;
	[tilespmem:$0x8080] =	vst v63  }
0x2d0: {  	v3 =	vld [tilespmem:$0x50];
	_ =	sdelay $0x4  }
0x2d1: {  	v61 =	vshll.u32 v3, $0x1  }
0x2d2: {  	v3 =	vand.u32 $0x7, v3;
	v4 =	vand.u32 $0xFFFFFFF0, v61  }
0x2d3: {  	v3 =	vor.u32 v3, v4  }
0x2d4: {  	v4 =	vperm.xlane v3, v0;
	_ =	sdelay $0x1  }
0x2d5: {  	v3 =	vperm.xlane v3, v2;
	v4 =	vadd.s32 v1, v4;
	_ =	sdelay $0x1  }
0x2d6: {  	v3 =	vadd.s32 v1, v3;
	_ =	sdelay $0x2  }
0x2d7: {  	[tilespmem:s25], [sflag:$0x1] =	stream.indirect_vreg.gather [hbm4b:s3+s2], $0x80, v4, vm0, $0xb8;
	[tilespmem:$0x8080] =	vst v63  }
0x2d8: {  	_ = 	snop  }
0x2d9: {  	[tilespmem:s26], [sflag:$0x1] =	stream.indirect_vreg.gather [hbm4b:s3+s2], $0x80, v3, vm0, $0xb8;
	[tilespmem:$0x8080] =	vst v63  }
0x2da: {  	v3 =	vld [tilespmem:$0x60];
	_ =	sdelay $0x4  }
0x2db: {  	v62 =	vshll.u32 v3, $0x1  }
0x2dc: {  	v3 =	vand.u32 $0x7, v3;
	v4 =	vand.u32 $0xFFFFFFF0, v62  }
0x2dd: {  	v3 =	vor.u32 v3, v4  }
0x2de: {  	v4 =	vperm.xlane v3, v0;
	_ =	sdelay $0x1  }
0x2df: {  	v3 =	vperm.xlane v3, v2;
	v4 =	vadd.s32 v1, v4;
	_ =	sdelay $0x1  }
0x2e0: {  	v3 =	vadd.s32 v1, v3;
	_ =	sdelay $0x2  }
0x2e1: {  	[tilespmem:s28], [sflag:$0x1] =	stream.indirect_vreg.gather [hbm4b:s3+s2], $0x80, v4, vm0, $0xb8;
	[tilespmem:$0x8080] =	vst v63  }
0x2e2: {  	_ = 	snop  }
0x2e3: {  	[tilespmem:s29], [sflag:$0x1] =	stream.indirect_vreg.gather [hbm4b:s3+s2], $0x80, v3, vm0, $0xb8;
	[tilespmem:$0x8080] =	vst v63  }
0x2e4: {  	v3 =	vld [tilespmem:$0x70];
	_ =	sdelay $0x4  }
0x2e5: {  	v63 =	vshll.u32 v3, $0x1  }
0x2e6: {  	v3 =	vand.u32 $0x7, v3;
	v4 =	vand.u32 $0xFFFFFFF0, v63  }
0x2e7: {  	v3 =	vor.u32 v3, v4  }
0x2e8: {  	v4 =	vperm.xlane v3, v0;
	_ =	sdelay $0x1  }
0x2e9: {  	v3 =	vperm.xlane v3, v2;
	v4 =	vadd.s32 v1, v4;
	_ =	sdelay $0x1  }
0x2ea: {  	v3 =	vadd.s32 v1, v3;
	_ =	sdelay $0x2  }
0x2eb: {  	[tilespmem:s30], [sflag:$0x1] =	stream.indirect_vreg.gather [hbm4b:s3+s2], $0x80, v4, vm0, $0xb8;
	[tilespmem:$0x8080] =	vst v63  }
0x2ec: {  	_ = 	snop  }
0x2ed: {  	[tilespmem:s31], [sflag:$0x1] =	stream.indirect_vreg.gather [hbm4b:s3+s2], $0x80, v3, vm0, $0xb8;
	[tilespmem:$0x8080] =	vst v63  }
0x2ee: {  	_ =	swait.ge [sflag:s0], $0x8000  }
0x2ef: {  	p0 =	sne.s32 s13, $0x1;
	[sflag:s0] =	ssyncset.done $0x0  }
.Ltmp0:
0x2f0: {  	[sflag:s0] =	ssyncadd.s32 $0xFFFF8000;
	(pc) =	sbr.rel @p0 .LBB2_1-.Ltmp0, $4  }
0x2f1: {  	[hbm4b:s12+s2] =	stream.linear.scatter [tilespmem:s15], [sflag:$0x2], $0x8000, $0x38;
	[tilespmem:$0x8080] =	vst v63  }
0x2f2: {  	_ =	swait.ge [sflag:s14], $0x8000  }
0x2f3: {  	[sflag:s14] =	ssyncset.done $0x0  }
0x2f4: {  	s13 =	sadd.s32 $0xFFFFFFFF, s13;
	[sflag:s14] =	ssyncadd.s32 $0xFFFF8000  }
0x2f5: {  	_ =	sfence.sel $0x180000  }
0x2f6: {  	[bflag:$0x0] =	sbarrier.arrive $0xFFFF  }
0x2f7: {  	_ =	strace $0x9000004D  }
0x2f8: {  	s0 =	stileid.u32;
	[bflag:$0x2] =	sbarrier.arrive $0xFFFF  }
0x2f9: {  	p0 =	sne.s32 s0, $0x0;
	s0 =	rddreg [dreg:$0x1]  }
0x2fa: {  	s0 =	sadd.s32 @!p0 $0x100000, s0  }
0x2fb: {  	[sflag:s0] =	ssyncadd.tile.s32 @!p0 $0x1;
	_ =	shalt  }
.Lfunc_end2:
_tile_overlayer_lowered:
.L_overlay_start_2:
0x2fc: {  	(tag) =	ssettag $0x2  }
0x2fd: {  	s0 =	rddreg [dreg:$0x0];
	s2 =	stileid.u32  }
0x2fe: {  	s1 =	rddreg [dreg:$0x1];
	p0 =	sne.s32 s2, $0x0  }
0x2ff: {  	s3 =	rddreg [dreg:$0x2];
	[bflag:$0x3] =	sbarrier.arrive $0xFFFF;
	s2 =	simm.s32 @!p0 $0x1C02  }
0x300: {  	[timem:s3], [sflag:s2] =	dma.local @!p0 [hbm:s0], s1  }
0x301: {  	s0 =	simm.s32 @!p0 $0x2  }
0x302: {  	_ =	swait.ge @!p0 [sflag:s0], s1  }
0x303: {  	s1 =	ssub.s32 @!p0 $0x0, s1;
	[sflag:s0] =	ssyncset.done @!p0 $0x0  }
0x304: {  	[sflag:s0] =	ssyncadd.s32 @!p0 s1  }
0x305: {  	[bflag:$0x3] =	sbarrier.arrive $0xFFFF  }
0x306: {  	_ =	shalt  }

// kernel: kernel.15.cloned.1.call-start
scs
__scs_entry_jumppad:
0x0: {  	(pc) =	sbr.rel $0x88, $3  }
0x1: {  	(tag) =	ssettag $0x0;
	lr =	simm.s32 $0x1  }
0x2: {  	[smem:$0x3F9A] =	sst lr;
	_ =	strace $0xD0000000  }
0x3: {  	_ = 	snop  }
0x4: {  	_ = 	snop  }
0x5: {  	_ = 	snop  }
0x6: {  	_ = 	snop  }
0x7: {  	_ = 	snop  }
__scs_overlays_trampoline_lowered:
0x8: {  	[smem:$0x3FA9] =	sst s0  }
0x9: {  	[smem:$0x3FAA] =	sst s1  }
0xa: {  	[smem:$0x3FAB] =	sst s2  }
0xb: {  	[smem:$0x3FAC] =	sst s3  }
0xc: {  	[smem:$0x3FAD] =	sst s4  }
0xd: {  	[smem:$0x3FAE] =	sst s5  }
0xe: {  	[smem:$0x3FAF] =	sst s6  }
0xf: {  	[smem:$0x3FB0] =	sst s7  }
0x10: {  	[smem:$0x3FB1] =	sst s8  }
0x11: {  	[smem:$0x3FB2] =	sst s9;
	s0 =	simm.s32 @!p0 $0x0  }
0x12: {  	s1 =	sld [smem:$0x3F98];
	s0 =	simm.s32 @p0 $0x1  }
0x13: {  	[smem:$0x3FB3] =	sst s0;
	s0 =	simm.s32 @!p1 $0x0  }
0x14: {  	s2 =	sld [smem:$0x3F97];
	s0 =	simm.s32 @p1 $0x1  }
0x15: {  	[smem:$0x3FB4] =	sst s0;
	s0 =	simm.s32 @!p2 $0x0  }
0x16: {  	s3 =	sld [smem:$0x3FDB];
	s0 =	simm.s32 @p2 $0x1  }
0x17: {  	s4 =	simm.s32 $0x1BF5;
	[smem:$0x3FB6] =	sst s0  }
0x18: {  	s0 =	sld [smem:$0x3F99];
	_ =	swait.ge [sflag:s4], $0x0  }
0x19: {  	s7 =	sld [smem:$0x3F9A]  }
0x1a: {  	s8 =	sadd.s32 $0xFFFFE003, lr  }
0x1b: {  	s9 =	sadd.s32 $0xFFFFFEF7, lr;
	s5 =	simm.s32 $0xFFFFFFFF;
	p2 =	slt.u32 s8, $0xFFFFF086  }
0x1c: {  	p1 =	slt.u32 s9, $0xF7A;
	s5 =	simm.s32 @!p2 $0x0  }
0x1d: {  	s5 =	simm.s32 @p1 $0x1;
	p0 =	seq.s32 s7, s2  }
0x1e: {  	s7 =	smul.u32 @!p0 $0xF7A, s2;
	p2 =	seq.s32 @!p0 s5, $0x0  }
0x1f: {  	s9 =	smul.u32 $0xF7A, s1;
	s8 =	simm.s32 @!p0 $0x1BF5;
	p2 =	por !p2, p0  }
0x20: {  	[sflag:s8] =	ssyncset.s32 @!p0 $0xFFFFF086;
	s6 =	sadd.s32 @!p0 s3, s7;
	s7 =	simm.s32 @!p0 $0x108  }
0x21: {  	s3 =	sadd.s32 s3, s9;
	s6 =	sadd.s32 @!p0 $0x88, s6;
	s7 =	simm.s32 @p2 $0x1082  }
0x22: {  	[simem:s7], [sflag:s8] =	dma.local @!p0 [hbm:s6], $0xF7A  }
0x23: {  	s9 =	sor.u32 $0xD0000000, s2;
	s6 =	simm.s32 $0x108;
	_ =	swait.ge @!p0 [sflag:s8], $0x0  }
0x24: {  	s3 =	sadd.s32 $0x88, s3;
	s6 =	simm.s32 @!p1 $0x1082;
	[sflag:s4] =	ssyncset.s32 $0xFFFFF086  }
0x25: {  	[simem:s6], [sflag:s4] =	dma.local [hbm:s3], $0xF7A  }
0x26: {  	[smem:$0x3F9A] =	sst s1;
	(tag) =	ssettag s2;
	_ =	strace s9  }
0x27: {  	s1 =	sld [smem:$0x3FAA]  }
0x28: {  	s2 =	sld [smem:$0x3FAB]  }
0x29: {  	s4 =	sld [smem:$0x3FAD]  }
0x2a: {  	p0 =	seq.s32 s5, $0x0;
	s5 =	sld [smem:$0x3FAE]  }
0x2b: {  	s6 =	sld [smem:$0x3FAF]  }
0x2c: {  	s7 =	sld [smem:$0x3FB0]  }
0x2d: {  	s3 =	simm.s32 $0x108;
	s8 =	sld [smem:$0x3FB1]  }
0x2e: {  	s3 =	simm.s32 @!p0 $0x1082;
	s9 =	sld [smem:$0x3FB2]  }
0x2f: {  	lr =	sadd.s32 s0, s3;
	s0 =	sld [smem:$0x3FA9]  }
0x30: {  	s3 =	sld [smem:$0x3FAC]  }
0x31: {  	[smem:$0x3FB5] =	sst s10  }
0x32: {  	s10 =	sld [smem:$0x3FB3];
	_ =	sdelay $0x3  }
0x33: {  	p0 =	seq.s32 s10, $0x1;
	s10 =	sld [smem:$0x3FB5];
	_ =	sdelay $0x3  }
0x34: {  	[smem:$0x3FB5] =	sst s10  }
0x35: {  	s10 =	sld [smem:$0x3FB4];
	_ =	sdelay $0x3  }
0x36: {  	p1 =	seq.s32 s10, $0x1;
	s10 =	sld [smem:$0x3FB5];
	_ =	sdelay $0x3  }
0x37: {  	[smem:$0x3FB5] =	sst s10  }
0x38: {  	s10 =	sld [smem:$0x3FB6]  }
0x39: {  	_ = 	snop;
	(pc) =	sbr.ind lr, $3  }
0x3a: {  	_ = 	snop  }
0x3b: {  	_ = 	snop  }
0x3c: {  	p2 =	seq.s32 s10, $0x1;
	s10 =	sld [smem:$0x3FB5]  }
0x3d: {  	_ =	shalt  }
0x3e: {  	_ =	shalt  }
0x3f: {  	_ =	shalt  }
0x40: {  	_ =	shalt  }
0x41: {  	_ =	shalt  }
0x42: {  	_ =	shalt  }
0x43: {  	_ =	shalt  }
0x44: {  	_ =	shalt  }
0x45: {  	_ =	shalt  }
0x46: {  	_ =	shalt  }
0x47: {  	_ =	shalt  }
0x48: {  	_ =	shalt  }
0x49: {  	_ =	shalt  }
0x4a: {  	_ =	shalt  }
0x4b: {  	_ =	shalt  }
0x4c: {  	_ =	shalt  }
0x4d: {  	_ =	shalt  }
0x4e: {  	_ =	shalt  }
0x4f: {  	_ =	shalt  }
0x50: {  	_ =	shalt  }
0x51: {  	_ =	shalt  }
0x52: {  	_ =	shalt  }
0x53: {  	_ =	shalt  }
0x54: {  	_ =	shalt  }
0x55: {  	_ =	shalt  }
0x56: {  	_ =	shalt  }
0x57: {  	_ =	shalt  }
0x58: {  	_ =	shalt  }
0x59: {  	_ =	shalt  }
0x5a: {  	_ =	shalt  }
0x5b: {  	_ =	shalt  }
0x5c: {  	_ =	shalt  }
0x5d: {  	_ =	shalt  }
0x5e: {  	_ =	shalt  }
0x5f: {  	_ =	shalt  }
0x60: {  	_ =	shalt  }
0x61: {  	_ =	shalt  }
0x62: {  	_ =	shalt  }
0x63: {  	_ =	shalt  }
0x64: {  	_ =	shalt  }
0x65: {  	_ =	shalt  }
0x66: {  	_ =	shalt  }
0x67: {  	_ =	shalt  }
0x68: {  	_ =	shalt  }
0x69: {  	_ =	shalt  }
0x6a: {  	_ =	shalt  }
0x6b: {  	_ =	shalt  }
0x6c: {  	_ =	shalt  }
0x6d: {  	_ =	shalt  }
0x6e: {  	_ =	shalt  }
0x6f: {  	_ =	shalt  }
0x70: {  	_ =	shalt  }
0x71: {  	_ =	shalt  }
0x72: {  	_ =	shalt  }
0x73: {  	_ =	shalt  }
0x74: {  	_ =	shalt  }
0x75: {  	_ =	shalt  }
0x76: {  	_ =	shalt  }
0x77: {  	_ =	shalt  }
0x78: {  	_ =	shalt  }
0x79: {  	_ =	shalt  }
0x7a: {  	_ =	shalt  }
0x7b: {  	_ =	shalt  }
0x7c: {  	_ =	shalt  }
0x7d: {  	_ =	shalt  }
0x7e: {  	_ =	shalt  }
0x7f: {  	_ =	shalt  }
0x80: {  	_ =	shalt  }
0x81: {  	_ =	shalt  }
0x82: {  	_ =	shalt  }
0x83: {  	_ =	shalt  }
0x84: {  	_ =	shalt  }
0x85: {  	_ =	shalt  }
0x86: {  	_ =	shalt  }
0x87: {  	_ =	shalt  }
.Lfunc_end0:
.L_simem_size_0:
called_computation.2_lowered:
.L_overlay_start_0:
0x88: {  	s2 =	sld [smem:$0x3FD9]  }
0x89: {  	s3 =	sld [smem:$0x3FFE];
	_ =	sdelay $0x1  }
0x8a: {  	s1 =	srdreg.scid  }
0x8b: {  	s0 =	sand.u32 $0x1, s1  }
0x8c: {  	s14 =	sshll.u32 s0, $0xA;
	s2 =	sadd.s32 s3, s2  }
0x8d: {  	s2 =	sadd.s32 s2, s14  }
0x8e: {  	[smem:$0x3FC1] =	sst s2  }
0x8f: {  	_ = 	snop  }
0x90: {  	s2 =	sld [smem:$0x3FD0];
	_ =	sdelay $0x2  }
0x91: {  	s15 =	simm.s32 $0xB;
	s4 =	simm.s32 $0x10  }
0x92: {  	[smem:s4], [sflag:s15] =	dma.local [hbm:s2], $0x1  }
0x93: {  	_ =	swait.eq [sflag:s15], $0x1  }
0x94: {  	[sflag:s15] =	ssyncset.done $0x0  }
0x95: {  	[sflag:s15] =	ssyncadd.s32 $0xFFFFFFFF  }
0x96: {  	s16 =	sld [smem:$0x10];
	(tm) =	ssettm $0x1  }
0x97: {  	s17 =	sld [smem:$0x3FFB];
	_ =	sdelay $0x3  }
0x98: {  	_ =	strace s17  }
0x99: {  	s3 =	sld [smem:$0x3FFC];
	_ =	sdelay $0x3  }
0x9a: {  	_ =	strace s3  }
0x9b: {  	s3 =	sld [smem:$0x3FFD];
	_ =	sdelay $0x3  }
0x9c: {  	_ =	strace s3  }
0x9d: {  	_ =	strace $0x8FFFFFFF  }
0x9e: {  	s18 =	sld [smem:$0x3FDB];
	_ =	sdelay $0x1  }
0x9f: {  	s19 =	simm.s32 $_scs_section_size  }
0xa0: {  	s5 =	simm.s32 $_size__tile_overlayer_lowered;
	s6 =	simm.s32 $_tile_overlayer_lowered  }
0xa1: {  	s22 =	simm.s32 $0x1BFF;
	s21 =	sshll.u32 s6, $0x1;
	s3 =	sadd.s32 s19, s18  }
0xa2: {  	s7 =	simm.s32 $0x0;
	s20 =	sshll.u32 s5, $0x1;
	s5 =	sadd.s32 s21, s3  }
0xa3: {  	[timem:s7], [sflag:s22] =	dma.local [hbm:s5], s20  }
0xa4: {  	_ =	swait.ge [sflag:s22], s20  }
0xa5: {  	s4 =	ssub.s32 $0x0, s20;
	[sflag:s22] =	ssyncset.done $0x0  }
0xa6: {  	[sflag:s22] =	ssyncadd.s32 s4;
	_ =	sdelay $0x1  }
0xa7: {  	s23 =	simm.s32 $0x1B8B  }
0xa8: {  	_ =	swait.ge [sflag:s23], $0x1  }
0xa9: {  	[sflag:s23] =	ssyncset.done $0x0  }
0xaa: {  	s25 =	simm.s32 $0x1B8E;
	s24 =	sld [smem:$0x3FFE];
	[sflag:s23] =	ssyncadd.s32 $0xFFFFFFFF  }
0xab: {  	s26 =	simm.s32 $execute0_lowered;
	[smem:$0x3FD2] =	sst s25  }
0xac: {  	s5 =	sshll.u32 s26, $0x1;
	_ =	strace $0x80000049;
	[dreg:$0x1] =	wrdreg $0xFFFFFFFF  }
0xad: {  	s28 =	simm.s32 $_size_execute0_lowered;
	s3 =	sadd.s32 s3, s5;
	[dreg:$0x0] =	wrdreg $0x0  }
0xae: {  	s5 =	sshll.u32 s28, $0x1;
	[dreg:$0x2] =	wrdreg s3  }
0xaf: {  	[dreg:$0x3] =	wrdreg s5  }
0xb0: {  	[dreg:$0x4] =	wrdreg $0xC0  }
0xb1: {  	_ =	task [dreg:s7], $0x5FFFF  }
0xb2: {  	[dreg:$0x1] =	wrdreg $0xFFFFFFFF  }
0xb3: {  	[dreg:$0x0] =	wrdreg $0x60  }
0xb4: {  	[dreg:$0x2] =	wrdreg s24  }
0xb5: {  	[dreg:$0x3] =	wrdreg s16  }
0xb6: {  	[dreg:$0x4] =	wrdreg $0xA  }
0xb7: {  	_ =	task.clear_ibuf [dreg:s7], $0x5FFFF;
	_ =	strace $0x90000049  }
0xb8: {  	s29 =	simm.s32 $0xA;
	_ =	strace $0x8000004B  }
0xb9: {  	_ =	swait.ge [sflag:s29], $0x1  }
0xba: {  	[sflag:s29] =	ssyncadd.s32 $0xFFFFFFFF  }
0xbb: {  	_ =	strace $0x9000004B  }
0xbc: {  	_ =	sfence  }
0xbd: {  	s30 =	sld [smem:$0x0];
	_ =	sdelay $0x2  }
0xbe: {  	s31 =	sshll.u32 s1, $0xD;
	s1 =	sshrl.u32 s1, $0x2  }
0xbf: {  	s3 =	sand.u32 $0x4000, s31;
	s1 =	sadd.s32 s1, s30  }
0xc0: {  	s0 =	sor.u32 s3, s0;
	s1 =	sshll.u32 s1, $0x11  }
0xc1: {  	s0 =	sor.u32 s1, s0  }
0xc2: {  	s0 =	sadd.s32 $0x8F2B, s0  }
0xc3: {  	[sflag:s0] =	ssyncadd.remote.s32 $0x1  }
0xc4: {  	_ =	sfence.sel $0xFFFF  }
0xc5: {  	[dreg:$0x0] =	wrdreg $0xFFFFFFFF;
	(pc) =	sbr.abs _section_cstart, $3  }
0xc6: {  	[dreg:$0x1] =	wrdreg $0xFFFFFFFF  }
0xc7: {  	_ =	task.clear_ibuf [dreg:s7], $0x2FFFF;
	_ =	strace $0x9FFFFFFF  }
0xc8: {  	(tm) =	ssettm $0x7FFFFFFF  }
0xc9: {  	_ =	shalt  }
tec
execute0_lowered:
.L_overlay_start_1:
0x0: {  	(tag) =	ssettag $0x1  }
0x1: {  	s4 =	rddreg [dreg:$0x0]  }
0x2: {  	s5 =	rddreg [dreg:$0x1]  }
0x3: {  	s0 =	rddreg [dreg:$0x2];
	s3 =	srdreg.scid  }
0x4: {  	s2 =	simm.s32 $0x0;
	s1 =	stileid.u32;
	s10 =	simm.s32 $0x1080  }
0x5: {  	s11 =	simm.s32 $0x1880;
	s12 =	simm.s32 $0x2080;
	s13 =	simm.s32 $0x2880  }
0x6: {  	s14 =	simm.s32 $0x3080;
	s15 =	simm.s32 $0x3880;
	s16 =	simm.s32 $0x4080  }
0x7: {  	s17 =	simm.s32 $0x4880;
	s18 =	simm.s32 $0x5080;
	s19 =	simm.s32 $0x5880  }
0x8: {  	s20 =	simm.s32 $0x6080;
	s21 =	simm.s32 $0x6880;
	s22 =	simm.s32 $0x7080  }
0x9: {  	s23 =	simm.s32 $0x7880;
	s24 =	simm.s32 $0x1;
	s3 =	sand.u32 $0x1, s3  }
0xa: {  	[smem:$0x7FF] =	sst s2;
	s6 =	sshll.u32 s1, $0x8;
	s7 =	sshll.u32 s3, $0x7  }
0xb: {  	_ =	strace $0x8000004A;
	s31 =	ssub.s32 $0x2, s3;
	s6 =	sor.u32 s7, s6  }
0xc: {  	s3 =	sadd.s32 $0x42A00, s4;
	s9 =	sshrl.u32 s31, $0x1;
	s8 =	sshrl.u32 s6, $0x3  }
0xd: {  	v2 =	vlaneseq.u32;
	s7 =	ssub.s32 s31, s9;
	s6 =	sshll.u32 s6, $0x5;
	s9 =	simm.s32 $0x880  }
0xe: {  	vm0 =	vmmov $0xffff;
	v1 =	vshrl.u32 v2, $0x3;
	s4 =	sadd.s32 s8, s4;
	s5 =	sadd.s32 s5, s6;
	s6 =	smax.u32 s7, $0x1  }
0xf: {  	v0 =	vand.u32 $0x7, v2;
	v2 =	vor.u32 $0x8, v2;
	v1 =	vmul.u32 $0x8, v1;
	s7 =	simm.s32 $0x2;
	s8 =	simm.s32 $0x80;
	s4 =	sadd.s32 $0x2800, s4  }
.LBB2_1:
0x10: {  	[tilespmem:s2], [sflag:$0x2] =	stream.linear.gather [hbm4b:s4+s2], $0x80, $0x38;
	[tilespmem:$0x8080] =	vst v63  }
0x11: {  	_ =	swait.ge [sflag:s7], $0x80  }
0x12: {  	[sflag:s7] =	ssyncset.done $0x0  }
0x13: {  	[sflag:s7] =	ssyncadd.s32 $0xFFFFFF80  }
0x14: {  	v3 =	vld [tilespmem:$0x0];
	_ =	sdelay $0x4  }
0x15: {  	v4 =	vshll.u32 v3, $0x1  }
0x16: {  	v3 =	vand.u32 $0x7, v3;
	v4 =	vand.u32 $0xFFFFFFF0, v4  }
0x17: {  	v3 =	vor.u32 v3, v4  }
0x18: {  	v4 =	vperm.xlane v3, v0;
	_ =	sdelay $0x1  }
0x19: {  	v3 =	vperm.xlane v3, v2;
	v4 =	vadd.s32 v1, v4;
	_ =	sdelay $0x1  }
0x1a: {  	v3 =	vadd.s32 v1, v3;
	_ =	sdelay $0x2  }
0x1b: {  	[tilespmem:s8], [sflag:$0x1] =	stream.indirect_vreg.gather [hbm4b:s3+s2], $0x80, v4, vm0, $0xb8;
	[tilespmem:$0x8080] =	vst v63  }
0x1c: {  	_ = 	snop  }
0x1d: {  	[tilespmem:s9], [sflag:$0x1] =	stream.indirect_vreg.gather [hbm4b:s3+s2], $0x80, v3, vm0, $0xb8;
	[tilespmem:$0x8080] =	vst v63  }
0x1e: {  	v3 =	vld [tilespmem:$0x10];
	_ =	sdelay $0x4  }
0x1f: {  	v57 =	vshll.u32 v3, $0x1  }
0x20: {  	v3 =	vand.u32 $0x7, v3;
	v4 =	vand.u32 $0xFFFFFFF0, v57  }
0x21: {  	v3 =	vor.u32 v3, v4  }
0x22: {  	v4 =	vperm.xlane v3, v0;
	_ =	sdelay $0x1  }
0x23: {  	v3 =	vperm.xlane v3, v2;
	v4 =	vadd.s32 v1, v4;
	_ =	sdelay $0x1  }
0x24: {  	v3 =	vadd.s32 v1, v3;
	_ =	sdelay $0x2  }
0x25: {  	[tilespmem:s10], [sflag:$0x1] =	stream.indirect_vreg.gather [hbm4b:s3+s2], $0x80, v4, vm0, $0xb8;
	[tilespmem:$0x8080] =	vst v63  }
0x26: {  	_ = 	snop  }
0x27: {  	[tilespmem:s11], [sflag:$0x1] =	stream.indirect_vreg.gather [hbm4b:s3+s2], $0x80, v3, vm0, $0xb8;
	[tilespmem:$0x8080] =	vst v63  }
0x28: {  	v3 =	vld [tilespmem:$0x20];
	_ =	sdelay $0x4  }
0x29: {  	v58 =	vshll.u32 v3, $0x1  }
0x2a: {  	v3 =	vand.u32 $0x7, v3;
	v4 =	vand.u32 $0xFFFFFFF0, v58  }
0x2b: {  	v3 =	vor.u32 v3, v4  }
0x2c: {  	v4 =	vperm.xlane v3, v0;
	_ =	sdelay $0x1  }
0x2d: {  	v3 =	vperm.xlane v3, v2;
	v4 =	vadd.s32 v1, v4;
	_ =	sdelay $0x1  }
0x2e: {  	v3 =	vadd.s32 v1, v3;
	_ =	sdelay $0x2  }
0x2f: {  	[tilespmem:s12], [sflag:$0x1] =	stream.indirect_vreg.gather [hbm4b:s3+s2], $0x80, v4, vm0, $0xb8;
	[tilespmem:$0x8080] =	vst v63  }
0x30: {  	_ = 	snop  }
0x31: {  	[tilespmem:s13], [sflag:$0x1] =	stream.indirect_vreg.gather [hbm4b:s3+s2], $0x80, v3, vm0, $0xb8;
	[tilespmem:$0x8080] =	vst v63  }
0x32: {  	v3 =	vld [tilespmem:$0x30];
	_ =	sdelay $0x4  }
0x33: {  	v59 =	vshll.u32 v3, $0x1  }
0x34: {  	v3 =	vand.u32 $0x7, v3;
	v4 =	vand.u32 $0xFFFFFFF0, v59  }
0x35: {  	v3 =	vor.u32 v3, v4  }
0x36: {  	v4 =	vperm.xlane v3, v0;
	_ =	sdelay $0x1  }
0x37: {  	v3 =	vperm.xlane v3, v2;
	v4 =	vadd.s32 v1, v4;
	_ =	sdelay $0x1  }
0x38: {  	v3 =	vadd.s32 v1, v3;
	_ =	sdelay $0x2  }
0x39: {  	[tilespmem:s14], [sflag:$0x1] =	stream.indirect_vreg.gather [hbm4b:s3+s2], $0x80, v4, vm0, $0xb8;
	[tilespmem:$0x8080] =	vst v63  }
0x3a: {  	_ = 	snop  }
0x3b: {  	[tilespmem:s15], [sflag:$0x1] =	stream.indirect_vreg.gather [hbm4b:s3+s2], $0x80, v3, vm0, $0xb8;
	[tilespmem:$0x8080] =	vst v63  }
0x3c: {  	v3 =	vld [tilespmem:$0x40];
	_ =	sdelay $0x4  }
0x3d: {  	v60 =	vshll.u32 v3, $0x1  }
0x3e: {  	v3 =	vand.u32 $0x7, v3;
	v4 =	vand.u32 $0xFFFFFFF0, v60  }
0x3f: {  	v3 =	vor.u32 v3, v4  }
0x40: {  	v4 =	vperm.xlane v3, v0;
	_ =	sdelay $0x1  }
0x41: {  	v3 =	vperm.xlane v3, v2;
	v4 =	vadd.s32 v1, v4;
	_ =	sdelay $0x1  }
0x42: {  	v3 =	vadd.s32 v1, v3;
	_ =	sdelay $0x2  }
0x43: {  	[tilespmem:s16], [sflag:$0x1] =	stream.indirect_vreg.gather [hbm4b:s3+s2], $0x80, v4, vm0, $0xb8;
	[tilespmem:$0x8080] =	vst v63  }
0x44: {  	_ = 	snop  }
0x45: {  	[tilespmem:s17], [sflag:$0x1] =	stream.indirect_vreg.gather [hbm4b:s3+s2], $0x80, v3, vm0, $0xb8;
	[tilespmem:$0x8080] =	vst v63  }
0x46: {  	v3 =	vld [tilespmem:$0x50];
	_ =	sdelay $0x4  }
0x47: {  	v61 =	vshll.u32 v3, $0x1  }
0x48: {  	v3 =	vand.u32 $0x7, v3;
	v4 =	vand.u32 $0xFFFFFFF0, v61  }
0x49: {  	v3 =	vor.u32 v3, v4  }
0x4a: {  	v4 =	vperm.xlane v3, v0;
	_ =	sdelay $0x1  }
0x4b: {  	v3 =	vperm.xlane v3, v2;
	v4 =	vadd.s32 v1, v4;
	_ =	sdelay $0x1  }
0x4c: {  	v3 =	vadd.s32 v1, v3;
	_ =	sdelay $0x2  }
0x4d: {  	[tilespmem:s18], [sflag:$0x1] =	stream.indirect_vreg.gather [hbm4b:s3+s2], $0x80, v4, vm0, $0xb8;
	[tilespmem:$0x8080] =	vst v63  }
0x4e: {  	_ = 	snop  }
0x4f: {  	[tilespmem:s19], [sflag:$0x1] =	stream.indirect_vreg.gather [hbm4b:s3+s2], $0x80, v3, vm0, $0xb8;
	[tilespmem:$0x8080] =	vst v63  }
0x50: {  	v3 =	vld [tilespmem:$0x60];
	_ =	sdelay $0x4  }
0x51: {  	v62 =	vshll.u32 v3, $0x1  }
0x52: {  	v3 =	vand.u32 $0x7, v3;
	v4 =	vand.u32 $0xFFFFFFF0, v62  }
0x53: {  	v3 =	vor.u32 v3, v4  }
0x54: {  	v4 =	vperm.xlane v3, v0;
	_ =	sdelay $0x1  }
0x55: {  	v3 =	vperm.xlane v3, v2;
	v4 =	vadd.s32 v1, v4;
	_ =	sdelay $0x1  }
0x56: {  	v3 =	vadd.s32 v1, v3;
	_ =	sdelay $0x2  }
0x57: {  	[tilespmem:s20], [sflag:$0x1] =	stream.indirect_vreg.gather [hbm4b:s3+s2], $0x80, v4, vm0, $0xb8;
	[tilespmem:$0x8080] =	vst v63  }
0x58: {  	_ = 	snop  }
0x59: {  	[tilespmem:s21], [sflag:$0x1] =	stream.indirect_vreg.gather [hbm4b:s3+s2], $0x80, v3, vm0, $0xb8;
	[tilespmem:$0x8080] =	vst v63  }
0x5a: {  	v3 =	vld [tilespmem:$0x70];
	_ =	sdelay $0x4  }
0x5b: {  	v63 =	vshll.u32 v3, $0x1  }
0x5c: {  	v3 =	vand.u32 $0x7, v3;
	v4 =	vand.u32 $0xFFFFFFF0, v63  }
0x5d: {  	v3 =	vor.u32 v3, v4  }
0x5e: {  	v4 =	vperm.xlane v3, v0;
	_ =	sdelay $0x1  }
0x5f: {  	v3 =	vperm.xlane v3, v2;
	v4 =	vadd.s32 v1, v4;
	_ =	sdelay $0x1  }
0x60: {  	v3 =	vadd.s32 v1, v3;
	_ =	sdelay $0x2  }
0x61: {  	[tilespmem:s22], [sflag:$0x1] =	stream.indirect_vreg.gather [hbm4b:s3+s2], $0x80, v4, vm0, $0xb8;
	[tilespmem:$0x8080] =	vst v63  }
0x62: {  	_ = 	snop  }
0x63: {  	[tilespmem:s23], [sflag:$0x1] =	stream.indirect_vreg.gather [hbm4b:s3+s2], $0x80, v3, vm0, $0xb8;
	[tilespmem:$0x8080] =	vst v63  }
0x64: {  	_ =	swait.ge [sflag:s24], $0x8000  }
0x65: {  	p0 =	sne.s32 s6, $0x1;
	[sflag:s24] =	ssyncset.done $0x0  }
.Ltmp0:
0x66: {  	[sflag:s24] =	ssyncadd.s32 $0xFFFF8000;
	(pc) =	sbr.rel @p0 .LBB2_1-.Ltmp0, $4  }
0x67: {  	[hbm4b:s5+s2] =	stream.linear.scatter [tilespmem:s8], [sflag:$0x2], $0x8000, $0x38;
	[tilespmem:$0x8080] =	vst v63  }
0x68: {  	_ =	swait.ge [sflag:s7], $0x8000  }
0x69: {  	[sflag:s7] =	ssyncset.done $0x0  }
0x6a: {  	s6 =	sadd.s32 $0xFFFFFFFF, s6;
	[sflag:s7] =	ssyncadd.s32 $0xFFFF8000  }
0x6b: {  	_ =	sfence.sel $0x180000  }
0x6c: {  	[bflag:$0x0] =	sbarrier.arrive $0xFFFF  }
0x6d: {  	p0 =	sne.s32 s1, $0x0;
	_ =	strace $0x9000004A  }
0x6e: {  	s0 =	sadd.s32 @!p0 $0x100000, s0;
	[bflag:$0x2] =	sbarrier.arrive $0xFFFF  }
0x6f: {  	[sflag:s0] =	ssyncadd.tile.s32 @!p0 $0x1;
	_ =	shalt  }
.Lfunc_end2:
_tile_overlayer_lowered:
.L_overlay_start_2:
0x70: {  	(tag) =	ssettag $0x2  }
0x71: {  	s0 =	rddreg [dreg:$0x0];
	s2 =	stileid.u32  }
0x72: {  	s1 =	rddreg [dreg:$0x1];
	p0 =	sne.s32 s2, $0x0  }
0x73: {  	s3 =	rddreg [dreg:$0x2];
	[bflag:$0x3] =	sbarrier.arrive $0xFFFF;
	s2 =	simm.s32 @!p0 $0x1C02  }
0x74: {  	[timem:s3], [sflag:s2] =	dma.local @!p0 [hbm:s0], s1  }
0x75: {  	s0 =	simm.s32 @!p0 $0x2  }
0x76: {  	_ =	swait.ge @!p0 [sflag:s0], s1  }
0x77: {  	s1 =	ssub.s32 @!p0 $0x0, s1;
	[sflag:s0] =	ssyncset.done @!p0 $0x0  }
0x78: {  	[sflag:s0] =	ssyncadd.s32 @!p0 s1  }
0x79: {  	[bflag:$0x3] =	sbarrier.arrive $0xFFFF  }
0x7a: {  	_ =	shalt  }

// kernel: kernel.9.cloned.1.call-start
scs
__scs_entry_jumppad:
0x0: {  	(pc) =	sbr.rel $0x88, $3  }
0x1: {  	(tag) =	ssettag $0x0;
	lr =	simm.s32 $0x1  }
0x2: {  	[smem:$0x3F9A] =	sst lr;
	_ =	strace $0xD0000000  }
0x3: {  	_ = 	snop  }
0x4: {  	_ = 	snop  }
0x5: {  	_ = 	snop  }
0x6: {  	_ = 	snop  }
0x7: {  	_ = 	snop  }
__scs_overlays_trampoline_lowered:
0x8: {  	[smem:$0x3FA9] =	sst s0  }
0x9: {  	[smem:$0x3FAA] =	sst s1  }
0xa: {  	[smem:$0x3FAB] =	sst s2  }
0xb: {  	[smem:$0x3FAC] =	sst s3  }
0xc: {  	[smem:$0x3FAD] =	sst s4  }
0xd: {  	[smem:$0x3FAE] =	sst s5  }
0xe: {  	[smem:$0x3FAF] =	sst s6  }
0xf: {  	[smem:$0x3FB0] =	sst s7  }
0x10: {  	[smem:$0x3FB1] =	sst s8  }
0x11: {  	[smem:$0x3FB2] =	sst s9;
	s0 =	simm.s32 @!p0 $0x0  }
0x12: {  	s1 =	sld [smem:$0x3F98];
	s0 =	simm.s32 @p0 $0x1  }
0x13: {  	[smem:$0x3FB3] =	sst s0;
	s0 =	simm.s32 @!p1 $0x0  }
0x14: {  	s2 =	sld [smem:$0x3F97];
	s0 =	simm.s32 @p1 $0x1  }
0x15: {  	[smem:$0x3FB4] =	sst s0;
	s0 =	simm.s32 @!p2 $0x0  }
0x16: {  	s3 =	sld [smem:$0x3FDB];
	s0 =	simm.s32 @p2 $0x1  }
0x17: {  	s4 =	simm.s32 $0x1BF5;
	[smem:$0x3FB6] =	sst s0  }
0x18: {  	s0 =	sld [smem:$0x3F99];
	_ =	swait.ge [sflag:s4], $0x0  }
0x19: {  	s7 =	sld [smem:$0x3F9A]  }
0x1a: {  	s8 =	sadd.s32 $0xFFFFE003, lr  }
0x1b: {  	s9 =	sadd.s32 $0xFFFFFEF7, lr;
	s5 =	simm.s32 $0xFFFFFFFF;
	p2 =	slt.u32 s8, $0xFFFFF086  }
0x1c: {  	p1 =	slt.u32 s9, $0xF7A;
	s5 =	simm.s32 @!p2 $0x0  }
0x1d: {  	s5 =	simm.s32 @p1 $0x1;
	p0 =	seq.s32 s7, s2  }
0x1e: {  	s7 =	smul.u32 @!p0 $0xF7A, s2;
	p2 =	seq.s32 @!p0 s5, $0x0  }
0x1f: {  	s9 =	smul.u32 $0xF7A, s1;
	s8 =	simm.s32 @!p0 $0x1BF5;
	p2 =	por !p2, p0  }
0x20: {  	[sflag:s8] =	ssyncset.s32 @!p0 $0xFFFFF086;
	s6 =	sadd.s32 @!p0 s3, s7;
	s7 =	simm.s32 @!p0 $0x108  }
0x21: {  	s3 =	sadd.s32 s3, s9;
	s6 =	sadd.s32 @!p0 $0x88, s6;
	s7 =	simm.s32 @p2 $0x1082  }
0x22: {  	[simem:s7], [sflag:s8] =	dma.local @!p0 [hbm:s6], $0xF7A  }
0x23: {  	s9 =	sor.u32 $0xD0000000, s2;
	s6 =	simm.s32 $0x108;
	_ =	swait.ge @!p0 [sflag:s8], $0x0  }
0x24: {  	s3 =	sadd.s32 $0x88, s3;
	s6 =	simm.s32 @!p1 $0x1082;
	[sflag:s4] =	ssyncset.s32 $0xFFFFF086  }
0x25: {  	[simem:s6], [sflag:s4] =	dma.local [hbm:s3], $0xF7A  }
0x26: {  	[smem:$0x3F9A] =	sst s1;
	(tag) =	ssettag s2;
	_ =	strace s9  }
0x27: {  	s1 =	sld [smem:$0x3FAA]  }
0x28: {  	s2 =	sld [smem:$0x3FAB]  }
0x29: {  	s4 =	sld [smem:$0x3FAD]  }
0x2a: {  	p0 =	seq.s32 s5, $0x0;
	s5 =	sld [smem:$0x3FAE]  }
0x2b: {  	s6 =	sld [smem:$0x3FAF]  }
0x2c: {  	s7 =	sld [smem:$0x3FB0]  }
0x2d: {  	s3 =	simm.s32 $0x108;
	s8 =	sld [smem:$0x3FB1]  }
0x2e: {  	s3 =	simm.s32 @!p0 $0x1082;
	s9 =	sld [smem:$0x3FB2]  }
0x2f: {  	lr =	sadd.s32 s0, s3;
	s0 =	sld [smem:$0x3FA9]  }
0x30: {  	s3 =	sld [smem:$0x3FAC]  }
0x31: {  	[smem:$0x3FB5] =	sst s10  }
0x32: {  	s10 =	sld [smem:$0x3FB3];
	_ =	sdelay $0x3  }
0x33: {  	p0 =	seq.s32 s10, $0x1;
	s10 =	sld [smem:$0x3FB5];
	_ =	sdelay $0x3  }
0x34: {  	[smem:$0x3FB5] =	sst s10  }
0x35: {  	s10 =	sld [smem:$0x3FB4];
	_ =	sdelay $0x3  }
0x36: {  	p1 =	seq.s32 s10, $0x1;
	s10 =	sld [smem:$0x3FB5];
	_ =	sdelay $0x3  }
0x37: {  	[smem:$0x3FB5] =	sst s10  }
0x38: {  	s10 =	sld [smem:$0x3FB6]  }
0x39: {  	_ = 	snop;
	(pc) =	sbr.ind lr, $3  }
0x3a: {  	_ = 	snop  }
0x3b: {  	_ = 	snop  }
0x3c: {  	p2 =	seq.s32 s10, $0x1;
	s10 =	sld [smem:$0x3FB5]  }
0x3d: {  	_ =	shalt  }
0x3e: {  	_ =	shalt  }
0x3f: {  	_ =	shalt  }
0x40: {  	_ =	shalt  }
0x41: {  	_ =	shalt  }
0x42: {  	_ =	shalt  }
0x43: {  	_ =	shalt  }
0x44: {  	_ =	shalt  }
0x45: {  	_ =	shalt  }
0x46: {  	_ =	shalt  }
0x47: {  	_ =	shalt  }
0x48: {  	_ =	shalt  }
0x49: {  	_ =	shalt  }
0x4a: {  	_ =	shalt  }
0x4b: {  	_ =	shalt  }
0x4c: {  	_ =	shalt  }
0x4d: {  	_ =	shalt  }
0x4e: {  	_ =	shalt  }
0x4f: {  	_ =	shalt  }
0x50: {  	_ =	shalt  }
0x51: {  	_ =	shalt  }
0x52: {  	_ =	shalt  }
0x53: {  	_ =	shalt  }
0x54: {  	_ =	shalt  }
0x55: {  	_ =	shalt  }
0x56: {  	_ =	shalt  }
0x57: {  	_ =	shalt  }
0x58: {  	_ =	shalt  }
0x59: {  	_ =	shalt  }
0x5a: {  	_ =	shalt  }
0x5b: {  	_ =	shalt  }
0x5c: {  	_ =	shalt  }
0x5d: {  	_ =	shalt  }
0x5e: {  	_ =	shalt  }
0x5f: {  	_ =	shalt  }
0x60: {  	_ =	shalt  }
0x61: {  	_ =	shalt  }
0x62: {  	_ =	shalt  }
0x63: {  	_ =	shalt  }
0x64: {  	_ =	shalt  }
0x65: {  	_ =	shalt  }
0x66: {  	_ =	shalt  }
0x67: {  	_ =	shalt  }
0x68: {  	_ =	shalt  }
0x69: {  	_ =	shalt  }
0x6a: {  	_ =	shalt  }
0x6b: {  	_ =	shalt  }
0x6c: {  	_ =	shalt  }
0x6d: {  	_ =	shalt  }
0x6e: {  	_ =	shalt  }
0x6f: {  	_ =	shalt  }
0x70: {  	_ =	shalt  }
0x71: {  	_ =	shalt  }
0x72: {  	_ =	shalt  }
0x73: {  	_ =	shalt  }
0x74: {  	_ =	shalt  }
0x75: {  	_ =	shalt  }
0x76: {  	_ =	shalt  }
0x77: {  	_ =	shalt  }
0x78: {  	_ =	shalt  }
0x79: {  	_ =	shalt  }
0x7a: {  	_ =	shalt  }
0x7b: {  	_ =	shalt  }
0x7c: {  	_ =	shalt  }
0x7d: {  	_ =	shalt  }
0x7e: {  	_ =	shalt  }
0x7f: {  	_ =	shalt  }
0x80: {  	_ =	shalt  }
0x81: {  	_ =	shalt  }
0x82: {  	_ =	shalt  }
0x83: {  	_ =	shalt  }
0x84: {  	_ =	shalt  }
0x85: {  	_ =	shalt  }
0x86: {  	_ =	shalt  }
0x87: {  	_ =	shalt  }
.Lfunc_end0:
.L_simem_size_0:
called_computation_lowered:
.L_overlay_start_0:
0x88: {  	s2 =	sld [smem:$0x3FD9]  }
0x89: {  	s3 =	sld [smem:$0x3FFE];
	_ =	sdelay $0x1  }
0x8a: {  	s1 =	srdreg.scid  }
0x8b: {  	s0 =	sand.u32 $0x1, s1  }
0x8c: {  	s14 =	sshll.u32 s0, $0xA;
	s2 =	sadd.s32 s3, s2  }
0x8d: {  	s2 =	sadd.s32 s2, s14  }
0x8e: {  	[smem:$0x3FC1] =	sst s2  }
0x8f: {  	_ = 	snop  }
0x90: {  	s2 =	sld [smem:$0x3FD0];
	_ =	sdelay $0x2  }
0x91: {  	s4 =	simm.s32 $0xB;
	s5 =	simm.s32 $0x10;
	s15 =	sld [smem:$0x3FC8]  }
0x92: {  	[smem:s5], [sflag:s4] =	dma.local [hbm:s2], $0x1  }
0x93: {  	_ =	swait.eq [sflag:s4], $0x1  }
0x94: {  	[sflag:s4] =	ssyncset.done $0x0  }
0x95: {  	[sflag:s4] =	ssyncadd.s32 $0xFFFFFFFF  }
0x96: {  	s16 =	sld [smem:$0x11];
	(tm) =	ssettm $0x1  }
0x97: {  	s17 =	sld [smem:$0x3FFB];
	_ =	sdelay $0x3  }
0x98: {  	_ =	strace s17  }
0x99: {  	s4 =	sld [smem:$0x3FFC];
	_ =	sdelay $0x3  }
0x9a: {  	_ =	strace s4  }
0x9b: {  	s4 =	sld [smem:$0x3FFD];
	_ =	sdelay $0x3  }
0x9c: {  	_ =	strace s4  }
0x9d: {  	_ =	strace $0x8FFFFFFF  }
0x9e: {  	s18 =	sld [smem:$0x3FDB];
	_ =	sdelay $0x1  }
0x9f: {  	s19 =	simm.s32 $_scs_section_size  }
0xa0: {  	s6 =	simm.s32 $_size__tile_overlayer_lowered;
	s7 =	simm.s32 $_tile_overlayer_lowered  }
0xa1: {  	s22 =	simm.s32 $0x1BFF;
	s21 =	sshll.u32 s7, $0x1;
	s4 =	sadd.s32 s19, s18  }
0xa2: {  	s8 =	simm.s32 $0x0;
	s20 =	sshll.u32 s6, $0x1;
	s6 =	sadd.s32 s21, s4  }
0xa3: {  	[timem:s8], [sflag:s22] =	dma.local [hbm:s6], s20  }
0xa4: {  	_ =	swait.ge [sflag:s22], s20  }
0xa5: {  	s5 =	ssub.s32 $0x0, s20;
	[sflag:s22] =	ssyncset.done $0x0  }
0xa6: {  	[sflag:s22] =	ssyncadd.s32 s5;
	_ =	sdelay $0x1  }
0xa7: {  	s23 =	simm.s32 $0x1B8B  }
0xa8: {  	_ =	swait.ge [sflag:s23], $0x1  }
0xa9: {  	[sflag:s23] =	ssyncset.done $0x0  }
0xaa: {  	s25 =	simm.s32 $0x1B8E;
	s24 =	sld [smem:$0x3FFE];
	[sflag:s23] =	ssyncadd.s32 $0xFFFFFFFF  }
0xab: {  	s26 =	simm.s32 $execute0_lowered;
	[smem:$0x3FD2] =	sst s25  }
0xac: {  	s6 =	sshll.u32 s26, $0x1;
	_ =	strace $0x80000046;
	[dreg:$0x1] =	wrdreg $0xFFFFFFFF  }
0xad: {  	s28 =	simm.s32 $_size_execute0_lowered;
	s4 =	sadd.s32 s4, s6;
	[dreg:$0x0] =	wrdreg $0x0  }
0xae: {  	s6 =	sshll.u32 s28, $0x1;
	[dreg:$0x2] =	wrdreg s4  }
0xaf: {  	[dreg:$0x3] =	wrdreg s6  }
0xb0: {  	[dreg:$0x4] =	wrdreg $0xC0  }
0xb1: {  	_ =	task [dreg:s8], $0x5FFFF  }
0xb2: {  	[dreg:$0x1] =	wrdreg $0xFFFFFFFF  }
0xb3: {  	[dreg:$0x0] =	wrdreg $0x60  }
0xb4: {  	[dreg:$0x2] =	wrdreg s15  }
0xb5: {  	[dreg:$0x3] =	wrdreg s24  }
0xb6: {  	[dreg:$0x4] =	wrdreg s16  }
0xb7: {  	[dreg:$0x5] =	wrdreg $0x9  }
0xb8: {  	_ =	task.clear_ibuf [dreg:s8], $0x6FFFF;
	_ =	strace $0x90000046  }
0xb9: {  	s29 =	simm.s32 $0x9;
	_ =	strace $0x80000048  }
0xba: {  	_ =	swait.ge [sflag:s29], $0x1  }
0xbb: {  	[sflag:s29] =	ssyncadd.s32 $0xFFFFFFFF  }
0xbc: {  	_ =	strace $0x90000048  }
0xbd: {  	_ =	sfence  }
0xbe: {  	s30 =	sld [smem:$0x0];
	_ =	sdelay $0x2  }
0xbf: {  	s31 =	sshll.u32 s1, $0xD;
	s1 =	sshrl.u32 s1, $0x2  }
0xc0: {  	s3 =	sand.u32 $0x4000, s31;
	s1 =	sadd.s32 s1, s30  }
0xc1: {  	s0 =	sor.u32 s3, s0;
	s1 =	sshll.u32 s1, $0x11  }
0xc2: {  	s0 =	sor.u32 s1, s0  }
0xc3: {  	s0 =	sadd.s32 $0x8F2B, s0  }
0xc4: {  	[sflag:s0] =	ssyncadd.remote.s32 $0x1  }
0xc5: {  	_ =	sfence.sel $0xFFFF  }
0xc6: {  	[dreg:$0x0] =	wrdreg $0xFFFFFFFF;
	(pc) =	sbr.abs _section_cstart, $3  }
0xc7: {  	[dreg:$0x1] =	wrdreg $0xFFFFFFFF  }
0xc8: {  	_ =	task.clear_ibuf [dreg:s8], $0x2FFFF;
	_ =	strace $0x9FFFFFFF  }
0xc9: {  	(tm) =	ssettm $0x7FFFFFFF  }
tec
execute0_lowered:
.L_overlay_start_1:
0x0: {  	(tag) =	ssettag $0x1  }
0x1: {  	s2 =	srdreg.scid  }
0x2: {  	s1 =	rddreg [dreg:$0x0];
	s0 =	stileid.u32;
	s6 =	sand.u32 $0x1, s2  }
0x3: {  	s4 =	rddreg [dreg:$0x1];
	s30 =	sshll.u32 s0, $0x8;
	s3 =	sshll.u32 s6, $0x7  }
0x4: {  	s8 =	rddreg [dreg:$0x2];
	s9 =	sor.u32 s3, s30  }
0x5: {  	s2 =	rddreg [dreg:$0x3];
	s3 =	simm.s32 $0x0;
	s5 =	sshrl.u32 s9, $0x3  }
0x6: {  	s10 =	ssub.s32 $0x2, s6;
	[smem:$0x7FF] =	sst s3;
	s4 =	sadd.s32 s5, s4  }
0x7: {  	_ =	strace $0x80000047;
	s5 =	sadd.s32 $0x2800, s4;
	s4 =	simm.s32 $0x2  }
0x8: {  	[tilespmem:s3], [sflag:$0x2] =	stream.linear.gather [hbm4b:s5+s3], $0x80, $0x38;
	[tilespmem:$0x4080] =	vst v63  }
0x9: {  	s11 =	sshrl.u32 s10, $0x1;
	_ =	swait.ge [sflag:s4], $0x80  }
0xa: {  	s7 =	simm.s32 $0x1;
	s10 =	ssub.s32 s10, s11;
	[sflag:s4] =	ssyncset.done $0x0  }
0xb: {  	s6 =	simm.s32 $0x80;
	s31 =	smax.u32 s10, $0x1;
	[sflag:s4] =	ssyncadd.s32 $0xFFFFFF80  }
0xc: {  	[tilespmem:s6], [sflag:$0x1] =	stream.indirect.gather [hbm4b:s1+s6], $0x80, s3, s6, $0xb8;
	[tilespmem:$0x4080] =	vst v63  }
0xd: {  	p0 =	sne.s32 s31, $0x1;
	_ =	swait.ge [sflag:s7], $0x4000  }
.Ltmp0:
0xe: {  	s9 =	sshll.u32 s9, $0x4;
	[sflag:s7] =	ssyncset.done $0x0;
	(pc) =	sbr.rel @!p0 .LBB2_2-.Ltmp0, $4  }
0xf: {  	s8 =	sadd.s32 s8, s9;
	[sflag:s7] =	ssyncadd.s32 $0xFFFFC000  }
0x10: {  	[hbm4b:s8+s3] =	stream.linear.scatter [tilespmem:s6], [sflag:$0x2], $0x4000, $0x38;
	[tilespmem:$0x4080] =	vst v63  }
0x11: {  	_ =	swait.ge [sflag:s4], $0x4000  }
0x12: {  	s9 =	sadd.s32 $0xFFFFFFFF, s31;
	[sflag:s4] =	ssyncset.done $0x0  }
.LBB2_1:
0x13: {  	p0 =	sne.s32 s9, $0x1;
	s9 =	sadd.s32 $0xFFFFFFFF, s9;
	[sflag:s4] =	ssyncadd.s32 $0xFFFFC000  }
0x14: {  	[tilespmem:s3], [sflag:$0x2] =	stream.linear.gather [hbm4b:s5+s3], $0x80, $0x38;
	[tilespmem:$0x4080] =	vst v63  }
0x15: {  	_ =	swait.ge [sflag:s4], $0x80  }
0x16: {  	[sflag:s4] =	ssyncset.done $0x0  }
0x17: {  	[sflag:s4] =	ssyncadd.s32 $0xFFFFFF80  }
0x18: {  	[tilespmem:s6], [sflag:$0x1] =	stream.indirect.gather [hbm4b:s1+s6], $0x80, s3, s6, $0xb8;
	[tilespmem:$0x4080] =	vst v63  }
0x19: {  	_ =	swait.ge [sflag:s7], $0x4000  }
.Ltmp1:
0x1a: {  	[sflag:s7] =	ssyncset.done $0x0;
	(pc) =	sbr.rel @p0 .LBB2_1-.Ltmp1, $4  }
0x1b: {  	[sflag:s7] =	ssyncadd.s32 $0xFFFFC000  }
0x1c: {  	[hbm4b:s8+s3] =	stream.linear.scatter [tilespmem:s6], [sflag:$0x2], $0x4000, $0x38;
	[tilespmem:$0x4080] =	vst v63  }
0x1d: {  	_ =	swait.ge [sflag:s4], $0x4000  }
0x1e: {  	[sflag:s4] =	ssyncset.done $0x0  }
.LBB2_2:
0x1f: {  	[sflag:s4] =	ssyncadd.s32 $0xFFFFC000  }
0x20: {  	_ =	sfence.sel $0x180000  }
0x21: {  	[bflag:$0x0] =	sbarrier.arrive $0xFFFF  }
0x22: {  	p0 =	sne.s32 s0, $0x0;
	_ =	strace $0x90000047  }
0x23: {  	s0 =	sadd.s32 @!p0 $0x100000, s2;
	[bflag:$0x2] =	sbarrier.arrive $0xFFFF  }
0x24: {  	[sflag:s0] =	ssyncadd.tile.s32 @!p0 $0x1;
	_ =	shalt  }
.Lfunc_end2:
_tile_overlayer_lowered:
.L_overlay_start_2:
0x25: {  	(tag) =	ssettag $0x2  }
0x26: {  	s0 =	rddreg [dreg:$0x0];
	s2 =	stileid.u32  }
0x27: {  	s1 =	rddreg [dreg:$0x1];
	p0 =	sne.s32 s2, $0x0  }
0x28: {  	s3 =	rddreg [dreg:$0x2];
	[bflag:$0x3] =	sbarrier.arrive $0xFFFF;
	s2 =	simm.s32 @!p0 $0x1C02  }
0x29: {  	[timem:s3], [sflag:s2] =	dma.local @!p0 [hbm:s0], s1  }
0x2a: {  	s0 =	simm.s32 @!p0 $0x2  }
0x2b: {  	_ =	swait.ge @!p0 [sflag:s0], s1  }
0x2c: {  	s1 =	ssub.s32 @!p0 $0x0, s1;
	[sflag:s0] =	ssyncset.done @!p0 $0x0  }
0x2d: {  	[sflag:s0] =	ssyncadd.s32 @!p0 s1  }
0x2e: {  	[bflag:$0x3] =	sbarrier.arrive $0xFFFF  }
0x2f: {  	_ =	shalt  }

</sc_bundles>
